<compile_context>
chip_gen: v7x
topology: tpu7x:2x2x1
jax: 0.10.2.dev20260603
libtpu: 0.0.44.dev20260713+nightly
codegen_flags: <defaults>
</compile_context>

<pallas_src>
import functools

import jax
import jax.numpy as jnp
from jax import lax
from jax.experimental import pallas as pl
from jax.experimental.pallas import tpu as pltpu
from jax.experimental.pallas import tpu_sc as plsc

NC = 2
NS = 16
NW = NC * NS
LANES = 16

N_HINTS = 50000
PW = 3
EPG = 8
GW = EPG * PW
AW = 4
C = 1568
K = 1024
GSUB = 128
DUMP = C
SENTINEL = 1 << 30


def _permute(x, idx):
    return lax.gather(
        x,
        idx[:, None],
        lax.GatherDimensionNumbers(
            offset_dims=(), collapsed_slice_dims=(0,), start_index_map=(0,)
        ),
        (1,),
        mode=lax.GatherScatterMode.PROMISE_IN_BOUNDS,
    )


def _sc_segment_xor(n_entries, m_search_hi):
    mesh = plsc.VectorSubcoreMesh(core_axis_name="c", subcore_axis_name="s")
    n_groups = n_entries // EPG

    @functools.partial(
        pl.kernel,
        out_type=jax.ShapeDtypeStruct((NW * C * AW,), jnp.int32),
        mesh=mesh,
        scratch_types=[
            pltpu.VMEM_SHARED((n_groups, GW), jnp.int32),
            pltpu.VMEM((K,), jnp.int32),
            pltpu.VMEM((K,), jnp.int32),
            pltpu.VMEM((K,), jnp.int32),
            pltpu.VMEM((K + 8, GW), jnp.int32),
            pltpu.VMEM(((C + 8) * AW,), jnp.int32),
            pltpu.VMEM((LANES,), jnp.int32),
            pltpu.SemaphoreType.DMA,
        ],
        compiler_params=pltpu.CompilerParams(
            use_tc_tiling_on_sc=False, needs_layout_passes=False
        ),
    )
    def body(ent_hbm, ei_hbm, hid_hbm, out_hbm,
             ent_sp, idx_v, qix_v, hid_v, rows_v, acc, probe, sem):
        i32 = jnp.int32
        cid = lax.axis_index("c")
        sid = lax.axis_index("s")
        wid = sid * i32(NC) + cid
        lo_id = wid * i32(C)
        hi_id = lo_id + i32(C)

        @pl.when(sid < i32(15))
        def _stage_main():
            pltpu.sync_copy(
                ent_hbm.at[pl.ds(sid * i32(3906), 3906), :],
                ent_sp.at[pl.ds(sid * i32(3906), 3906), :],
            )

        @pl.when(sid == i32(15))
        def _stage_tail():
            pltpu.sync_copy(
                ent_hbm.at[pl.ds(15 * 3906, n_groups - 15 * 3906), :],
                ent_sp.at[pl.ds(15 * 3906, n_groups - 15 * 3906), :],
            )

        plsc.subcore_barrier()

        iota = lax.broadcasted_iota(jnp.int32, (LANES,), 0)
        qrow3 = iota // i32(3)
        col3 = iota - qrow3 * i32(3)
        rot3 = (iota + i32(3)) & i32(15)
        rot6 = (iota + i32(6)) & i32(15)
        cola = iota & i32(AW - 1)
        mask4 = iota < i32(AW)
        zero = jnp.zeros((LANES,), jnp.int32)

        def zero_body(i, _):
            acc[pl.ds(i * i32(LANES), LANES)] = zero
            return i32(0)

        lax.fori_loop(i32(0), i32((C + 8) * AW // LANES), zero_body, i32(0))

        def bsearch(target):
            def sbody(_, carry):
                lo, hi = carry
                mid = pl.multiple_of(((lo + hi) >> i32(1)) & i32(~15), 16)
                pltpu.sync_copy(hid_hbm.at[pl.ds(mid, LANES)], probe)
                v = probe[:][0]
                pred = v < target
                lo2 = jnp.where(pred, mid, lo)
                hi2 = jnp.where(pred, hi, mid)
                done = (hi - lo) <= i32(16)
                return (jnp.where(done, lo, lo2), jnp.where(done, hi, hi2))

            lo, hi = lax.fori_loop(
                i32(0), i32(18), sbody, (i32(0), i32(m_search_hi))
            )
            return lo, hi

        start, _ = bsearch(lo_id)
        _, end = bsearch(hi_id)

        nchunks = (end - start + i32(K - 1)) // i32(K)

        def acc_rmw(slot, x):
            fidx = zero + slot * i32(AW) + cola
            a = plsc.load_gather(acc, [fidx])
            plsc.store_scatter(acc, [fidx], a ^ x, mask=mask4)

        def chunk_body(ci, _):
            base = pl.multiple_of(start + ci * i32(K), 16)
            pltpu.sync_copy(ei_hbm.at[pl.ds(base, K)], idx_v)
            pltpu.sync_copy(hid_hbm.at[pl.ds(base, K)], hid_v)

            def qix_body(i, _):
                j = i * i32(LANES)
                qix_v[pl.ds(j, LANES)] = idx_v[pl.ds(j, LANES)] >> i32(3)
                return i32(0)

            lax.fori_loop(i32(0), i32(K // LANES), qix_body, i32(0))

            copies = []
            for g in range(K // GSUB):
                copies.append(
                    pltpu.async_copy(
                        ent_sp.at[qix_v.at[pl.ds(g * GSUB, GSUB)]],
                        rows_v.at[pl.ds(g * GSUB, GSUB), :],
                        sem,
                    )
                )
            for cp in copies:
                cp.wait()

            def group_body(g, _):
                j0 = g * i32(LANES)
                ids = hid_v[pl.ds(j0, LANES)]
                off = (idx_v[pl.ds(j0, LANES)] & i32(7)) * i32(PW)

                def slot_of(h):
                    valid = (h >= lo_id) & (h < hi_id)
                    return jnp.where(valid, h - lo_id, jnp.int32(DUMP))

                def fast(_):
                    x = zero
                    for q in range(4):
                        rsel = (i32(4 * q) + qrow3) & i32(15)
                        col = _permute(off, rsel) + col3
                        x = x ^ plsc.load_gather(
                            rows_v, [(j0 + i32(4 * q)) + qrow3, col]
                        )
                    x = x ^ _permute(x, rot3)
                    x = x ^ _permute(x, rot6)
                    acc_rmw(slot_of(ids[0]), x)
                    return i32(0)

                def slow(_):
                    for t in range(LANES):
                        col = _permute(off, zero + i32(t)) + col3
                        r = plsc.load_gather(
                            rows_v, [zero + (j0 + i32(t)), col]
                        )
                        acc_rmw(slot_of(ids[t]), r)
                    return i32(0)

                lax.cond(ids[0] == ids[LANES - 1], fast, slow, i32(0))
                return i32(0)

            lax.fori_loop(i32(0), i32(K // LANES), group_body, i32(0))
            return i32(0)

        lax.fori_loop(i32(0), nchunks, chunk_body, i32(0))

        pltpu.sync_copy(
            acc.at[pl.ds(0, C * AW)],
            out_hbm.at[pl.ds(lo_id * i32(AW), C * AW)],
        )

    return body


def kernel(entries, entry_indices, hint_ids, num_hints):
    m = entry_indices.shape[0]
    mc = ((m + K - 1) // K) * K
    length = mc + K

    e = entries.astype(jnp.int32)
    ent_packed = jnp.stack(
        [e[:, 0] | (e[:, 1] << 16), e[:, 2] | (e[:, 3] << 16), e[:, 4]],
        axis=1,
    ).reshape(entries.shape[0] // EPG, GW)
    ei32 = jnp.zeros((length,), jnp.int32).at[:m].set(entry_indices.astype(jnp.int32))
    hid32 = (
        jnp.full((length,), SENTINEL, jnp.int32)
        .at[:m]
        .set(hint_ids.astype(jnp.int32))
    )

    out = _sc_segment_xor(entries.shape[0], mc)(ent_packed, ei32, hid32)
    out = out.reshape(NW * C, AW)[:N_HINTS]
    parities = jnp.stack(
        [
            out[:, 0] & 0xFFFF,
            (out[:, 0] >> 16) & 0xFFFF,
            out[:, 1] & 0xFFFF,
            (out[:, 1] >> 16) & 0xFFFF,
            out[:, 2] & 0xFFFF,
        ],
        axis=1,
    )
    return parities.astype(entries.dtype)

# --- scband reference (transcript-rebuilt; emitter-appended) ---
"""Pipeline reference for scband-hint-gen-kernel-vectorized-8057358647763 (READ-ONLY COPY).

The authoritative reference and input builder live on the scoring server;
editing this copy changes nothing except your own understanding.
"""

import jax, jax.numpy as jnp
import numpy as np

jax.config.update("jax_enable_x64", True)

NUM_ENTRIES = 500000
M = 1600000
NUM_HINTS = 50000
VAL_BITS = 16


def setup_inputs(seed: int = 0) -> dict:
    key = jax.random.key(seed)
    k1, k2, k3 = jax.random.split(key, 3)
    entries = jax.random.randint(k1, (NUM_ENTRIES, 5), 0, 2 ** VAL_BITS, dtype=jnp.int64)
    entry_indices = jax.random.randint(k2, (M,), 0, NUM_ENTRIES, dtype=jnp.int64)
    hint_ids = jnp.sort(jax.random.randint(k3, (M,), 0, NUM_HINTS, dtype=jnp.int64))
    return {
        "entries": entries,
        "entry_indices": entry_indices,
        "hint_ids": hint_ids,
        "num_hints": NUM_HINTS,
    }


def reference(entries, entry_indices, hint_ids, num_hints):
    # gathered = entries[entry_indices]
    gathered = jnp.take(entries, entry_indices, axis=0)  # [M, 5]
    # Segment XOR: XOR is per-bit parity (sum mod 2). Decompose into bit
    # planes, segment_sum each plane, take parity, and repack. This is the
    # exact mathematical equivalent of the torch per-row parities[hint_id] ^= row loop.
    num_hints_term = jnp.asarray(num_hints, dtype=gathered.dtype) * 0
    parities = jnp.zeros((NUM_HINTS, gathered.shape[1]), dtype=gathered.dtype) | num_hints_term
    for b in range(VAL_BITS):
        bit = (gathered >> b) & 1  # [M, 5]
        s = jax.ops.segment_sum(bit, hint_ids, num_segments=NUM_HINTS)  # [num_hints, 5]
        parities = parities | ((s & 1) << b)
    return parities

if __name__ == "__main__":
    import jax
    _d = setup_inputs()
    print(jax.jit(kernel)(*tuple(_d.values())))

</pallas_src>

<mosaic_0001>
#map = affine_map<(d0, d1) -> (0, 0)>
#map1 = affine_map<(d0, d1) -> (0)>
module attributes {stable_mosaic.version = 14 : i64} {
  func.func @body(%arg0: i32, %arg1: i32, %arg2: memref<62500x24xi32, #tpu.memory_space<hbm>>, %arg3: memref<1601536xi32, #tpu.memory_space<hbm>>, %arg4: memref<1601536xi32, #tpu.memory_space<hbm>>, %arg5: memref<200704xi32, #tpu.memory_space<hbm>>, %arg6: memref<62500x24xi32, #tpu.memory_space<vmem_shared>>, %arg7: memref<1024xi32, #tpu.memory_space<vmem>>, %arg8: memref<1024xi32, #tpu.memory_space<vmem>>, %arg9: memref<1024xi32, #tpu.memory_space<vmem>>, %arg10: memref<1032x24xi32, #tpu.memory_space<vmem>>, %arg11: memref<6304xi32, #tpu.memory_space<vmem>>, %arg12: memref<16xi32, #tpu.memory_space<vmem>>, %arg13: memref<!tpu.dma_semaphore, #tpu.memory_space<semaphore_mem>>) attributes {dimension_semantics = [#tpu.dimension_semantics<core_parallel>, #tpu.dimension_semantics<subcore_parallel>], iteration_bounds = array<i64: 2, 16>, scalar_prefetch = 0 : i64, scratch_operands = 8 : i64, tpu.core_type = #tpu.core_type<sc_vector_subcore>, window_params = [{transform_indices = #map}, {transform_indices = #map1}, {transform_indices = #map1}, {transform_indices = #map1}]} {
    %mul3A = arith.constant 2 : i32
    %mul3A_0 = arith.muli %arg1, %mul3A : i32
    %add3A = arith.addi %mul3A_0, %arg0 : i32
    %mul3A_1 = arith.constant 1568 : i32
    %mul3A_2 = arith.muli %add3A, %mul3A_1 : i32
    %add3A_3 = arith.constant 1568 : i32
    %add3A_4 = arith.addi %mul3A_2, %add3A_3 : i32
    %lt3A = arith.constant 15 : i32
    %lt3A_5 = arith.cmpi slt, %arg1, %lt3A : i32
    %convert_element_type3A = arith.extui %lt3A_5 : i1 to i32
    %cond3A = arith.constant 0 : i32
    %cond3A_6 = arith.cmpi ne, %convert_element_type3A, %cond3A : i32
    scf.if %cond3A_6 {
      %mul3A_138 = arith.constant 3906 : i32
      %mul3A_139 = arith.muli %arg1, %mul3A_138 : i32
      %mul3A_140 = arith.constant 3906 : i32
      %mul3A_141 = arith.muli %arg1, %mul3A_140 : i32
      "tpu.region"() ({
        %run_scoped3A = tpu.sem_alloc : memref<!tpu.dma_semaphore, #tpu.memory_space<semaphore_mem>>
        %dma_start3A = arith.constant 0 : i32
        %dma_start3A_142 = tpu.memref_slice %arg6[%mul3A_141, %dma_start3A] : memref<62500x24xi32, #tpu.memory_space<vmem_shared>> -> memref<3906x24xi32, #tpu.memory_space<vmem_shared>>
        %dma_start3A_143 = arith.constant 0 : i32
        %dma_start3A_144 = tpu.memref_slice %arg2[%mul3A_139, %dma_start3A_143] : memref<62500x24xi32, #tpu.memory_space<hbm>> -> memref<3906x24xi32, #tpu.memory_space<hbm>>
        tpu.enqueue_dma source(%dma_start3A_144 : memref<3906x24xi32, #tpu.memory_space<hbm>>) target(%dma_start3A_142 : memref<3906x24xi32, #tpu.memory_space<vmem_shared>>) target_semaphore(%run_scoped3A : memref<!tpu.dma_semaphore, #tpu.memory_space<semaphore_mem>>)
        %dma_wait3A = arith.constant 0 : i32
        %dma_wait3A_145 = tpu.memref_slice %arg6[%mul3A_141, %dma_wait3A] : memref<62500x24xi32, #tpu.memory_space<vmem_shared>> -> memref<3906x24xi32, #tpu.memory_space<vmem_shared>>
        %dma_wait3A_146 = arith.constant 0 : i32
        %dma_wait3A_147 = tpu.memref_slice %arg2[%mul3A_139, %dma_wait3A_146] : memref<62500x24xi32, #tpu.memory_space<hbm>> -> memref<3906x24xi32, #tpu.memory_space<hbm>>
        tpu.wait_dma2 semaphore(%run_scoped3A : memref<!tpu.dma_semaphore, #tpu.memory_space<semaphore_mem>>) src(%dma_wait3A_147 : memref<3906x24xi32, #tpu.memory_space<hbm>>) dst(%dma_wait3A_145 : memref<3906x24xi32, #tpu.memory_space<vmem_shared>>)
        tpu.yield
      }) : () -> ()
    } else {
    }
    %eq3A = arith.constant 15 : i32
    %eq3A_7 = arith.cmpi eq, %arg1, %eq3A : i32
    %convert_element_type3A_8 = arith.extui %eq3A_7 : i1 to i32
    %cond3A_9 = arith.constant 0 : i32
    %cond3A_10 = arith.cmpi ne, %convert_element_type3A_8, %cond3A_9 : i32
    scf.if %cond3A_10 {
      "tpu.region"() ({
        %run_scoped3A = tpu.sem_alloc : memref<!tpu.dma_semaphore, #tpu.memory_space<semaphore_mem>>
        %dma_start3A = arith.constant 58590 : i32
        %dma_start3A_138 = arith.constant 0 : i32
        %dma_start3A_139 = tpu.memref_slice %arg6[%dma_start3A, %dma_start3A_138] : memref<62500x24xi32, #tpu.memory_space<vmem_shared>> -> memref<3910x24xi32, #tpu.memory_space<vmem_shared>>
        %dma_start3A_140 = arith.constant 58590 : i32
        %dma_start3A_141 = arith.constant 0 : i32
        %dma_start3A_142 = tpu.memref_slice %arg2[%dma_start3A_140, %dma_start3A_141] : memref<62500x24xi32, #tpu.memory_space<hbm>> -> memref<3910x24xi32, #tpu.memory_space<hbm>>
        tpu.enqueue_dma source(%dma_start3A_142 : memref<3910x24xi32, #tpu.memory_space<hbm>>) target(%dma_start3A_139 : memref<3910x24xi32, #tpu.memory_space<vmem_shared>>) target_semaphore(%run_scoped3A : memref<!tpu.dma_semaphore, #tpu.memory_space<semaphore_mem>>)
        %dma_wait3A = arith.constant 58590 : i32
        %dma_wait3A_143 = arith.constant 0 : i32
        %dma_wait3A_144 = tpu.memref_slice %arg6[%dma_wait3A, %dma_wait3A_143] : memref<62500x24xi32, #tpu.memory_space<vmem_shared>> -> memref<3910x24xi32, #tpu.memory_space<vmem_shared>>
        %dma_wait3A_145 = arith.constant 58590 : i32
        %dma_wait3A_146 = arith.constant 0 : i32
        %dma_wait3A_147 = tpu.memref_slice %arg2[%dma_wait3A_145, %dma_wait3A_146] : memref<62500x24xi32, #tpu.memory_space<hbm>> -> memref<3910x24xi32, #tpu.memory_space<hbm>>
        tpu.wait_dma2 semaphore(%run_scoped3A : memref<!tpu.dma_semaphore, #tpu.memory_space<semaphore_mem>>) src(%dma_wait3A_147 : memref<3910x24xi32, #tpu.memory_space<hbm>>) dst(%dma_wait3A_144 : memref<3910x24xi32, #tpu.memory_space<vmem_shared>>)
        tpu.yield
      }) : () -> ()
    } else {
    }
    %barrier3A = arith.constant 0 : index
    tpu.barrier barrier_id(%barrier3A)
    %iota3A = tpu.iota {dimensions = array<i32: 0>} : vector<16xi32>
    %jit3A = arith.constant 3 : i32
    %div3A = vector.broadcast %jit3A : i32 to vector<16xi32>
    %div3A_11 = arith.divsi %iota3A, %div3A : vector<16xi32>
    %sign3A = arith.constant 0 : i32
    %sign3A_12 = vector.broadcast %sign3A : i32 to vector<16xi32>
    %sign3A_13 = arith.cmpi sgt, %iota3A, %sign3A_12 : vector<16xi32>
    %sign3A_14 = arith.extui %sign3A_13 : vector<16xi1> to vector<16xi32>
    %sign3A_15 = arith.constant 0 : i32
    %sign3A_16 = vector.broadcast %sign3A_15 : i32 to vector<16xi32>
    %sign3A_17 = arith.cmpi slt, %iota3A, %sign3A_16 : vector<16xi32>
    %sign3A_18 = arith.extui %sign3A_17 : vector<16xi1> to vector<16xi32>
    %sign3A_19 = arith.subi %sign3A_14, %sign3A_18 : vector<16xi32>
    %sign3A_20 = arith.constant 0 : i32
    %sign3A_21 = arith.cmpi sgt, %jit3A, %sign3A_20 : i32
    %sign3A_22 = arith.extui %sign3A_21 : i1 to i32
    %sign3A_23 = arith.constant 0 : i32
    %sign3A_24 = arith.cmpi slt, %jit3A, %sign3A_23 : i32
    %sign3A_25 = arith.extui %sign3A_24 : i1 to i32
    %sign3A_26 = arith.subi %sign3A_22, %sign3A_25 : i32
    %ne3A = vector.broadcast %sign3A_26 : i32 to vector<16xi32>
    %ne3A_27 = arith.cmpi ne, %sign3A_19, %ne3A : vector<16xi32>
    %rem3A = vector.broadcast %jit3A : i32 to vector<16xi32>
    %rem3A_28 = arith.remsi %iota3A, %rem3A : vector<16xi32>
    %ne3A_29 = arith.constant 0 : i32
    %ne3A_30 = vector.broadcast %ne3A_29 : i32 to vector<16xi32>
    %ne3A_31 = arith.cmpi ne, %rem3A_28, %ne3A_30 : vector<16xi32>
    %and3A = arith.andi %ne3A_27, %ne3A_31 : vector<16xi1>
    %sub3A = arith.constant 1 : i32
    %sub3A_32 = vector.broadcast %sub3A : i32 to vector<16xi32>
    %sub3A_33 = arith.subi %div3A_11, %sub3A_32 : vector<16xi32>
    %select_n3A = arith.select %and3A, %sub3A_33, %div3A_11 : vector<16xi1>, vector<16xi32>
    %mul3A_34 = arith.constant 3 : i32
    %mul3A_35 = vector.broadcast %mul3A_34 : i32 to vector<16xi32>
    %mul3A_36 = arith.muli %select_n3A, %mul3A_35 : vector<16xi32>
    %sub3A_37 = arith.subi %iota3A, %mul3A_36 : vector<16xi32>
    %add3A_38 = arith.constant 3 : i32
    %add3A_39 = vector.broadcast %add3A_38 : i32 to vector<16xi32>
    %add3A_40 = arith.addi %iota3A, %add3A_39 : vector<16xi32>
    %and3A_41 = arith.constant 15 : i32
    %and3A_42 = vector.broadcast %and3A_41 : i32 to vector<16xi32>
    %and3A_43 = arith.andi %add3A_40, %and3A_42 : vector<16xi32>
    %add3A_44 = arith.constant 6 : i32
    %add3A_45 = vector.broadcast %add3A_44 : i32 to vector<16xi32>
    %add3A_46 = arith.addi %iota3A, %add3A_45 : vector<16xi32>
    %and3A_47 = arith.constant 15 : i32
    %and3A_48 = vector.broadcast %and3A_47 : i32 to vector<16xi32>
    %and3A_49 = arith.andi %add3A_46, %and3A_48 : vector<16xi32>
    %and3A_50 = arith.constant 3 : i32
    %and3A_51 = vector.broadcast %and3A_50 : i32 to vector<16xi32>
    %and3A_52 = arith.andi %iota3A, %and3A_51 : vector<16xi32>
    %lt3A_53 = arith.constant 4 : i32
    %lt3A_54 = vector.broadcast %lt3A_53 : i32 to vector<16xi32>
    %lt3A_55 = arith.cmpi slt, %iota3A, %lt3A_54 : vector<16xi32>
    %broadcast_in_dim3A = arith.constant 0 : i32
    %broadcast_in_dim3A_56 = vector.broadcast %broadcast_in_dim3A : i32 to vector<16xi32>
    %while3A = arith.constant 0 : i32
    %while3A_57 = arith.constant 394 : i32
    %while3A_58 = arith.constant 0 : i32
    %while3A_59 = arith.subi %while3A_57, %while3A : i32
    %while3A_60 = arith.addi %while3A, %while3A_59 : i32
    %while3A_61 = arith.constant 1 : i32
    %while3A_62 = arith.divsi %while3A_59, %while3A_61 : i32
    %while3A_63 = arith.muli %while3A_62, %while3A_61 : i32
    %while3A_64 = arith.addi %while3A, %while3A_63 : i32
    %while3A_65 = arith.constant 1 : i32
    %while3A_66 = scf.for %while3A_138 = %while3A to %while3A_64 step %while3A_65 iter_args(%while3A_139 = %while3A_58) -> (i32)  : i32 {
      %mul3A_140 = arith.constant 16 : i32
      %mul3A_141 = arith.muli %while3A_138, %mul3A_140 : i32
      %swap3A = arith.index_cast %mul3A_141 : i32 to index
      %swap3A_142 = tpu.vector_load %arg11[%swap3A] {strides = array<i32>} : memref<6304xi32, #tpu.memory_space<vmem>>, vector<16xi32>,
      tpu.vector_store %arg11[%swap3A], %broadcast_in_dim3A_56 {strides = array<i32>} : memref<6304xi32, #tpu.memory_space<vmem>>, vector<16xi32>,
      %while3A_143 = arith.constant 0 : i32
      scf.yield %while3A_143 : i32
    }
    %while3A_67 = arith.constant 1 : i32
    %while3A_68 = scf.for %while3A_138 = %while3A_64 to %while3A_60 step %while3A_67 iter_args(%while3A_139 = %while3A_66) -> (i32)  : i32 {
      %mul3A_140 = arith.constant 16 : i32
      %mul3A_141 = arith.muli %while3A_138, %mul3A_140 : i32
      %swap3A = arith.index_cast %mul3A_141 : i32 to index
      %swap3A_142 = tpu.vector_load %arg11[%swap3A] {strides = array<i32>} : memref<6304xi32, #tpu.memory_space<vmem>>, vector<16xi32>,
      tpu.vector_store %arg11[%swap3A], %broadcast_in_dim3A_56 {strides = array<i32>} : memref<6304xi32, #tpu.memory_space<vmem>>, vector<16xi32>,
      %while3A_143 = arith.constant 0 : i32
      scf.yield %while3A_143 : i32
    }
    %while3A_69 = arith.constant 0 : i32
    %while3A_70 = arith.constant 18 : i32
    %while3A_71 = arith.constant 0 : i32
    %while3A_72 = arith.constant 1600512 : i32
    %while3A_73 = arith.subi %while3A_70, %while3A_69 : i32
    %while3A_74 = arith.addi %while3A_69, %while3A_73 : i32
    %while3A_75 = arith.constant 1 : i32
    %while3A_76 = arith.divsi %while3A_73, %while3A_75 : i32
    %while3A_77 = arith.muli %while3A_76, %while3A_75 : i32
    %while3A_78 = arith.addi %while3A_69, %while3A_77 : i32
    %while3A_79 = arith.constant 1 : i32
    %while3A_80:2 = scf.for %while3A_138 = %while3A_69 to %while3A_78 step %while3A_79 iter_args(%while3A_139 = %while3A_71, %while3A_140 = %while3A_72) -> (i32, i32)  : i32 {
      %add3A_141 = arith.addi %while3A_139, %while3A_140 : i32
      %shift_right_arithmetic3A = arith.constant 1 : i32
      %shift_right_arithmetic3A_142 = arith.shrsi %add3A_141, %shift_right_arithmetic3A : i32
      %and3A_143 = arith.constant -16 : i32
      %and3A_144 = arith.andi %shift_right_arithmetic3A_142, %and3A_143 : i32
      %multiple_of3A = tpu.assume_multiple %and3A_144, 16 : i32
      "tpu.region"() ({
        %run_scoped3A = tpu.sem_alloc : memref<!tpu.dma_semaphore, #tpu.memory_space<semaphore_mem>>
        %dma_start3A = tpu.memref_slice %arg4[%multiple_of3A] : memref<1601536xi32, #tpu.memory_space<hbm>> -> memref<16xi32, #tpu.memory_space<hbm>>
        %dma_start3A_153 = tpu.memref_slice %arg4[%multiple_of3A] : memref<1601536xi32, #tpu.memory_space<hbm>> -> memref<16xi32, #tpu.memory_space<hbm>>
        tpu.enqueue_dma source(%dma_start3A_153 : memref<16xi32, #tpu.memory_space<hbm>>) target(%arg12 : memref<16xi32, #tpu.memory_space<vmem>>) target_semaphore(%run_scoped3A : memref<!tpu.dma_semaphore, #tpu.memory_space<semaphore_mem>>)
        %dma_wait3A = tpu.memref_slice %arg4[%multiple_of3A] : memref<1601536xi32, #tpu.memory_space<hbm>> -> memref<16xi32, #tpu.memory_space<hbm>>
        %dma_wait3A_154 = tpu.memref_slice %arg4[%multiple_of3A] : memref<1601536xi32, #tpu.memory_space<hbm>> -> memref<16xi32, #tpu.memory_space<hbm>>
        tpu.wait_dma2 semaphore(%run_scoped3A : memref<!tpu.dma_semaphore, #tpu.memory_space<semaphore_mem>>) src(%dma_wait3A_154 : memref<16xi32, #tpu.memory_space<hbm>>) dst(%arg12 : memref<16xi32, #tpu.memory_space<vmem>>)
        tpu.yield
      }) : () -> ()
      %get3A = arith.constant 0 : index
      %get3A_145 = tpu.vector_load %arg12[%get3A] {strides = array<i32>} : memref<16xi32, #tpu.memory_space<vmem>>, vector<16xi32>,
      %slice3A = vector.extract_strided_slice %get3A_145 {offsets = [0], sizes = [1], strides = [1]} : vector<16xi32> to vector<1xi32>
      %squeeze3A = vector.extract %slice3A[0] : i32 from vector<1xi32>
      %lt3A_146 = arith.cmpi slt, %squeeze3A, %mul3A_2 : i32
      %select_n3A_147 = arith.select %lt3A_146, %multiple_of3A, %while3A_139 : i32
      %select_n3A_148 = arith.select %lt3A_146, %while3A_140, %multiple_of3A : i32
      %sub3A_149 = arith.subi %while3A_140, %while3A_139 : i32
      %le3A = arith.constant 16 : i32
      %le3A_150 = arith.cmpi sle, %sub3A_149, %le3A : i32
      %select_n3A_151 = arith.select %le3A_150, %while3A_139, %select_n3A_147 : i32
      %select_n3A_152 = arith.select %le3A_150, %while3A_140, %select_n3A_148 : i32
      scf.yield %select_n3A_151, %select_n3A_152 : i32, i32
    }
    %while3A_81 = arith.constant 1 : i32
    %while3A_82:2 = scf.for %while3A_138 = %while3A_78 to %while3A_74 step %while3A_81 iter_args(%while3A_139 = %while3A_80#0, %while3A_140 = %while3A_80#1) -> (i32, i32)  : i32 {
      %add3A_141 = arith.addi %while3A_139, %while3A_140 : i32
      %shift_right_arithmetic3A = arith.constant 1 : i32
      %shift_right_arithmetic3A_142 = arith.shrsi %add3A_141, %shift_right_arithmetic3A : i32
      %and3A_143 = arith.constant -16 : i32
      %and3A_144 = arith.andi %shift_right_arithmetic3A_142, %and3A_143 : i32
      %multiple_of3A = tpu.assume_multiple %and3A_144, 16 : i32
      "tpu.region"() ({
        %run_scoped3A = tpu.sem_alloc : memref<!tpu.dma_semaphore, #tpu.memory_space<semaphore_mem>>
        %dma_start3A = tpu.memref_slice %arg4[%multiple_of3A] : memref<1601536xi32, #tpu.memory_space<hbm>> -> memref<16xi32, #tpu.memory_space<hbm>>
        %dma_start3A_153 = tpu.memref_slice %arg4[%multiple_of3A] : memref<1601536xi32, #tpu.memory_space<hbm>> -> memref<16xi32, #tpu.memory_space<hbm>>
        tpu.enqueue_dma source(%dma_start3A_153 : memref<16xi32, #tpu.memory_space<hbm>>) target(%arg12 : memref<16xi32, #tpu.memory_space<vmem>>) target_semaphore(%run_scoped3A : memref<!tpu.dma_semaphore, #tpu.memory_space<semaphore_mem>>)
        %dma_wait3A = tpu.memref_slice %arg4[%multiple_of3A] : memref<1601536xi32, #tpu.memory_space<hbm>> -> memref<16xi32, #tpu.memory_space<hbm>>
        %dma_wait3A_154 = tpu.memref_slice %arg4[%multiple_of3A] : memref<1601536xi32, #tpu.memory_space<hbm>> -> memref<16xi32, #tpu.memory_space<hbm>>
        tpu.wait_dma2 semaphore(%run_scoped3A : memref<!tpu.dma_semaphore, #tpu.memory_space<semaphore_mem>>) src(%dma_wait3A_154 : memref<16xi32, #tpu.memory_space<hbm>>) dst(%arg12 : memref<16xi32, #tpu.memory_space<vmem>>)
        tpu.yield
      }) : () -> ()
      %get3A = arith.constant 0 : index
      %get3A_145 = tpu.vector_load %arg12[%get3A] {strides = array<i32>} : memref<16xi32, #tpu.memory_space<vmem>>, vector<16xi32>,
      %slice3A = vector.extract_strided_slice %get3A_145 {offsets = [0], sizes = [1], strides = [1]} : vector<16xi32> to vector<1xi32>
      %squeeze3A = vector.extract %slice3A[0] : i32 from vector<1xi32>
      %lt3A_146 = arith.cmpi slt, %squeeze3A, %mul3A_2 : i32
      %select_n3A_147 = arith.select %lt3A_146, %multiple_of3A, %while3A_139 : i32
      %select_n3A_148 = arith.select %lt3A_146, %while3A_140, %multiple_of3A : i32
      %sub3A_149 = arith.subi %while3A_140, %while3A_139 : i32
      %le3A = arith.constant 16 : i32
      %le3A_150 = arith.cmpi sle, %sub3A_149, %le3A : i32
      %select_n3A_151 = arith.select %le3A_150, %while3A_139, %select_n3A_147 : i32
      %select_n3A_152 = arith.select %le3A_150, %while3A_140, %select_n3A_148 : i32
      scf.yield %select_n3A_151, %select_n3A_152 : i32, i32
    }
    %while3A_83 = arith.constant 0 : i32
    %while3A_84 = arith.constant 18 : i32
    %while3A_85 = arith.constant 0 : i32
    %while3A_86 = arith.constant 1600512 : i32
    %while3A_87 = arith.subi %while3A_84, %while3A_83 : i32
    %while3A_88 = arith.addi %while3A_83, %while3A_87 : i32
    %while3A_89 = arith.constant 1 : i32
    %while3A_90 = arith.divsi %while3A_87, %while3A_89 : i32
    %while3A_91 = arith.muli %while3A_90, %while3A_89 : i32
    %while3A_92 = arith.addi %while3A_83, %while3A_91 : i32
    %while3A_93 = arith.constant 1 : i32
    %while3A_94:2 = scf.for %while3A_138 = %while3A_83 to %while3A_92 step %while3A_93 iter_args(%while3A_139 = %while3A_85, %while3A_140 = %while3A_86) -> (i32, i32)  : i32 {
      %add3A_141 = arith.addi %while3A_139, %while3A_140 : i32
      %shift_right_arithmetic3A = arith.constant 1 : i32
      %shift_right_arithmetic3A_142 = arith.shrsi %add3A_141, %shift_right_arithmetic3A : i32
      %and3A_143 = arith.constant -16 : i32
      %and3A_144 = arith.andi %shift_right_arithmetic3A_142, %and3A_143 : i32
      %multiple_of3A = tpu.assume_multiple %and3A_144, 16 : i32
      "tpu.region"() ({
        %run_scoped3A = tpu.sem_alloc : memref<!tpu.dma_semaphore, #tpu.memory_space<semaphore_mem>>
        %dma_start3A = tpu.memref_slice %arg4[%multiple_of3A] : memref<1601536xi32, #tpu.memory_space<hbm>> -> memref<16xi32, #tpu.memory_space<hbm>>
        %dma_start3A_153 = tpu.memref_slice %arg4[%multiple_of3A] : memref<1601536xi32, #tpu.memory_space<hbm>> -> memref<16xi32, #tpu.memory_space<hbm>>
        tpu.enqueue_dma source(%dma_start3A_153 : memref<16xi32, #tpu.memory_space<hbm>>) target(%arg12 : memref<16xi32, #tpu.memory_space<vmem>>) target_semaphore(%run_scoped3A : memref<!tpu.dma_semaphore, #tpu.memory_space<semaphore_mem>>)
        %dma_wait3A = tpu.memref_slice %arg4[%multiple_of3A] : memref<1601536xi32, #tpu.memory_space<hbm>> -> memref<16xi32, #tpu.memory_space<hbm>>
        %dma_wait3A_154 = tpu.memref_slice %arg4[%multiple_of3A] : memref<1601536xi32, #tpu.memory_space<hbm>> -> memref<16xi32, #tpu.memory_space<hbm>>
        tpu.wait_dma2 semaphore(%run_scoped3A : memref<!tpu.dma_semaphore, #tpu.memory_space<semaphore_mem>>) src(%dma_wait3A_154 : memref<16xi32, #tpu.memory_space<hbm>>) dst(%arg12 : memref<16xi32, #tpu.memory_space<vmem>>)
        tpu.yield
      }) : () -> ()
      %get3A = arith.constant 0 : index
      %get3A_145 = tpu.vector_load %arg12[%get3A] {strides = array<i32>} : memref<16xi32, #tpu.memory_space<vmem>>, vector<16xi32>,
      %slice3A = vector.extract_strided_slice %get3A_145 {offsets = [0], sizes = [1], strides = [1]} : vector<16xi32> to vector<1xi32>
      %squeeze3A = vector.extract %slice3A[0] : i32 from vector<1xi32>
      %lt3A_146 = arith.cmpi slt, %squeeze3A, %add3A_4 : i32
      %select_n3A_147 = arith.select %lt3A_146, %multiple_of3A, %while3A_139 : i32
      %select_n3A_148 = arith.select %lt3A_146, %while3A_140, %multiple_of3A : i32
      %sub3A_149 = arith.subi %while3A_140, %while3A_139 : i32
      %le3A = arith.constant 16 : i32
      %le3A_150 = arith.cmpi sle, %sub3A_149, %le3A : i32
      %select_n3A_151 = arith.select %le3A_150, %while3A_139, %select_n3A_147 : i32
      %select_n3A_152 = arith.select %le3A_150, %while3A_140, %select_n3A_148 : i32
      scf.yield %select_n3A_151, %select_n3A_152 : i32, i32
    }
    %while3A_95 = arith.constant 1 : i32
    %while3A_96:2 = scf.for %while3A_138 = %while3A_92 to %while3A_88 step %while3A_95 iter_args(%while3A_139 = %while3A_94#0, %while3A_140 = %while3A_94#1) -> (i32, i32)  : i32 {
      %add3A_141 = arith.addi %while3A_139, %while3A_140 : i32
      %shift_right_arithmetic3A = arith.constant 1 : i32
      %shift_right_arithmetic3A_142 = arith.shrsi %add3A_141, %shift_right_arithmetic3A : i32
      %and3A_143 = arith.constant -16 : i32
      %and3A_144 = arith.andi %shift_right_arithmetic3A_142, %and3A_143 : i32
      %multiple_of3A = tpu.assume_multiple %and3A_144, 16 : i32
      "tpu.region"() ({
        %run_scoped3A = tpu.sem_alloc : memref<!tpu.dma_semaphore, #tpu.memory_space<semaphore_mem>>
        %dma_start3A = tpu.memref_slice %arg4[%multiple_of3A] : memref<1601536xi32, #tpu.memory_space<hbm>> -> memref<16xi32, #tpu.memory_space<hbm>>
        %dma_start3A_153 = tpu.memref_slice %arg4[%multiple_of3A] : memref<1601536xi32, #tpu.memory_space<hbm>> -> memref<16xi32, #tpu.memory_space<hbm>>
        tpu.enqueue_dma source(%dma_start3A_153 : memref<16xi32, #tpu.memory_space<hbm>>) target(%arg12 : memref<16xi32, #tpu.memory_space<vmem>>) target_semaphore(%run_scoped3A : memref<!tpu.dma_semaphore, #tpu.memory_space<semaphore_mem>>)
        %dma_wait3A = tpu.memref_slice %arg4[%multiple_of3A] : memref<1601536xi32, #tpu.memory_space<hbm>> -> memref<16xi32, #tpu.memory_space<hbm>>
        %dma_wait3A_154 = tpu.memref_slice %arg4[%multiple_of3A] : memref<1601536xi32, #tpu.memory_space<hbm>> -> memref<16xi32, #tpu.memory_space<hbm>>
        tpu.wait_dma2 semaphore(%run_scoped3A : memref<!tpu.dma_semaphore, #tpu.memory_space<semaphore_mem>>) src(%dma_wait3A_154 : memref<16xi32, #tpu.memory_space<hbm>>) dst(%arg12 : memref<16xi32, #tpu.memory_space<vmem>>)
        tpu.yield
      }) : () -> ()
      %get3A = arith.constant 0 : index
      %get3A_145 = tpu.vector_load %arg12[%get3A] {strides = array<i32>} : memref<16xi32, #tpu.memory_space<vmem>>, vector<16xi32>,
      %slice3A = vector.extract_strided_slice %get3A_145 {offsets = [0], sizes = [1], strides = [1]} : vector<16xi32> to vector<1xi32>
      %squeeze3A = vector.extract %slice3A[0] : i32 from vector<1xi32>
      %lt3A_146 = arith.cmpi slt, %squeeze3A, %add3A_4 : i32
      %select_n3A_147 = arith.select %lt3A_146, %multiple_of3A, %while3A_139 : i32
      %select_n3A_148 = arith.select %lt3A_146, %while3A_140, %multiple_of3A : i32
      %sub3A_149 = arith.subi %while3A_140, %while3A_139 : i32
      %le3A = arith.constant 16 : i32
      %le3A_150 = arith.cmpi sle, %sub3A_149, %le3A : i32
      %select_n3A_151 = arith.select %le3A_150, %while3A_139, %select_n3A_147 : i32
      %select_n3A_152 = arith.select %le3A_150, %while3A_140, %select_n3A_148 : i32
      scf.yield %select_n3A_151, %select_n3A_152 : i32, i32
    }
    %sub3A_97 = arith.subi %while3A_96#1, %while3A_82#0 : i32
    %add3A_98 = arith.constant 1023 : i32
    %add3A_99 = arith.addi %sub3A_97, %add3A_98 : i32
    %jit3A_100 = arith.constant 1024 : i32
    %div3A_101 = arith.divsi %add3A_99, %jit3A_100 : i32
    %sign3A_102 = arith.constant 0 : i32
    %sign3A_103 = arith.cmpi sgt, %add3A_99, %sign3A_102 : i32
    %sign3A_104 = arith.extui %sign3A_103 : i1 to i32
    %sign3A_105 = arith.constant 0 : i32
    %sign3A_106 = arith.cmpi slt, %add3A_99, %sign3A_105 : i32
    %sign3A_107 = arith.extui %sign3A_106 : i1 to i32
    %sign3A_108 = arith.subi %sign3A_104, %sign3A_107 : i32
    %sign3A_109 = arith.constant 0 : i32
    %sign3A_110 = arith.cmpi sgt, %jit3A_100, %sign3A_109 : i32
    %sign3A_111 = arith.extui %sign3A_110 : i1 to i32
    %sign3A_112 = arith.constant 0 : i32
    %sign3A_113 = arith.cmpi slt, %jit3A_100, %sign3A_112 : i32
    %sign3A_114 = arith.extui %sign3A_113 : i1 to i32
    %sign3A_115 = arith.subi %sign3A_111, %sign3A_114 : i32
    %ne3A_116 = arith.cmpi ne, %sign3A_108, %sign3A_115 : i32
    %rem3A_117 = arith.remsi %add3A_99, %jit3A_100 : i32
    %ne3A_118 = arith.constant 0 : i32
    %ne3A_119 = arith.cmpi ne, %rem3A_117, %ne3A_118 : i32
    %and3A_120 = arith.andi %ne3A_116, %ne3A_119 : i1
    %sub3A_121 = arith.constant 1 : i32
    %sub3A_122 = arith.subi %div3A_101, %sub3A_121 : i32
    %select_n3A_123 = arith.select %and3A_120, %sub3A_122, %div3A_101 : i32
    %while3A_124 = arith.constant 0 : i32
    %while3A_125 = arith.constant 0 : i32
    %while3A_126 = arith.subi %select_n3A_123, %while3A_124 : i32
    %while3A_127 = arith.addi %while3A_124, %while3A_126 : i32
    %while3A_128 = arith.constant 1 : i32
    %while3A_129 = arith.divsi %while3A_126, %while3A_128 : i32
    %while3A_130 = arith.muli %while3A_129, %while3A_128 : i32
    %while3A_131 = arith.addi %while3A_124, %while3A_130 : i32
    %while3A_132 = arith.constant 1 : i32
    %while3A_133 = scf.for %while3A_138 = %while3A_124 to %while3A_131 step %while3A_132 iter_args(%while3A_139 = %while3A_125) -> (i32)  : i32 {
      %mul3A_140 = arith.constant 1024 : i32
      %mul3A_141 = arith.muli %while3A_138, %mul3A_140 : i32
      %add3A_142 = arith.addi %while3A_82#0, %mul3A_141 : i32
      %multiple_of3A = tpu.assume_multiple %add3A_142, 16 : i32
      "tpu.region"() ({
        %run_scoped3A = tpu.sem_alloc : memref<!tpu.dma_semaphore, #tpu.memory_space<semaphore_mem>>
        %dma_start3A_296 = tpu.memref_slice %arg3[%multiple_of3A] : memref<1601536xi32, #tpu.memory_space<hbm>> -> memref<1024xi32, #tpu.memory_space<hbm>>
        %dma_start3A_297 = tpu.memref_slice %arg3[%multiple_of3A] : memref<1601536xi32, #tpu.memory_space<hbm>> -> memref<1024xi32, #tpu.memory_space<hbm>>
        tpu.enqueue_dma source(%dma_start3A_297 : memref<1024xi32, #tpu.memory_space<hbm>>) target(%arg7 : memref<1024xi32, #tpu.memory_space<vmem>>) target_semaphore(%run_scoped3A : memref<!tpu.dma_semaphore, #tpu.memory_space<semaphore_mem>>)
        %dma_wait3A_298 = tpu.memref_slice %arg3[%multiple_of3A] : memref<1601536xi32, #tpu.memory_space<hbm>> -> memref<1024xi32, #tpu.memory_space<hbm>>
        %dma_wait3A_299 = tpu.memref_slice %arg3[%multiple_of3A] : memref<1601536xi32, #tpu.memory_space<hbm>> -> memref<1024xi32, #tpu.memory_space<hbm>>
        tpu.wait_dma2 semaphore(%run_scoped3A : memref<!tpu.dma_semaphore, #tpu.memory_space<semaphore_mem>>) src(%dma_wait3A_299 : memref<1024xi32, #tpu.memory_space<hbm>>) dst(%arg7 : memref<1024xi32, #tpu.memory_space<vmem>>)
        tpu.yield
      }) : () -> ()
      "tpu.region"() ({
        %run_scoped3A = tpu.sem_alloc : memref<!tpu.dma_semaphore, #tpu.memory_space<semaphore_mem>>
        %dma_start3A_296 = tpu.memref_slice %arg4[%multiple_of3A] : memref<1601536xi32, #tpu.memory_space<hbm>> -> memref<1024xi32, #tpu.memory_space<hbm>>
        %dma_start3A_297 = tpu.memref_slice %arg4[%multiple_of3A] : memref<1601536xi32, #tpu.memory_space<hbm>> -> memref<1024xi32, #tpu.memory_space<hbm>>
        tpu.enqueue_dma source(%dma_start3A_297 : memref<1024xi32, #tpu.memory_space<hbm>>) target(%arg9 : memref<1024xi32, #tpu.memory_space<vmem>>) target_semaphore(%run_scoped3A : memref<!tpu.dma_semaphore, #tpu.memory_space<semaphore_mem>>)
        %dma_wait3A_298 = tpu.memref_slice %arg4[%multiple_of3A] : memref<1601536xi32, #tpu.memory_space<hbm>> -> memref<1024xi32, #tpu.memory_space<hbm>>
        %dma_wait3A_299 = tpu.memref_slice %arg4[%multiple_of3A] : memref<1601536xi32, #tpu.memory_space<hbm>> -> memref<1024xi32, #tpu.memory_space<hbm>>
        tpu.wait_dma2 semaphore(%run_scoped3A : memref<!tpu.dma_semaphore, #tpu.memory_space<semaphore_mem>>) src(%dma_wait3A_299 : memref<1024xi32, #tpu.memory_space<hbm>>) dst(%arg9 : memref<1024xi32, #tpu.memory_space<vmem>>)
        tpu.yield
      }) : () -> ()
      %while3A_143 = arith.constant 0 : i32
      %while3A_144 = arith.constant 64 : i32
      %while3A_145 = arith.constant 0 : i32
      %while3A_146 = arith.subi %while3A_144, %while3A_143 : i32
      %while3A_147 = arith.addi %while3A_143, %while3A_146 : i32
      %while3A_148 = arith.constant 1 : i32
      %while3A_149 = arith.divsi %while3A_146, %while3A_148 : i32
      %while3A_150 = arith.muli %while3A_149, %while3A_148 : i32
      %while3A_151 = arith.addi %while3A_143, %while3A_150 : i32
      %while3A_152 = arith.constant 1 : i32
      %while3A_153 = scf.for %while3A_296 = %while3A_143 to %while3A_151 step %while3A_152 iter_args(%while3A_297 = %while3A_145) -> (i32)  : i32 {
        %mul3A_298 = arith.constant 16 : i32
        %mul3A_299 = arith.muli %while3A_296, %mul3A_298 : i32
        %get3A = arith.index_cast %mul3A_299 : i32 to index
        %get3A_300 = tpu.vector_load %arg7[%get3A] {strides = array<i32>} : memref<1024xi32, #tpu.memory_space<vmem>>, vector<16xi32>,
        %shift_right_arithmetic3A = arith.constant 3 : i32
        %shift_right_arithmetic3A_301 = vector.broadcast %shift_right_arithmetic3A : i32 to vector<16xi32>
        %shift_right_arithmetic3A_302 = arith.shrsi %get3A_300, %shift_right_arithmetic3A_301 : vector<16xi32>
        %swap3A = arith.index_cast %mul3A_299 : i32 to index
        %swap3A_303 = tpu.vector_load %arg8[%swap3A] {strides = array<i32>} : memref<1024xi32, #tpu.memory_space<vmem>>, vector<16xi32>,
        tpu.vector_store %arg8[%swap3A], %shift_right_arithmetic3A_302 {strides = array<i32>} : memref<1024xi32, #tpu.memory_space<vmem>>, vector<16xi32>,
        %while3A_304 = arith.constant 0 : i32
        scf.yield %while3A_304 : i32
      }
      %while3A_154 = arith.constant 1 : i32
      %while3A_155 = scf.for %while3A_296 = %while3A_151 to %while3A_147 step %while3A_154 iter_args(%while3A_297 = %while3A_153) -> (i32)  : i32 {
        %mul3A_298 = arith.constant 16 : i32
        %mul3A_299 = arith.muli %while3A_296, %mul3A_298 : i32
        %get3A = arith.index_cast %mul3A_299 : i32 to index
        %get3A_300 = tpu.vector_load %arg7[%get3A] {strides = array<i32>} : memref<1024xi32, #tpu.memory_space<vmem>>, vector<16xi32>,
        %shift_right_arithmetic3A = arith.constant 3 : i32
        %shift_right_arithmetic3A_301 = vector.broadcast %shift_right_arithmetic3A : i32 to vector<16xi32>
        %shift_right_arithmetic3A_302 = arith.shrsi %get3A_300, %shift_right_arithmetic3A_301 : vector<16xi32>
        %swap3A = arith.index_cast %mul3A_299 : i32 to index
        %swap3A_303 = tpu.vector_load %arg8[%swap3A] {strides = array<i32>} : memref<1024xi32, #tpu.memory_space<vmem>>, vector<16xi32>,
        tpu.vector_store %arg8[%swap3A], %shift_right_arithmetic3A_302 {strides = array<i32>} : memref<1024xi32, #tpu.memory_space<vmem>>, vector<16xi32>,
        %while3A_304 = arith.constant 0 : i32
        scf.yield %while3A_304 : i32
      }
      %dma_start3A = arith.constant 0 : i32
      %dma_start3A_156 = arith.constant 0 : i32
      %dma_start3A_157 = tpu.memref_slice %arg10[%dma_start3A, %dma_start3A_156] : memref<1032x24xi32, #tpu.memory_space<vmem>> -> memref<128x24xi32, #tpu.memory_space<vmem>>
      %dma_start3A_158 = arith.constant 0 : i32
      %dma_start3A_159 = tpu.memref_slice %arg8[%dma_start3A_158] : memref<1024xi32, #tpu.memory_space<vmem>> -> memref<128xi32, #tpu.memory_space<vmem>>
      %dma_start3A_160 = arith.constant 0 : i32
      %dma_start3A_161 = arith.constant 0 : i32
      %dma_start3A_162 = tpu.memref_slice %arg6[%dma_start3A_160, %dma_start3A_161] : memref<62500x24xi32, #tpu.memory_space<vmem_shared>> -> memref<62500x24xi32, #tpu.memory_space<vmem_shared>>
      tpu.enqueue_indirect_dma source(%dma_start3A_162 : memref<62500x24xi32, #tpu.memory_space<vmem_shared>>) target(%dma_start3A_157 : memref<128x24xi32, #tpu.memory_space<vmem>>) offsets(%dma_start3A_159 : memref<128xi32, #tpu.memory_space<vmem>>) semaphore(%arg13 : memref<!tpu.dma_semaphore, #tpu.memory_space<semaphore_mem>>)
      %dma_start3A_163 = arith.constant 128 : i32
      %dma_start3A_164 = arith.constant 0 : i32
      %dma_start3A_165 = tpu.memref_slice %arg10[%dma_start3A_163, %dma_start3A_164] : memref<1032x24xi32, #tpu.memory_space<vmem>> -> memref<128x24xi32, #tpu.memory_space<vmem>>
      %dma_start3A_166 = arith.constant 128 : i32
      %dma_start3A_167 = tpu.memref_slice %arg8[%dma_start3A_166] : memref<1024xi32, #tpu.memory_space<vmem>> -> memref<128xi32, #tpu.memory_space<vmem>>
      %dma_start3A_168 = arith.constant 0 : i32
      %dma_start3A_169 = arith.constant 0 : i32
      %dma_start3A_170 = tpu.memref_slice %arg6[%dma_start3A_168, %dma_start3A_169] : memref<62500x24xi32, #tpu.memory_space<vmem_shared>> -> memref<62500x24xi32, #tpu.memory_space<vmem_shared>>
      tpu.enqueue_indirect_dma source(%dma_start3A_170 : memref<62500x24xi32, #tpu.memory_space<vmem_shared>>) target(%dma_start3A_165 : memref<128x24xi32, #tpu.memory_space<vmem>>) offsets(%dma_start3A_167 : memref<128xi32, #tpu.memory_space<vmem>>) semaphore(%arg13 : memref<!tpu.dma_semaphore, #tpu.memory_space<semaphore_mem>>)
      %dma_start3A_171 = arith.constant 256 : i32
      %dma_start3A_172 = arith.constant 0 : i32
      %dma_start3A_173 = tpu.memref_slice %arg10[%dma_start3A_171, %dma_start3A_172] : memref<1032x24xi32, #tpu.memory_space<vmem>> -> memref<128x24xi32, #tpu.memory_space<vmem>>
      %dma_start3A_174 = arith.constant 256 : i32
      %dma_start3A_175 = tpu.memref_slice %arg8[%dma_start3A_174] : memref<1024xi32, #tpu.memory_space<vmem>> -> memref<128xi32, #tpu.memory_space<vmem>>
      %dma_start3A_176 = arith.constant 0 : i32
      %dma_start3A_177 = arith.constant 0 : i32
      %dma_start3A_178 = tpu.memref_slice %arg6[%dma_start3A_176, %dma_start3A_177] : memref<62500x24xi32, #tpu.memory_space<vmem_shared>> -> memref<62500x24xi32, #tpu.memory_space<vmem_shared>>
      tpu.enqueue_indirect_dma source(%dma_start3A_178 : memref<62500x24xi32, #tpu.memory_space<vmem_shared>>) target(%dma_start3A_173 : memref<128x24xi32, #tpu.memory_space<vmem>>) offsets(%dma_start3A_175 : memref<128xi32, #tpu.memory_space<vmem>>) semaphore(%arg13 : memref<!tpu.dma_semaphore, #tpu.memory_space<semaphore_mem>>)
      %dma_start3A_179 = arith.constant 384 : i32
      %dma_start3A_180 = arith.constant 0 : i32
      %dma_start3A_181 = tpu.memref_slice %arg10[%dma_start3A_179, %dma_start3A_180] : memref<1032x24xi32, #tpu.memory_space<vmem>> -> memref<128x24xi32, #tpu.memory_space<vmem>>
      %dma_start3A_182 = arith.constant 384 : i32
      %dma_start3A_183 = tpu.memref_slice %arg8[%dma_start3A_182] : memref<1024xi32, #tpu.memory_space<vmem>> -> memref<128xi32, #tpu.memory_space<vmem>>
      %dma_start3A_184 = arith.constant 0 : i32
      %dma_start3A_185 = arith.constant 0 : i32
      %dma_start3A_186 = tpu.memref_slice %arg6[%dma_start3A_184, %dma_start3A_185] : memref<62500x24xi32, #tpu.memory_space<vmem_shared>> -> memref<62500x24xi32, #tpu.memory_space<vmem_shared>>
      tpu.enqueue_indirect_dma source(%dma_start3A_186 : memref<62500x24xi32, #tpu.memory_space<vmem_shared>>) target(%dma_start3A_181 : memref<128x24xi32, #tpu.memory_space<vmem>>) offsets(%dma_start3A_183 : memref<128xi32, #tpu.memory_space<vmem>>) semaphore(%arg13 : memref<!tpu.dma_semaphore, #tpu.memory_space<semaphore_mem>>)
      %dma_start3A_187 = arith.constant 512 : i32
      %dma_start3A_188 = arith.constant 0 : i32
      %dma_start3A_189 = tpu.memref_slice %arg10[%dma_start3A_187, %dma_start3A_188] : memref<1032x24xi32, #tpu.memory_space<vmem>> -> memref<128x24xi32, #tpu.memory_space<vmem>>
      %dma_start3A_190 = arith.constant 512 : i32
      %dma_start3A_191 = tpu.memref_slice %arg8[%dma_start3A_190] : memref<1024xi32, #tpu.memory_space<vmem>> -> memref<128xi32, #tpu.memory_space<vmem>>
      %dma_start3A_192 = arith.constant 0 : i32
      %dma_start3A_193 = arith.constant 0 : i32
      %dma_start3A_194 = tpu.memref_slice %arg6[%dma_start3A_192, %dma_start3A_193] : memref<62500x24xi32, #tpu.memory_space<vmem_shared>> -> memref<62500x24xi32, #tpu.memory_space<vmem_shared>>
      tpu.enqueue_indirect_dma source(%dma_start3A_194 : memref<62500x24xi32, #tpu.memory_space<vmem_shared>>) target(%dma_start3A_189 : memref<128x24xi32, #tpu.memory_space<vmem>>) offsets(%dma_start3A_191 : memref<128xi32, #tpu.memory_space<vmem>>) semaphore(%arg13 : memref<!tpu.dma_semaphore, #tpu.memory_space<semaphore_mem>>)
      %dma_start3A_195 = arith.constant 640 : i32
      %dma_start3A_196 = arith.constant 0 : i32
      %dma_start3A_197 = tpu.memref_slice %arg10[%dma_start3A_195, %dma_start3A_196] : memref<1032x24xi32, #tpu.memory_space<vmem>> -> memref<128x24xi32, #tpu.memory_space<vmem>>
      %dma_start3A_198 = arith.constant 640 : i32
      %dma_start3A_199 = tpu.memref_slice %arg8[%dma_start3A_198] : memref<1024xi32, #tpu.memory_space<vmem>> -> memref<128xi32, #tpu.memory_space<vmem>>
      %dma_start3A_200 = arith.constant 0 : i32
      %dma_start3A_201 = arith.constant 0 : i32
      %dma_start3A_202 = tpu.memref_slice %arg6[%dma_start3A_200, %dma_start3A_201] : memref<62500x24xi32, #tpu.memory_space<vmem_shared>> -> memref<62500x24xi32, #tpu.memory_space<vmem_shared>>
      tpu.enqueue_indirect_dma source(%dma_start3A_202 : memref<62500x24xi32, #tpu.memory_space<vmem_shared>>) target(%dma_start3A_197 : memref<128x24xi32, #tpu.memory_space<vmem>>) offsets(%dma_start3A_199 : memref<128xi32, #tpu.memory_space<vmem>>) semaphore(%arg13 : memref<!tpu.dma_semaphore, #tpu.memory_space<semaphore_mem>>)
      %dma_start3A_203 = arith.constant 768 : i32
      %dma_start3A_204 = arith.constant 0 : i32
      %dma_start3A_205 = tpu.memref_slice %arg10[%dma_start3A_203, %dma_start3A_204] : memref<1032x24xi32, #tpu.memory_space<vmem>> -> memref<128x24xi32, #tpu.memory_space<vmem>>
      %dma_start3A_206 = arith.constant 768 : i32
      %dma_start3A_207 = tpu.memref_slice %arg8[%dma_start3A_206] : memref<1024xi32, #tpu.memory_space<vmem>> -> memref<128xi32, #tpu.memory_space<vmem>>
      %dma_start3A_208 = arith.constant 0 : i32
      %dma_start3A_209 = arith.constant 0 : i32
      %dma_start3A_210 = tpu.memref_slice %arg6[%dma_start3A_208, %dma_start3A_209] : memref<62500x24xi32, #tpu.memory_space<vmem_shared>> -> memref<62500x24xi32, #tpu.memory_space<vmem_shared>>
      tpu.enqueue_indirect_dma source(%dma_start3A_210 : memref<62500x24xi32, #tpu.memory_space<vmem_shared>>) target(%dma_start3A_205 : memref<128x24xi32, #tpu.memory_space<vmem>>) offsets(%dma_start3A_207 : memref<128xi32, #tpu.memory_space<vmem>>) semaphore(%arg13 : memref<!tpu.dma_semaphore, #tpu.memory_space<semaphore_mem>>)
      %dma_start3A_211 = arith.constant 896 : i32
      %dma_start3A_212 = arith.constant 0 : i32
      %dma_start3A_213 = tpu.memref_slice %arg10[%dma_start3A_211, %dma_start3A_212] : memref<1032x24xi32, #tpu.memory_space<vmem>> -> memref<128x24xi32, #tpu.memory_space<vmem>>
      %dma_start3A_214 = arith.constant 896 : i32
      %dma_start3A_215 = tpu.memref_slice %arg8[%dma_start3A_214] : memref<1024xi32, #tpu.memory_space<vmem>> -> memref<128xi32, #tpu.memory_space<vmem>>
      %dma_start3A_216 = arith.constant 0 : i32
      %dma_start3A_217 = arith.constant 0 : i32
      %dma_start3A_218 = tpu.memref_slice %arg6[%dma_start3A_216, %dma_start3A_217] : memref<62500x24xi32, #tpu.memory_space<vmem_shared>> -> memref<62500x24xi32, #tpu.memory_space<vmem_shared>>
      tpu.enqueue_indirect_dma source(%dma_start3A_218 : memref<62500x24xi32, #tpu.memory_space<vmem_shared>>) target(%dma_start3A_213 : memref<128x24xi32, #tpu.memory_space<vmem>>) offsets(%dma_start3A_215 : memref<128xi32, #tpu.memory_space<vmem>>) semaphore(%arg13 : memref<!tpu.dma_semaphore, #tpu.memory_space<semaphore_mem>>)
      %dma_wait3A = arith.constant 0 : i32
      %dma_wait3A_219 = arith.constant 0 : i32
      %dma_wait3A_220 = tpu.memref_slice %arg10[%dma_wait3A, %dma_wait3A_219] : memref<1032x24xi32, #tpu.memory_space<vmem>> -> memref<128x24xi32, #tpu.memory_space<vmem>>
      %dma_wait3A_221 = arith.constant 0 : i32
      %dma_wait3A_222 = tpu.memref_slice %arg8[%dma_wait3A_221] : memref<1024xi32, #tpu.memory_space<vmem>> -> memref<128xi32, #tpu.memory_space<vmem>>
      %dma_wait3A_223 = arith.constant 0 : i32
      %dma_wait3A_224 = arith.constant 0 : i32
      %dma_wait3A_225 = tpu.memref_slice %arg6[%dma_wait3A_223, %dma_wait3A_224] : memref<62500x24xi32, #tpu.memory_space<vmem_shared>> -> memref<62500x24xi32, #tpu.memory_space<vmem_shared>>
      tpu.wait_indirect_dma semaphore(%arg13 : memref<!tpu.dma_semaphore, #tpu.memory_space<semaphore_mem>>) src(%dma_wait3A_225 : memref<62500x24xi32, #tpu.memory_space<vmem_shared>>) dst(%dma_wait3A_220 : memref<128x24xi32, #tpu.memory_space<vmem>>)
      %dma_wait3A_226 = arith.constant 128 : i32
      %dma_wait3A_227 = arith.constant 0 : i32
      %dma_wait3A_228 = tpu.memref_slice %arg10[%dma_wait3A_226, %dma_wait3A_227] : memref<1032x24xi32, #tpu.memory_space<vmem>> -> memref<128x24xi32, #tpu.memory_space<vmem>>
      %dma_wait3A_229 = arith.constant 128 : i32
      %dma_wait3A_230 = tpu.memref_slice %arg8[%dma_wait3A_229] : memref<1024xi32, #tpu.memory_space<vmem>> -> memref<128xi32, #tpu.memory_space<vmem>>
      %dma_wait3A_231 = arith.constant 0 : i32
      %dma_wait3A_232 = arith.constant 0 : i32
      %dma_wait3A_233 = tpu.memref_slice %arg6[%dma_wait3A_231, %dma_wait3A_232] : memref<62500x24xi32, #tpu.memory_space<vmem_shared>> -> memref<62500x24xi32, #tpu.memory_space<vmem_shared>>
      tpu.wait_indirect_dma semaphore(%arg13 : memref<!tpu.dma_semaphore, #tpu.memory_space<semaphore_mem>>) src(%dma_wait3A_233 : memref<62500x24xi32, #tpu.memory_space<vmem_shared>>) dst(%dma_wait3A_228 : memref<128x24xi32, #tpu.memory_space<vmem>>)
      %dma_wait3A_234 = arith.constant 256 : i32
      %dma_wait3A_235 = arith.constant 0 : i32
      %dma_wait3A_236 = tpu.memref_slice %arg10[%dma_wait3A_234, %dma_wait3A_235] : memref<1032x24xi32, #tpu.memory_space<vmem>> -> memref<128x24xi32, #tpu.memory_space<vmem>>
      %dma_wait3A_237 = arith.constant 256 : i32
      %dma_wait3A_238 = tpu.memref_slice %arg8[%dma_wait3A_237] : memref<1024xi32, #tpu.memory_space<vmem>> -> memref<128xi32, #tpu.memory_space<vmem>>
      %dma_wait3A_239 = arith.constant 0 : i32
      %dma_wait3A_240 = arith.constant 0 : i32
      %dma_wait3A_241 = tpu.memref_slice %arg6[%dma_wait3A_239, %dma_wait3A_240] : memref<62500x24xi32, #tpu.memory_space<vmem_shared>> -> memref<62500x24xi32, #tpu.memory_space<vmem_shared>>
      tpu.wait_indirect_dma semaphore(%arg13 : memref<!tpu.dma_semaphore, #tpu.memory_space<semaphore_mem>>) src(%dma_wait3A_241 : memref<62500x24xi32, #tpu.memory_space<vmem_shared>>) dst(%dma_wait3A_236 : memref<128x24xi32, #tpu.memory_space<vmem>>)
      %dma_wait3A_242 = arith.constant 384 : i32
      %dma_wait3A_243 = arith.constant 0 : i32
      %dma_wait3A_244 = tpu.memref_slice %arg10[%dma_wait3A_242, %dma_wait3A_243] : memref<1032x24xi32, #tpu.memory_space<vmem>> -> memref<128x24xi32, #tpu.memory_space<vmem>>
      %dma_wait3A_245 = arith.constant 384 : i32
      %dma_wait3A_246 = tpu.memref_slice %arg8[%dma_wait3A_245] : memref<1024xi32, #tpu.memory_space<vmem>> -> memref<128xi32, #tpu.memory_space<vmem>>
      %dma_wait3A_247 = arith.constant 0 : i32
      %dma_wait3A_248 = arith.constant 0 : i32
      %dma_wait3A_249 = tpu.memref_slice %arg6[%dma_wait3A_247, %dma_wait3A_248] : memref<62500x24xi32, #tpu.memory_space<vmem_shared>> -> memref<62500x24xi32, #tpu.memory_space<vmem_shared>>
      tpu.wait_indirect_dma semaphore(%arg13 : memref<!tpu.dma_semaphore, #tpu.memory_space<semaphore_mem>>) src(%dma_wait3A_249 : memref<62500x24xi32, #tpu.memory_space<vmem_shared>>) dst(%dma_wait3A_244 : memref<128x24xi32, #tpu.memory_space<vmem>>)
      %dma_wait3A_250 = arith.constant 512 : i32
      %dma_wait3A_251 = arith.constant 0 : i32
      %dma_wait3A_252 = tpu.memref_slice %arg10[%dma_wait3A_250, %dma_wait3A_251] : memref<1032x24xi32, #tpu.memory_space<vmem>> -> memref<128x24xi32, #tpu.memory_space<vmem>>
      %dma_wait3A_253 = arith.constant 512 : i32
      %dma_wait3A_254 = tpu.memref_slice %arg8[%dma_wait3A_253] : memref<1024xi32, #tpu.memory_space<vmem>> -> memref<128xi32, #tpu.memory_space<vmem>>
      %dma_wait3A_255 = arith.constant 0 : i32
      %dma_wait3A_256 = arith.constant 0 : i32
      %dma_wait3A_257 = tpu.memref_slice %arg6[%dma_wait3A_255, %dma_wait3A_256] : memref<62500x24xi32, #tpu.memory_space<vmem_shared>> -> memref<62500x24xi32, #tpu.memory_space<vmem_shared>>
      tpu.wait_indirect_dma semaphore(%arg13 : memref<!tpu.dma_semaphore, #tpu.memory_space<semaphore_mem>>) src(%dma_wait3A_257 : memref<62500x24xi32, #tpu.memory_space<vmem_shared>>) dst(%dma_wait3A_252 : memref<128x24xi32, #tpu.memory_space<vmem>>)
      %dma_wait3A_258 = arith.constant 640 : i32
      %dma_wait3A_259 = arith.constant 0 : i32
      %dma_wait3A_260 = tpu.memref_slice %arg10[%dma_wait3A_258, %dma_wait3A_259] : memref<1032x24xi32, #tpu.memory_space<vmem>> -> memref<128x24xi32, #tpu.memory_space<vmem>>
      %dma_wait3A_261 = arith.constant 640 : i32
      %dma_wait3A_262 = tpu.memref_slice %arg8[%dma_wait3A_261] : memref<1024xi32, #tpu.memory_space<vmem>> -> memref<128xi32, #tpu.memory_space<vmem>>
      %dma_wait3A_263 = arith.constant 0 : i32
      %dma_wait3A_264 = arith.constant 0 : i32
      %dma_wait3A_265 = tpu.memref_slice %arg6[%dma_wait3A_263, %dma_wait3A_264] : memref<62500x24xi32, #tpu.memory_space<vmem_shared>> -> memref<62500x24xi32, #tpu.memory_space<vmem_shared>>
      tpu.wait_indirect_dma semaphore(%arg13 : memref<!tpu.dma_semaphore, #tpu.memory_space<semaphore_mem>>) src(%dma_wait3A_265 : memref<62500x24xi32, #tpu.memory_space<vmem_shared>>) dst(%dma_wait3A_260 : memref<128x24xi32, #tpu.memory_space<vmem>>)
      %dma_wait3A_266 = arith.constant 768 : i32
      %dma_wait3A_267 = arith.constant 0 : i32
      %dma_wait3A_268 = tpu.memref_slice %arg10[%dma_wait3A_266, %dma_wait3A_267] : memref<1032x24xi32, #tpu.memory_space<vmem>> -> memref<128x24xi32, #tpu.memory_space<vmem>>
      %dma_wait3A_269 = arith.constant 768 : i32
      %dma_wait3A_270 = tpu.memref_slice %arg8[%dma_wait3A_269] : memref<1024xi32, #tpu.memory_space<vmem>> -> memref<128xi32, #tpu.memory_space<vmem>>
      %dma_wait3A_271 = arith.constant 0 : i32
      %dma_wait3A_272 = arith.constant 0 : i32
      %dma_wait3A_273 = tpu.memref_slice %arg6[%dma_wait3A_271, %dma_wait3A_272] : memref<62500x24xi32, #tpu.memory_space<vmem_shared>> -> memref<62500x24xi32, #tpu.memory_space<vmem_shared>>
      tpu.wait_indirect_dma semaphore(%arg13 : memref<!tpu.dma_semaphore, #tpu.memory_space<semaphore_mem>>) src(%dma_wait3A_273 : memref<62500x24xi32, #tpu.memory_space<vmem_shared>>) dst(%dma_wait3A_268 : memref<128x24xi32, #tpu.memory_space<vmem>>)
      %dma_wait3A_274 = arith.constant 896 : i32
      %dma_wait3A_275 = arith.constant 0 : i32
      %dma_wait3A_276 = tpu.memref_slice %arg10[%dma_wait3A_274, %dma_wait3A_275] : memref<1032x24xi32, #tpu.memory_space<vmem>> -> memref<128x24xi32, #tpu.memory_space<vmem>>
      %dma_wait3A_277 = arith.constant 896 : i32
      %dma_wait3A_278 = tpu.memref_slice %arg8[%dma_wait3A_277] : memref<1024xi32, #tpu.memory_space<vmem>> -> memref<128xi32, #tpu.memory_space<vmem>>
      %dma_wait3A_279 = arith.constant 0 : i32
      %dma_wait3A_280 = arith.constant 0 : i32
      %dma_wait3A_281 = tpu.memref_slice %arg6[%dma_wait3A_279, %dma_wait3A_280] : memref<62500x24xi32, #tpu.memory_space<vmem_shared>> -> memref<62500x24xi32, #tpu.memory_space<vmem_shared>>
      tpu.wait_indirect_dma semaphore(%arg13 : memref<!tpu.dma_semaphore, #tpu.memory_space<semaphore_mem>>) src(%dma_wait3A_281 : memref<62500x24xi32, #tpu.memory_space<vmem_shared>>) dst(%dma_wait3A_276 : memref<128x24xi32, #tpu.memory_space<vmem>>)
      %while3A_282 = arith.constant 0 : i32
      %while3A_283 = arith.constant 64 : i32
      %while3A_284 = arith.constant 0 : i32
      %while3A_285 = arith.subi %while3A_283, %while3A_282 : i32
      %while3A_286 = arith.addi %while3A_282, %while3A_285 : i32
      %while3A_287 = arith.constant 1 : i32
      %while3A_288 = arith.divsi %while3A_285, %while3A_287 : i32
      %while3A_289 = arith.muli %while3A_288, %while3A_287 : i32
      %while3A_290 = arith.addi %while3A_282, %while3A_289 : i32
      %while3A_291 = arith.constant 1 : i32
      %while3A_292 = scf.for %while3A_296 = %while3A_282 to %while3A_290 step %while3A_291 iter_args(%while3A_297 = %while3A_284) -> (i32)  : i32 {
        %mul3A_298 = arith.constant 16 : i32
        %mul3A_299 = arith.muli %while3A_296, %mul3A_298 : i32
        %get3A = arith.index_cast %mul3A_299 : i32 to index
        %get3A_300 = tpu.vector_load %arg9[%get3A] {strides = array<i32>} : memref<1024xi32, #tpu.memory_space<vmem>>, vector<16xi32>,
        %get3A_301 = arith.index_cast %mul3A_299 : i32 to index
        %get3A_302 = tpu.vector_load %arg7[%get3A_301] {strides = array<i32>} : memref<1024xi32, #tpu.memory_space<vmem>>, vector<16xi32>,
        %and3A_303 = arith.constant 7 : i32
        %and3A_304 = vector.broadcast %and3A_303 : i32 to vector<16xi32>
        %and3A_305 = arith.andi %get3A_302, %and3A_304 : vector<16xi32>
        %mul3A_306 = arith.constant 3 : i32
        %mul3A_307 = vector.broadcast %mul3A_306 : i32 to vector<16xi32>
        %mul3A_308 = arith.muli %and3A_305, %mul3A_307 : vector<16xi32>
        %slice3A = vector.extract_strided_slice %get3A_300 {offsets = [0], sizes = [1], strides = [1]} : vector<16xi32> to vector<1xi32>
        %squeeze3A = vector.extract %slice3A[0] : i32 from vector<1xi32>
        %slice3A_309 = vector.extract_strided_slice %get3A_300 {offsets = [15], sizes = [1], strides = [1]} : vector<16xi32> to vector<1xi32>
        %squeeze3A_310 = vector.extract %slice3A_309[0] : i32 from vector<1xi32>
        %eq3A_311 = arith.cmpi eq, %squeeze3A, %squeeze3A_310 : i32
        %convert_element_type3A_312 = arith.extui %eq3A_311 : i1 to i32
        %cond3A_313 = arith.constant 0 : i32
        %cond3A_314 = arith.constant 0 : i32
        %cond3A_315 = arith.cmpi ne, %convert_element_type3A_312, %cond3A_314 : i32
        %cond3A_316 = scf.if %cond3A_315 -> (i32) {
          %add3A_318 = arith.constant 0 : i32
          %add3A_319 = vector.broadcast %add3A_318 : i32 to vector<16xi32>
          %add3A_320 = arith.addi %add3A_319, %select_n3A : vector<16xi32>
          %and3A_321 = arith.constant 15 : i32
          %and3A_322 = vector.broadcast %and3A_321 : i32 to vector<16xi32>
          %and3A_323 = arith.andi %add3A_320, %and3A_322 : vector<16xi32>
          %broadcast_in_dim3A_324 = vector.shape_cast %and3A_323 : vector<16xi32> to vector<16x1xi32>
          %gather3A = vector.shape_cast %broadcast_in_dim3A_324 : vector<16x1xi32> to vector<16xi32>
          %gather3A_325 = tpu.dynamic_gather %mul3A_308[%gather3A] in [0] : vector<16xi32>, vector<16xi32> -> vector<16xi32>
          %add3A_326 = arith.addi %gather3A_325, %sub3A_37 : vector<16xi32>
          %add3A_327 = arith.constant 0 : i32
          %add3A_328 = arith.addi %mul3A_299, %add3A_327 : i32
          %add3A_329 = vector.broadcast %add3A_328 : i32 to vector<16xi32>
          %add3A_330 = arith.addi %add3A_329, %select_n3A : vector<16xi32>
          %gather3A_331 = tpu.vector_load_idx %arg10[%add3A_330, %add3A_326] : memref<1032x24xi32, #tpu.memory_space<vmem>>[vector<16xi32>, vector<16xi32>], vector<16xi32>,
          %xor3A = arith.xori %broadcast_in_dim3A_56, %gather3A_331 : vector<16xi32>
          %add3A_332 = arith.constant 4 : i32
          %add3A_333 = vector.broadcast %add3A_332 : i32 to vector<16xi32>
          %add3A_334 = arith.addi %add3A_333, %select_n3A : vector<16xi32>
          %and3A_335 = arith.constant 15 : i32
          %and3A_336 = vector.broadcast %and3A_335 : i32 to vector<16xi32>
          %and3A_337 = arith.andi %add3A_334, %and3A_336 : vector<16xi32>
          %broadcast_in_dim3A_338 = vector.shape_cast %and3A_337 : vector<16xi32> to vector<16x1xi32>
          %gather3A_339 = vector.shape_cast %broadcast_in_dim3A_338 : vector<16x1xi32> to vector<16xi32>
          %gather3A_340 = tpu.dynamic_gather %mul3A_308[%gather3A_339] in [0] : vector<16xi32>, vector<16xi32> -> vector<16xi32>
          %add3A_341 = arith.addi %gather3A_340, %sub3A_37 : vector<16xi32>
          %add3A_342 = arith.constant 4 : i32
          %add3A_343 = arith.addi %mul3A_299, %add3A_342 : i32
          %add3A_344 = vector.broadcast %add3A_343 : i32 to vector<16xi32>
          %add3A_345 = arith.addi %add3A_344, %select_n3A : vector<16xi32>
          %gather3A_346 = tpu.vector_load_idx %arg10[%add3A_345, %add3A_341] : memref<1032x24xi32, #tpu.memory_space<vmem>>[vector<16xi32>, vector<16xi32>], vector<16xi32>,
          %xor3A_347 = arith.xori %xor3A, %gather3A_346 : vector<16xi32>
          %add3A_348 = arith.constant 8 : i32
          %add3A_349 = vector.broadcast %add3A_348 : i32 to vector<16xi32>
          %add3A_350 = arith.addi %add3A_349, %select_n3A : vector<16xi32>
          %and3A_351 = arith.constant 15 : i32
          %and3A_352 = vector.broadcast %and3A_351 : i32 to vector<16xi32>
          %and3A_353 = arith.andi %add3A_350, %and3A_352 : vector<16xi32>
          %broadcast_in_dim3A_354 = vector.shape_cast %and3A_353 : vector<16xi32> to vector<16x1xi32>
          %gather3A_355 = vector.shape_cast %broadcast_in_dim3A_354 : vector<16x1xi32> to vector<16xi32>
          %gather3A_356 = tpu.dynamic_gather %mul3A_308[%gather3A_355] in [0] : vector<16xi32>, vector<16xi32> -> vector<16xi32>
          %add3A_357 = arith.addi %gather3A_356, %sub3A_37 : vector<16xi32>
          %add3A_358 = arith.constant 8 : i32
          %add3A_359 = arith.addi %mul3A_299, %add3A_358 : i32
          %add3A_360 = vector.broadcast %add3A_359 : i32 to vector<16xi32>
          %add3A_361 = arith.addi %add3A_360, %select_n3A : vector<16xi32>
          %gather3A_362 = tpu.vector_load_idx %arg10[%add3A_361, %add3A_357] : memref<1032x24xi32, #tpu.memory_space<vmem>>[vector<16xi32>, vector<16xi32>], vector<16xi32>,
          %xor3A_363 = arith.xori %xor3A_347, %gather3A_362 : vector<16xi32>
          %add3A_364 = arith.constant 12 : i32
          %add3A_365 = vector.broadcast %add3A_364 : i32 to vector<16xi32>
          %add3A_366 = arith.addi %add3A_365, %select_n3A : vector<16xi32>
          %and3A_367 = arith.constant 15 : i32
          %and3A_368 = vector.broadcast %and3A_367 : i32 to vector<16xi32>
          %and3A_369 = arith.andi %add3A_366, %and3A_368 : vector<16xi32>
          %broadcast_in_dim3A_370 = vector.shape_cast %and3A_369 : vector<16xi32> to vector<16x1xi32>
          %gather3A_371 = vector.shape_cast %broadcast_in_dim3A_370 : vector<16x1xi32> to vector<16xi32>
          %gather3A_372 = tpu.dynamic_gather %mul3A_308[%gather3A_371] in [0] : vector<16xi32>, vector<16xi32> -> vector<16xi32>
          %add3A_373 = arith.addi %gather3A_372, %sub3A_37 : vector<16xi32>
          %add3A_374 = arith.constant 12 : i32
          %add3A_375 = arith.addi %mul3A_299, %add3A_374 : i32
          %add3A_376 = vector.broadcast %add3A_375 : i32 to vector<16xi32>
          %add3A_377 = arith.addi %add3A_376, %select_n3A : vector<16xi32>
          %gather3A_378 = tpu.vector_load_idx %arg10[%add3A_377, %add3A_373] : memref<1032x24xi32, #tpu.memory_space<vmem>>[vector<16xi32>, vector<16xi32>], vector<16xi32>,
          %xor3A_379 = arith.xori %xor3A_363, %gather3A_378 : vector<16xi32>
          %broadcast_in_dim3A_380 = vector.shape_cast %and3A_43 : vector<16xi32> to vector<16x1xi32>
          %gather3A_381 = vector.shape_cast %broadcast_in_dim3A_380 : vector<16x1xi32> to vector<16xi32>
          %gather3A_382 = tpu.dynamic_gather %xor3A_379[%gather3A_381] in [0] : vector<16xi32>, vector<16xi32> -> vector<16xi32>
          %xor3A_383 = arith.xori %xor3A_379, %gather3A_382 : vector<16xi32>
          %broadcast_in_dim3A_384 = vector.shape_cast %and3A_49 : vector<16xi32> to vector<16x1xi32>
          %gather3A_385 = vector.shape_cast %broadcast_in_dim3A_384 : vector<16x1xi32> to vector<16xi32>
          %gather3A_386 = tpu.dynamic_gather %xor3A_383[%gather3A_385] in [0] : vector<16xi32>, vector<16xi32> -> vector<16xi32>
          %xor3A_387 = arith.xori %xor3A_383, %gather3A_386 : vector<16xi32>
          %slice3A_388 = vector.extract_strided_slice %get3A_300 {offsets = [0], sizes = [1], strides = [1]} : vector<16xi32> to vector<1xi32>
          %squeeze3A_389 = vector.extract %slice3A_388[0] : i32 from vector<1xi32>
          %ge3A = arith.cmpi sge, %squeeze3A_389, %mul3A_2 : i32
          %lt3A_390 = arith.cmpi slt, %squeeze3A_389, %add3A_4 : i32
          %and3A_391 = arith.andi %ge3A, %lt3A_390 : i1
          %sub3A_392 = arith.subi %squeeze3A_389, %mul3A_2 : i32
          %jit3A_393 = arith.constant 1568 : i32
          %select_n3A_394 = arith.select %and3A_391, %sub3A_392, %jit3A_393 : i32
          %mul3A_395 = arith.constant 4 : i32
          %mul3A_396 = arith.muli %select_n3A_394, %mul3A_395 : i32
          %add3A_397 = vector.broadcast %mul3A_396 : i32 to vector<16xi32>
          %add3A_398 = arith.addi %broadcast_in_dim3A_56, %add3A_397 : vector<16xi32>
          %add3A_399 = arith.addi %add3A_398, %and3A_52 : vector<16xi32>
          %gather3A_400 = tpu.vector_load_idx %arg11[%add3A_399] : memref<6304xi32, #tpu.memory_space<vmem>>[vector<16xi32>], vector<16xi32>,
          %xor3A_401 = arith.xori %gather3A_400, %xor3A_387 : vector<16xi32>
          tpu.vector_store_idx %arg11[%add3A_399], %xor3A_401 masked %lt3A_55 : memref<6304xi32, #tpu.memory_space<vmem>>[vector<16xi32>], vector<16xi32>, vector<16xi1>
          %cond3A_402 = arith.constant 0 : i32
          scf.yield %cond3A_402 : i32
        } else {
          %add3A_318 = arith.constant 0 : i32
          %add3A_319 = vector.broadcast %add3A_318 : i32 to vector<16xi32>
          %add3A_320 = arith.addi %broadcast_in_dim3A_56, %add3A_319 : vector<16xi32>
          %broadcast_in_dim3A_321 = vector.shape_cast %add3A_320 : vector<16xi32> to vector<16x1xi32>
          %gather3A = vector.shape_cast %broadcast_in_dim3A_321 : vector<16x1xi32> to vector<16xi32>
          %gather3A_322 = tpu.dynamic_gather %mul3A_308[%gather3A] in [0] : vector<16xi32>, vector<16xi32> -> vector<16xi32>
          %add3A_323 = arith.addi %gather3A_322, %sub3A_37 : vector<16xi32>
          %add3A_324 = arith.constant 0 : i32
          %add3A_325 = arith.addi %mul3A_299, %add3A_324 : i32
          %add3A_326 = vector.broadcast %add3A_325 : i32 to vector<16xi32>
          %add3A_327 = arith.addi %broadcast_in_dim3A_56, %add3A_326 : vector<16xi32>
          %gather3A_328 = tpu.vector_load_idx %arg10[%add3A_327, %add3A_323] : memref<1032x24xi32, #tpu.memory_space<vmem>>[vector<16xi32>, vector<16xi32>], vector<16xi32>,
          %slice3A_329 = vector.extract_strided_slice %get3A_300 {offsets = [0], sizes = [1], strides = [1]} : vector<16xi32> to vector<1xi32>
          %squeeze3A_330 = vector.extract %slice3A_329[0] : i32 from vector<1xi32>
          %ge3A = arith.cmpi sge, %squeeze3A_330, %mul3A_2 : i32
          %lt3A_331 = arith.cmpi slt, %squeeze3A_330, %add3A_4 : i32
          %and3A_332 = arith.andi %ge3A, %lt3A_331 : i1
          %sub3A_333 = arith.subi %squeeze3A_330, %mul3A_2 : i32
          %jit3A_334 = arith.constant 1568 : i32
          %select_n3A_335 = arith.select %and3A_332, %sub3A_333, %jit3A_334 : i32
          %mul3A_336 = arith.constant 4 : i32
          %mul3A_337 = arith.muli %select_n3A_335, %mul3A_336 : i32
          %add3A_338 = vector.broadcast %mul3A_337 : i32 to vector<16xi32>
          %add3A_339 = arith.addi %broadcast_in_dim3A_56, %add3A_338 : vector<16xi32>
          %add3A_340 = arith.addi %add3A_339, %and3A_52 : vector<16xi32>
          %gather3A_341 = tpu.vector_load_idx %arg11[%add3A_340] : memref<6304xi32, #tpu.memory_space<vmem>>[vector<16xi32>], vector<16xi32>,
          %xor3A = arith.xori %gather3A_341, %gather3A_328 : vector<16xi32>
          tpu.vector_store_idx %arg11[%add3A_340], %xor3A masked %lt3A_55 : memref<6304xi32, #tpu.memory_space<vmem>>[vector<16xi32>], vector<16xi32>, vector<16xi1>
          %add3A_342 = arith.constant 1 : i32
          %add3A_343 = vector.broadcast %add3A_342 : i32 to vector<16xi32>
          %add3A_344 = arith.addi %broadcast_in_dim3A_56, %add3A_343 : vector<16xi32>
          %broadcast_in_dim3A_345 = vector.shape_cast %add3A_344 : vector<16xi32> to vector<16x1xi32>
          %gather3A_346 = vector.shape_cast %broadcast_in_dim3A_345 : vector<16x1xi32> to vector<16xi32>
          %gather3A_347 = tpu.dynamic_gather %mul3A_308[%gather3A_346] in [0] : vector<16xi32>, vector<16xi32> -> vector<16xi32>
          %add3A_348 = arith.addi %gather3A_347, %sub3A_37 : vector<16xi32>
          %add3A_349 = arith.constant 1 : i32
          %add3A_350 = arith.addi %mul3A_299, %add3A_349 : i32
          %add3A_351 = vector.broadcast %add3A_350 : i32 to vector<16xi32>
          %add3A_352 = arith.addi %broadcast_in_dim3A_56, %add3A_351 : vector<16xi32>
          %gather3A_353 = tpu.vector_load_idx %arg10[%add3A_352, %add3A_348] : memref<1032x24xi32, #tpu.memory_space<vmem>>[vector<16xi32>, vector<16xi32>], vector<16xi32>,
          %slice3A_354 = vector.extract_strided_slice %get3A_300 {offsets = [1], sizes = [1], strides = [1]} : vector<16xi32> to vector<1xi32>
          %squeeze3A_355 = vector.extract %slice3A_354[0] : i32 from vector<1xi32>
          %ge3A_356 = arith.cmpi sge, %squeeze3A_355, %mul3A_2 : i32
          %lt3A_357 = arith.cmpi slt, %squeeze3A_355, %add3A_4 : i32
          %and3A_358 = arith.andi %ge3A_356, %lt3A_357 : i1
          %sub3A_359 = arith.subi %squeeze3A_355, %mul3A_2 : i32
          %jit3A_360 = arith.constant 1568 : i32
          %select_n3A_361 = arith.select %and3A_358, %sub3A_359, %jit3A_360 : i32
          %mul3A_362 = arith.constant 4 : i32
          %mul3A_363 = arith.muli %select_n3A_361, %mul3A_362 : i32
          %add3A_364 = vector.broadcast %mul3A_363 : i32 to vector<16xi32>
          %add3A_365 = arith.addi %broadcast_in_dim3A_56, %add3A_364 : vector<16xi32>
          %add3A_366 = arith.addi %add3A_365, %and3A_52 : vector<16xi32>
          %gather3A_367 = tpu.vector_load_idx %arg11[%add3A_366] : memref<6304xi32, #tpu.memory_space<vmem>>[vector<16xi32>], vector<16xi32>,
          %xor3A_368 = arith.xori %gather3A_367, %gather3A_353 : vector<16xi32>
          tpu.vector_store_idx %arg11[%add3A_366], %xor3A_368 masked %lt3A_55 : memref<6304xi32, #tpu.memory_space<vmem>>[vector<16xi32>], vector<16xi32>, vector<16xi1>
          %add3A_369 = arith.constant 2 : i32
          %add3A_370 = vector.broadcast %add3A_369 : i32 to vector<16xi32>
          %add3A_371 = arith.addi %broadcast_in_dim3A_56, %add3A_370 : vector<16xi32>
          %broadcast_in_dim3A_372 = vector.shape_cast %add3A_371 : vector<16xi32> to vector<16x1xi32>
          %gather3A_373 = vector.shape_cast %broadcast_in_dim3A_372 : vector<16x1xi32> to vector<16xi32>
          %gather3A_374 = tpu.dynamic_gather %mul3A_308[%gather3A_373] in [0] : vector<16xi32>, vector<16xi32> -> vector<16xi32>
          %add3A_375 = arith.addi %gather3A_374, %sub3A_37 : vector<16xi32>
          %add3A_376 = arith.constant 2 : i32
          %add3A_377 = arith.addi %mul3A_299, %add3A_376 : i32
          %add3A_378 = vector.broadcast %add3A_377 : i32 to vector<16xi32>
          %add3A_379 = arith.addi %broadcast_in_dim3A_56, %add3A_378 : vector<16xi32>
          %gather3A_380 = tpu.vector_load_idx %arg10[%add3A_379, %add3A_375] : memref<1032x24xi32, #tpu.memory_space<vmem>>[vector<16xi32>, vector<16xi32>], vector<16xi32>,
          %slice3A_381 = vector.extract_strided_slice %get3A_300 {offsets = [2], sizes = [1], strides = [1]} : vector<16xi32> to vector<1xi32>
          %squeeze3A_382 = vector.extract %slice3A_381[0] : i32 from vector<1xi32>
          %ge3A_383 = arith.cmpi sge, %squeeze3A_382, %mul3A_2 : i32
          %lt3A_384 = arith.cmpi slt, %squeeze3A_382, %add3A_4 : i32
          %and3A_385 = arith.andi %ge3A_383, %lt3A_384 : i1
          %sub3A_386 = arith.subi %squeeze3A_382, %mul3A_2 : i32
          %jit3A_387 = arith.constant 1568 : i32
          %select_n3A_388 = arith.select %and3A_385, %sub3A_386, %jit3A_387 : i32
          %mul3A_389 = arith.constant 4 : i32
          %mul3A_390 = arith.muli %select_n3A_388, %mul3A_389 : i32
          %add3A_391 = vector.broadcast %mul3A_390 : i32 to vector<16xi32>
          %add3A_392 = arith.addi %broadcast_in_dim3A_56, %add3A_391 : vector<16xi32>
          %add3A_393 = arith.addi %add3A_392, %and3A_52 : vector<16xi32>
          %gather3A_394 = tpu.vector_load_idx %arg11[%add3A_393] : memref<6304xi32, #tpu.memory_space<vmem>>[vector<16xi32>], vector<16xi32>,
          %xor3A_395 = arith.xori %gather3A_394, %gather3A_380 : vector<16xi32>
          tpu.vector_store_idx %arg11[%add3A_393], %xor3A_395 masked %lt3A_55 : memref<6304xi32, #tpu.memory_space<vmem>>[vector<16xi32>], vector<16xi32>, vector<16xi1>
          %add3A_396 = arith.constant 3 : i32
          %add3A_397 = vector.broadcast %add3A_396 : i32 to vector<16xi32>
          %add3A_398 = arith.addi %broadcast_in_dim3A_56, %add3A_397 : vector<16xi32>
          %broadcast_in_dim3A_399 = vector.shape_cast %add3A_398 : vector<16xi32> to vector<16x1xi32>
          %gather3A_400 = vector.shape_cast %broadcast_in_dim3A_399 : vector<16x1xi32> to vector<16xi32>
          %gather3A_401 = tpu.dynamic_gather %mul3A_308[%gather3A_400] in [0] : vector<16xi32>, vector<16xi32> -> vector<16xi32>
          %add3A_402 = arith.addi %gather3A_401, %sub3A_37 : vector<16xi32>
          %add3A_403 = arith.constant 3 : i32
          %add3A_404 = arith.addi %mul3A_299, %add3A_403 : i32
          %add3A_405 = vector.broadcast %add3A_404 : i32 to vector<16xi32>
          %add3A_406 = arith.addi %broadcast_in_dim3A_56, %add3A_405 : vector<16xi32>
          %gather3A_407 = tpu.vector_load_idx %arg10[%add3A_406, %add3A_402] : memref<1032x24xi32, #tpu.memory_space<vmem>>[vector<16xi32>, vector<16xi32>], vector<16xi32>,
          %slice3A_408 = vector.extract_strided_slice %get3A_300 {offsets = [3], sizes = [1], strides = [1]} : vector<16xi32> to vector<1xi32>
          %squeeze3A_409 = vector.extract %slice3A_408[0] : i32 from vector<1xi32>
          %ge3A_410 = arith.cmpi sge, %squeeze3A_409, %mul3A_2 : i32
          %lt3A_411 = arith.cmpi slt, %squeeze3A_409, %add3A_4 : i32
          %and3A_412 = arith.andi %ge3A_410, %lt3A_411 : i1
          %sub3A_413 = arith.subi %squeeze3A_409, %mul3A_2 : i32
          %jit3A_414 = arith.constant 1568 : i32
          %select_n3A_415 = arith.select %and3A_412, %sub3A_413, %jit3A_414 : i32
          %mul3A_416 = arith.constant 4 : i32
          %mul3A_417 = arith.muli %select_n3A_415, %mul3A_416 : i32
          %add3A_418 = vector.broadcast %mul3A_417 : i32 to vector<16xi32>
          %add3A_419 = arith.addi %broadcast_in_dim3A_56, %add3A_418 : vector<16xi32>
          %add3A_420 = arith.addi %add3A_419, %and3A_52 : vector<16xi32>
          %gather3A_421 = tpu.vector_load_idx %arg11[%add3A_420] : memref<6304xi32, #tpu.memory_space<vmem>>[vector<16xi32>], vector<16xi32>,
          %xor3A_422 = arith.xori %gather3A_421, %gather3A_407 : vector<16xi32>
          tpu.vector_store_idx %arg11[%add3A_420], %xor3A_422 masked %lt3A_55 : memref<6304xi32, #tpu.memory_space<vmem>>[vector<16xi32>], vector<16xi32>, vector<16xi1>
          %add3A_423 = arith.constant 4 : i32
          %add3A_424 = vector.broadcast %add3A_423 : i32 to vector<16xi32>
          %add3A_425 = arith.addi %broadcast_in_dim3A_56, %add3A_424 : vector<16xi32>
          %broadcast_in_dim3A_426 = vector.shape_cast %add3A_425 : vector<16xi32> to vector<16x1xi32>
          %gather3A_427 = vector.shape_cast %broadcast_in_dim3A_426 : vector<16x1xi32> to vector<16xi32>
          %gather3A_428 = tpu.dynamic_gather %mul3A_308[%gather3A_427] in [0] : vector<16xi32>, vector<16xi32> -> vector<16xi32>
          %add3A_429 = arith.addi %gather3A_428, %sub3A_37 : vector<16xi32>
          %add3A_430 = arith.constant 4 : i32
          %add3A_431 = arith.addi %mul3A_299, %add3A_430 : i32
          %add3A_432 = vector.broadcast %add3A_431 : i32 to vector<16xi32>
          %add3A_433 = arith.addi %broadcast_in_dim3A_56, %add3A_432 : vector<16xi32>
          %gather3A_434 = tpu.vector_load_idx %arg10[%add3A_433, %add3A_429] : memref<1032x24xi32, #tpu.memory_space<vmem>>[vector<16xi32>, vector<16xi32>], vector<16xi32>,
          %slice3A_435 = vector.extract_strided_slice %get3A_300 {offsets = [4], sizes = [1], strides = [1]} : vector<16xi32> to vector<1xi32>
          %squeeze3A_436 = vector.extract %slice3A_435[0] : i32 from vector<1xi32>
          %ge3A_437 = arith.cmpi sge, %squeeze3A_436, %mul3A_2 : i32
          %lt3A_438 = arith.cmpi slt, %squeeze3A_436, %add3A_4 : i32
          %and3A_439 = arith.andi %ge3A_437, %lt3A_438 : i1
          %sub3A_440 = arith.subi %squeeze3A_436, %mul3A_2 : i32
          %jit3A_441 = arith.constant 1568 : i32
          %select_n3A_442 = arith.select %and3A_439, %sub3A_440, %jit3A_441 : i32
          %mul3A_443 = arith.constant 4 : i32
          %mul3A_444 = arith.muli %select_n3A_442, %mul3A_443 : i32
          %add3A_445 = vector.broadcast %mul3A_444 : i32 to vector<16xi32>
          %add3A_446 = arith.addi %broadcast_in_dim3A_56, %add3A_445 : vector<16xi32>
          %add3A_447 = arith.addi %add3A_446, %and3A_52 : vector<16xi32>
          %gather3A_448 = tpu.vector_load_idx %arg11[%add3A_447] : memref<6304xi32, #tpu.memory_space<vmem>>[vector<16xi32>], vector<16xi32>,
          %xor3A_449 = arith.xori %gather3A_448, %gather3A_434 : vector<16xi32>
          tpu.vector_store_idx %arg11[%add3A_447], %xor3A_449 masked %lt3A_55 : memref<6304xi32, #tpu.memory_space<vmem>>[vector<16xi32>], vector<16xi32>, vector<16xi1>
          %add3A_450 = arith.constant 5 : i32
          %add3A_451 = vector.broadcast %add3A_450 : i32 to vector<16xi32>
          %add3A_452 = arith.addi %broadcast_in_dim3A_56, %add3A_451 : vector<16xi32>
          %broadcast_in_dim3A_453 = vector.shape_cast %add3A_452 : vector<16xi32> to vector<16x1xi32>
          %gather3A_454 = vector.shape_cast %broadcast_in_dim3A_453 : vector<16x1xi32> to vector<16xi32>
          %gather3A_455 = tpu.dynamic_gather %mul3A_308[%gather3A_454] in [0] : vector<16xi32>, vector<16xi32> -> vector<16xi32>
          %add3A_456 = arith.addi %gather3A_455, %sub3A_37 : vector<16xi32>
          %add3A_457 = arith.constant 5 : i32
          %add3A_458 = arith.addi %mul3A_299, %add3A_457 : i32
          %add3A_459 = vector.broadcast %add3A_458 : i32 to vector<16xi32>
          %add3A_460 = arith.addi %broadcast_in_dim3A_56, %add3A_459 : vector<16xi32>
          %gather3A_461 = tpu.vector_load_idx %arg10[%add3A_460, %add3A_456] : memref<1032x24xi32, #tpu.memory_space<vmem>>[vector<16xi32>, vector<16xi32>], vector<16xi32>,
          %slice3A_462 = vector.extract_strided_slice %get3A_300 {offsets = [5], sizes = [1], strides = [1]} : vector<16xi32> to vector<1xi32>
          %squeeze3A_463 = vector.extract %slice3A_462[0] : i32 from vector<1xi32>
          %ge3A_464 = arith.cmpi sge, %squeeze3A_463, %mul3A_2 : i32
          %lt3A_465 = arith.cmpi slt, %squeeze3A_463, %add3A_4 : i32
          %and3A_466 = arith.andi %ge3A_464, %lt3A_465 : i1
          %sub3A_467 = arith.subi %squeeze3A_463, %mul3A_2 : i32
          %jit3A_468 = arith.constant 1568 : i32
          %select_n3A_469 = arith.select %and3A_466, %sub3A_467, %jit3A_468 : i32
          %mul3A_470 = arith.constant 4 : i32
          %mul3A_471 = arith.muli %select_n3A_469, %mul3A_470 : i32
          %add3A_472 = vector.broadcast %mul3A_471 : i32 to vector<16xi32>
          %add3A_473 = arith.addi %broadcast_in_dim3A_56, %add3A_472 : vector<16xi32>
          %add3A_474 = arith.addi %add3A_473, %and3A_52 : vector<16xi32>
          %gather3A_475 = tpu.vector_load_idx %arg11[%add3A_474] : memref<6304xi32, #tpu.memory_space<vmem>>[vector<16xi32>], vector<16xi32>,
          %xor3A_476 = arith.xori %gather3A_475, %gather3A_461 : vector<16xi32>
          tpu.vector_store_idx %arg11[%add3A_474], %xor3A_476 masked %lt3A_55 : memref<6304xi32, #tpu.memory_space<vmem>>[vector<16xi32>], vector<16xi32>, vector<16xi1>
          %add3A_477 = arith.constant 6 : i32
          %add3A_478 = vector.broadcast %add3A_477 : i32 to vector<16xi32>
          %add3A_479 = arith.addi %broadcast_in_dim3A_56, %add3A_478 : vector<16xi32>
          %broadcast_in_dim3A_480 = vector.shape_cast %add3A_479 : vector<16xi32> to vector<16x1xi32>
          %gather3A_481 = vector.shape_cast %broadcast_in_dim3A_480 : vector<16x1xi32> to vector<16xi32>
          %gather3A_482 = tpu.dynamic_gather %mul3A_308[%gather3A_481] in [0] : vector<16xi32>, vector<16xi32> -> vector<16xi32>
          %add3A_483 = arith.addi %gather3A_482, %sub3A_37 : vector<16xi32>
          %add3A_484 = arith.constant 6 : i32
          %add3A_485 = arith.addi %mul3A_299, %add3A_484 : i32
          %add3A_486 = vector.broadcast %add3A_485 : i32 to vector<16xi32>
          %add3A_487 = arith.addi %broadcast_in_dim3A_56, %add3A_486 : vector<16xi32>
          %gather3A_488 = tpu.vector_load_idx %arg10[%add3A_487, %add3A_483] : memref<1032x24xi32, #tpu.memory_space<vmem>>[vector<16xi32>, vector<16xi32>], vector<16xi32>,
          %slice3A_489 = vector.extract_strided_slice %get3A_300 {offsets = [6], sizes = [1], strides = [1]} : vector<16xi32> to vector<1xi32>
          %squeeze3A_490 = vector.extract %slice3A_489[0] : i32 from vector<1xi32>
          %ge3A_491 = arith.cmpi sge, %squeeze3A_490, %mul3A_2 : i32
          %lt3A_492 = arith.cmpi slt, %squeeze3A_490, %add3A_4 : i32
          %and3A_493 = arith.andi %ge3A_491, %lt3A_492 : i1
          %sub3A_494 = arith.subi %squeeze3A_490, %mul3A_2 : i32
          %jit3A_495 = arith.constant 1568 : i32
          %select_n3A_496 = arith.select %and3A_493, %sub3A_494, %jit3A_495 : i32
          %mul3A_497 = arith.constant 4 : i32
          %mul3A_498 = arith.muli %select_n3A_496, %mul3A_497 : i32
          %add3A_499 = vector.broadcast %mul3A_498 : i32 to vector<16xi32>
          %add3A_500 = arith.addi %broadcast_in_dim3A_56, %add3A_499 : vector<16xi32>
          %add3A_501 = arith.addi %add3A_500, %and3A_52 : vector<16xi32>
          %gather3A_502 = tpu.vector_load_idx %arg11[%add3A_501] : memref<6304xi32, #tpu.memory_space<vmem>>[vector<16xi32>], vector<16xi32>,
          %xor3A_503 = arith.xori %gather3A_502, %gather3A_488 : vector<16xi32>
          tpu.vector_store_idx %arg11[%add3A_501], %xor3A_503 masked %lt3A_55 : memref<6304xi32, #tpu.memory_space<vmem>>[vector<16xi32>], vector<16xi32>, vector<16xi1>
          %add3A_504 = arith.constant 7 : i32
          %add3A_505 = vector.broadcast %add3A_504 : i32 to vector<16xi32>
          %add3A_506 = arith.addi %broadcast_in_dim3A_56, %add3A_505 : vector<16xi32>
          %broadcast_in_dim3A_507 = vector.shape_cast %add3A_506 : vector<16xi32> to vector<16x1xi32>
          %gather3A_508 = vector.shape_cast %broadcast_in_dim3A_507 : vector<16x1xi32> to vector<16xi32>
          %gather3A_509 = tpu.dynamic_gather %mul3A_308[%gather3A_508] in [0] : vector<16xi32>, vector<16xi32> -> vector<16xi32>
          %add3A_510 = arith.addi %gather3A_509, %sub3A_37 : vector<16xi32>
          %add3A_511 = arith.constant 7 : i32
          %add3A_512 = arith.addi %mul3A_299, %add3A_511 : i32
          %add3A_513 = vector.broadcast %add3A_512 : i32 to vector<16xi32>
          %add3A_514 = arith.addi %broadcast_in_dim3A_56, %add3A_513 : vector<16xi32>
          %gather3A_515 = tpu.vector_load_idx %arg10[%add3A_514, %add3A_510] : memref<1032x24xi32, #tpu.memory_space<vmem>>[vector<16xi32>, vector<16xi32>], vector<16xi32>,
          %slice3A_516 = vector.extract_strided_slice %get3A_300 {offsets = [7], sizes = [1], strides = [1]} : vector<16xi32> to vector<1xi32>
          %squeeze3A_517 = vector.extract %slice3A_516[0] : i32 from vector<1xi32>
          %ge3A_518 = arith.cmpi sge, %squeeze3A_517, %mul3A_2 : i32
          %lt3A_519 = arith.cmpi slt, %squeeze3A_517, %add3A_4 : i32
          %and3A_520 = arith.andi %ge3A_518, %lt3A_519 : i1
          %sub3A_521 = arith.subi %squeeze3A_517, %mul3A_2 : i32
          %jit3A_522 = arith.constant 1568 : i32
          %select_n3A_523 = arith.select %and3A_520, %sub3A_521, %jit3A_522 : i32
          %mul3A_524 = arith.constant 4 : i32
          %mul3A_525 = arith.muli %select_n3A_523, %mul3A_524 : i32
          %add3A_526 = vector.broadcast %mul3A_525 : i32 to vector<16xi32>
          %add3A_527 = arith.addi %broadcast_in_dim3A_56, %add3A_526 : vector<16xi32>
          %add3A_528 = arith.addi %add3A_527, %and3A_52 : vector<16xi32>
          %gather3A_529 = tpu.vector_load_idx %arg11[%add3A_528] : memref<6304xi32, #tpu.memory_space<vmem>>[vector<16xi32>], vector<16xi32>,
          %xor3A_530 = arith.xori %gather3A_529, %gather3A_515 : vector<16xi32>
          tpu.vector_store_idx %arg11[%add3A_528], %xor3A_530 masked %lt3A_55 : memref<6304xi32, #tpu.memory_space<vmem>>[vector<16xi32>], vector<16xi32>, vector<16xi1>
          %add3A_531 = arith.constant 8 : i32
          %add3A_532 = vector.broadcast %add3A_531 : i32 to vector<16xi32>
          %add3A_533 = arith.addi %broadcast_in_dim3A_56, %add3A_532 : vector<16xi32>
          %broadcast_in_dim3A_534 = vector.shape_cast %add3A_533 : vector<16xi32> to vector<16x1xi32>
          %gather3A_535 = vector.shape_cast %broadcast_in_dim3A_534 : vector<16x1xi32> to vector<16xi32>
          %gather3A_536 = tpu.dynamic_gather %mul3A_308[%gather3A_535] in [0] : vector<16xi32>, vector<16xi32> -> vector<16xi32>
          %add3A_537 = arith.addi %gather3A_536, %sub3A_37 : vector<16xi32>
          %add3A_538 = arith.constant 8 : i32
          %add3A_539 = arith.addi %mul3A_299, %add3A_538 : i32
          %add3A_540 = vector.broadcast %add3A_539 : i32 to vector<16xi32>
          %add3A_541 = arith.addi %broadcast_in_dim3A_56, %add3A_540 : vector<16xi32>
          %gather3A_542 = tpu.vector_load_idx %arg10[%add3A_541, %add3A_537] : memref<1032x24xi32, #tpu.memory_space<vmem>>[vector<16xi32>, vector<16xi32>], vector<16xi32>,
          %slice3A_543 = vector.extract_strided_slice %get3A_300 {offsets = [8], sizes = [1], strides = [1]} : vector<16xi32> to vector<1xi32>
          %squeeze3A_544 = vector.extract %slice3A_543[0] : i32 from vector<1xi32>
          %ge3A_545 = arith.cmpi sge, %squeeze3A_544, %mul3A_2 : i32
          %lt3A_546 = arith.cmpi slt, %squeeze3A_544, %add3A_4 : i32
          %and3A_547 = arith.andi %ge3A_545, %lt3A_546 : i1
          %sub3A_548 = arith.subi %squeeze3A_544, %mul3A_2 : i32
          %jit3A_549 = arith.constant 1568 : i32
          %select_n3A_550 = arith.select %and3A_547, %sub3A_548, %jit3A_549 : i32
          %mul3A_551 = arith.constant 4 : i32
          %mul3A_552 = arith.muli %select_n3A_550, %mul3A_551 : i32
          %add3A_553 = vector.broadcast %mul3A_552 : i32 to vector<16xi32>
          %add3A_554 = arith.addi %broadcast_in_dim3A_56, %add3A_553 : vector<16xi32>
          %add3A_555 = arith.addi %add3A_554, %and3A_52 : vector<16xi32>
          %gather3A_556 = tpu.vector_load_idx %arg11[%add3A_555] : memref<6304xi32, #tpu.memory_space<vmem>>[vector<16xi32>], vector<16xi32>,
          %xor3A_557 = arith.xori %gather3A_556, %gather3A_542 : vector<16xi32>
          tpu.vector_store_idx %arg11[%add3A_555], %xor3A_557 masked %lt3A_55 : memref<6304xi32, #tpu.memory_space<vmem>>[vector<16xi32>], vector<16xi32>, vector<16xi1>
          %add3A_558 = arith.constant 9 : i32
          %add3A_559 = vector.broadcast %add3A_558 : i32 to vector<16xi32>
          %add3A_560 = arith.addi %broadcast_in_dim3A_56, %add3A_559 : vector<16xi32>
          %broadcast_in_dim3A_561 = vector.shape_cast %add3A_560 : vector<16xi32> to vector<16x1xi32>
          %gather3A_562 = vector.shape_cast %broadcast_in_dim3A_561 : vector<16x1xi32> to vector<16xi32>
          %gather3A_563 = tpu.dynamic_gather %mul3A_308[%gather3A_562] in [0] : vector<16xi32>, vector<16xi32> -> vector<16xi32>
          %add3A_564 = arith.addi %gather3A_563, %sub3A_37 : vector<16xi32>
          %add3A_565 = arith.constant 9 : i32
          %add3A_566 = arith.addi %mul3A_299, %add3A_565 : i32
          %add3A_567 = vector.broadcast %add3A_566 : i32 to vector<16xi32>
          %add3A_568 = arith.addi %broadcast_in_dim3A_56, %add3A_567 : vector<16xi32>
          %gather3A_569 = tpu.vector_load_idx %arg10[%add3A_568, %add3A_564] : memref<1032x24xi32, #tpu.memory_space<vmem>>[vector<16xi32>, vector<16xi32>], vector<16xi32>,
          %slice3A_570 = vector.extract_strided_slice %get3A_300 {offsets = [9], sizes = [1], strides = [1]} : vector<16xi32> to vector<1xi32>
          %squeeze3A_571 = vector.extract %slice3A_570[0] : i32 from vector<1xi32>
          %ge3A_572 = arith.cmpi sge, %squeeze3A_571, %mul3A_2 : i32
          %lt3A_573 = arith.cmpi slt, %squeeze3A_571, %add3A_4 : i32
          %and3A_574 = arith.andi %ge3A_572, %lt3A_573 : i1
          %sub3A_575 = arith.subi %squeeze3A_571, %mul3A_2 : i32
          %jit3A_576 = arith.constant 1568 : i32
          %select_n3A_577 = arith.select %and3A_574, %sub3A_575, %jit3A_576 : i32
          %mul3A_578 = arith.constant 4 : i32
          %mul3A_579 = arith.muli %select_n3A_577, %mul3A_578 : i32
          %add3A_580 = vector.broadcast %mul3A_579 : i32 to vector<16xi32>
          %add3A_581 = arith.addi %broadcast_in_dim3A_56, %add3A_580 : vector<16xi32>
          %add3A_582 = arith.addi %add3A_581, %and3A_52 : vector<16xi32>
          %gather3A_583 = tpu.vector_load_idx %arg11[%add3A_582] : memref<6304xi32, #tpu.memory_space<vmem>>[vector<16xi32>], vector<16xi32>,
          %xor3A_584 = arith.xori %gather3A_583, %gather3A_569 : vector<16xi32>
          tpu.vector_store_idx %arg11[%add3A_582], %xor3A_584 masked %lt3A_55 : memref<6304xi32, #tpu.memory_space<vmem>>[vector<16xi32>], vector<16xi32>, vector<16xi1>
          %add3A_585 = arith.constant 10 : i32
          %add3A_586 = vector.broadcast %add3A_585 : i32 to vector<16xi32>
          %add3A_587 = arith.addi %broadcast_in_dim3A_56, %add3A_586 : vector<16xi32>
          %broadcast_in_dim3A_588 = vector.shape_cast %add3A_587 : vector<16xi32> to vector<16x1xi32>
          %gather3A_589 = vector.shape_cast %broadcast_in_dim3A_588 : vector<16x1xi32> to vector<16xi32>
          %gather3A_590 = tpu.dynamic_gather %mul3A_308[%gather3A_589] in [0] : vector<16xi32>, vector<16xi32> -> vector<16xi32>
          %add3A_591 = arith.addi %gather3A_590, %sub3A_37 : vector<16xi32>
          %add3A_592 = arith.constant 10 : i32
          %add3A_593 = arith.addi %mul3A_299, %add3A_592 : i32
          %add3A_594 = vector.broadcast %add3A_593 : i32 to vector<16xi32>
          %add3A_595 = arith.addi %broadcast_in_dim3A_56, %add3A_594 : vector<16xi32>
          %gather3A_596 = tpu.vector_load_idx %arg10[%add3A_595, %add3A_591] : memref<1032x24xi32, #tpu.memory_space<vmem>>[vector<16xi32>, vector<16xi32>], vector<16xi32>,
          %slice3A_597 = vector.extract_strided_slice %get3A_300 {offsets = [10], sizes = [1], strides = [1]} : vector<16xi32> to vector<1xi32>
          %squeeze3A_598 = vector.extract %slice3A_597[0] : i32 from vector<1xi32>
          %ge3A_599 = arith.cmpi sge, %squeeze3A_598, %mul3A_2 : i32
          %lt3A_600 = arith.cmpi slt, %squeeze3A_598, %add3A_4 : i32
          %and3A_601 = arith.andi %ge3A_599, %lt3A_600 : i1
          %sub3A_602 = arith.subi %squeeze3A_598, %mul3A_2 : i32
          %jit3A_603 = arith.constant 1568 : i32
          %select_n3A_604 = arith.select %and3A_601, %sub3A_602, %jit3A_603 : i32
          %mul3A_605 = arith.constant 4 : i32
          %mul3A_606 = arith.muli %select_n3A_604, %mul3A_605 : i32
          %add3A_607 = vector.broadcast %mul3A_606 : i32 to vector<16xi32>
          %add3A_608 = arith.addi %broadcast_in_dim3A_56, %add3A_607 : vector<16xi32>
          %add3A_609 = arith.addi %add3A_608, %and3A_52 : vector<16xi32>
          %gather3A_610 = tpu.vector_load_idx %arg11[%add3A_609] : memref<6304xi32, #tpu.memory_space<vmem>>[vector<16xi32>], vector<16xi32>,
          %xor3A_611 = arith.xori %gather3A_610, %gather3A_596 : vector<16xi32>
          tpu.vector_store_idx %arg11[%add3A_609], %xor3A_611 masked %lt3A_55 : memref<6304xi32, #tpu.memory_space<vmem>>[vector<16xi32>], vector<16xi32>, vector<16xi1>
          %add3A_612 = arith.constant 11 : i32
          %add3A_613 = vector.broadcast %add3A_612 : i32 to vector<16xi32>
          %add3A_614 = arith.addi %broadcast_in_dim3A_56, %add3A_613 : vector<16xi32>
          %broadcast_in_dim3A_615 = vector.shape_cast %add3A_614 : vector<16xi32> to vector<16x1xi32>
          %gather3A_616 = vector.shape_cast %broadcast_in_dim3A_615 : vector<16x1xi32> to vector<16xi32>
          %gather3A_617 = tpu.dynamic_gather %mul3A_308[%gather3A_616] in [0] : vector<16xi32>, vector<16xi32> -> vector<16xi32>
          %add3A_618 = arith.addi %gather3A_617, %sub3A_37 : vector<16xi32>
          %add3A_619 = arith.constant 11 : i32
          %add3A_620 = arith.addi %mul3A_299, %add3A_619 : i32
          %add3A_621 = vector.broadcast %add3A_620 : i32 to vector<16xi32>
          %add3A_622 = arith.addi %broadcast_in_dim3A_56, %add3A_621 : vector<16xi32>
          %gather3A_623 = tpu.vector_load_idx %arg10[%add3A_622, %add3A_618] : memref<1032x24xi32, #tpu.memory_space<vmem>>[vector<16xi32>, vector<16xi32>], vector<16xi32>,
          %slice3A_624 = vector.extract_strided_slice %get3A_300 {offsets = [11], sizes = [1], strides = [1]} : vector<16xi32> to vector<1xi32>
          %squeeze3A_625 = vector.extract %slice3A_624[0] : i32 from vector<1xi32>
          %ge3A_626 = arith.cmpi sge, %squeeze3A_625, %mul3A_2 : i32
          %lt3A_627 = arith.cmpi slt, %squeeze3A_625, %add3A_4 : i32
          %and3A_628 = arith.andi %ge3A_626, %lt3A_627 : i1
          %sub3A_629 = arith.subi %squeeze3A_625, %mul3A_2 : i32
          %jit3A_630 = arith.constant 1568 : i32
          %select_n3A_631 = arith.select %and3A_628, %sub3A_629, %jit3A_630 : i32
          %mul3A_632 = arith.constant 4 : i32
          %mul3A_633 = arith.muli %select_n3A_631, %mul3A_632 : i32
          %add3A_634 = vector.broadcast %mul3A_633 : i32 to vector<16xi32>
          %add3A_635 = arith.addi %broadcast_in_dim3A_56, %add3A_634 : vector<16xi32>
          %add3A_636 = arith.addi %add3A_635, %and3A_52 : vector<16xi32>
          %gather3A_637 = tpu.vector_load_idx %arg11[%add3A_636] : memref<6304xi32, #tpu.memory_space<vmem>>[vector<16xi32>], vector<16xi32>,
          %xor3A_638 = arith.xori %gather3A_637, %gather3A_623 : vector<16xi32>
          tpu.vector_store_idx %arg11[%add3A_636], %xor3A_638 masked %lt3A_55 : memref<6304xi32, #tpu.memory_space<vmem>>[vector<16xi32>], vector<16xi32>, vector<16xi1>
          %add3A_639 = arith.constant 12 : i32
          %add3A_640 = vector.broadcast %add3A_639 : i32 to vector<16xi32>
          %add3A_641 = arith.addi %broadcast_in_dim3A_56, %add3A_640 : vector<16xi32>
          %broadcast_in_dim3A_642 = vector.shape_cast %add3A_641 : vector<16xi32> to vector<16x1xi32>
          %gather3A_643 = vector.shape_cast %broadcast_in_dim3A_642 : vector<16x1xi32> to vector<16xi32>
          %gather3A_644 = tpu.dynamic_gather %mul3A_308[%gather3A_643] in [0] : vector<16xi32>, vector<16xi32> -> vector<16xi32>
          %add3A_645 = arith.addi %gather3A_644, %sub3A_37 : vector<16xi32>
          %add3A_646 = arith.constant 12 : i32
          %add3A_647 = arith.addi %mul3A_299, %add3A_646 : i32
          %add3A_648 = vector.broadcast %add3A_647 : i32 to vector<16xi32>
          %add3A_649 = arith.addi %broadcast_in_dim3A_56, %add3A_648 : vector<16xi32>
          %gather3A_650 = tpu.vector_load_idx %arg10[%add3A_649, %add3A_645] : memref<1032x24xi32, #tpu.memory_space<vmem>>[vector<16xi32>, vector<16xi32>], vector<16xi32>,
          %slice3A_651 = vector.extract_strided_slice %get3A_300 {offsets = [12], sizes = [1], strides = [1]} : vector<16xi32> to vector<1xi32>
          %squeeze3A_652 = vector.extract %slice3A_651[0] : i32 from vector<1xi32>
          %ge3A_653 = arith.cmpi sge, %squeeze3A_652, %mul3A_2 : i32
          %lt3A_654 = arith.cmpi slt, %squeeze3A_652, %add3A_4 : i32
          %and3A_655 = arith.andi %ge3A_653, %lt3A_654 : i1
          %sub3A_656 = arith.subi %squeeze3A_652, %mul3A_2 : i32
          %jit3A_657 = arith.constant 1568 : i32
          %select_n3A_658 = arith.select %and3A_655, %sub3A_656, %jit3A_657 : i32
          %mul3A_659 = arith.constant 4 : i32
          %mul3A_660 = arith.muli %select_n3A_658, %mul3A_659 : i32
          %add3A_661 = vector.broadcast %mul3A_660 : i32 to vector<16xi32>
          %add3A_662 = arith.addi %broadcast_in_dim3A_56, %add3A_661 : vector<16xi32>
          %add3A_663 = arith.addi %add3A_662, %and3A_52 : vector<16xi32>
          %gather3A_664 = tpu.vector_load_idx %arg11[%add3A_663] : memref<6304xi32, #tpu.memory_space<vmem>>[vector<16xi32>], vector<16xi32>,
          %xor3A_665 = arith.xori %gather3A_664, %gather3A_650 : vector<16xi32>
          tpu.vector_store_idx %arg11[%add3A_663], %xor3A_665 masked %lt3A_55 : memref<6304xi32, #tpu.memory_space<vmem>>[vector<16xi32>], vector<16xi32>, vector<16xi1>
          %add3A_666 = arith.constant 13 : i32
          %add3A_667 = vector.broadcast %add3A_666 : i32 to vector<16xi32>
          %add3A_668 = arith.addi %broadcast_in_dim3A_56, %add3A_667 : vector<16xi32>
          %broadcast_in_dim3A_669 = vector.shape_cast %add3A_668 : vector<16xi32> to vector<16x1xi32>
          %gather3A_670 = vector.shape_cast %broadcast_in_dim3A_669 : vector<16x1xi32> to vector<16xi32>
          %gather3A_671 = tpu.dynamic_gather %mul3A_308[%gather3A_670] in [0] : vector<16xi32>, vector<16xi32> -> vector<16xi32>
          %add3A_672 = arith.addi %gather3A_671, %sub3A_37 : vector<16xi32>
          %add3A_673 = arith.constant 13 : i32
          %add3A_674 = arith.addi %mul3A_299, %add3A_673 : i32
          %add3A_675 = vector.broadcast %add3A_674 : i32 to vector<16xi32>
          %add3A_676 = arith.addi %broadcast_in_dim3A_56, %add3A_675 : vector<16xi32>
          %gather3A_677 = tpu.vector_load_idx %arg10[%add3A_676, %add3A_672] : memref<1032x24xi32, #tpu.memory_space<vmem>>[vector<16xi32>, vector<16xi32>], vector<16xi32>,
          %slice3A_678 = vector.extract_strided_slice %get3A_300 {offsets = [13], sizes = [1], strides = [1]} : vector<16xi32> to vector<1xi32>
          %squeeze3A_679 = vector.extract %slice3A_678[0] : i32 from vector<1xi32>
          %ge3A_680 = arith.cmpi sge, %squeeze3A_679, %mul3A_2 : i32
          %lt3A_681 = arith.cmpi slt, %squeeze3A_679, %add3A_4 : i32
          %and3A_682 = arith.andi %ge3A_680, %lt3A_681 : i1
          %sub3A_683 = arith.subi %squeeze3A_679, %mul3A_2 : i32
          %jit3A_684 = arith.constant 1568 : i32
          %select_n3A_685 = arith.select %and3A_682, %sub3A_683, %jit3A_684 : i32
          %mul3A_686 = arith.constant 4 : i32
          %mul3A_687 = arith.muli %select_n3A_685, %mul3A_686 : i32
          %add3A_688 = vector.broadcast %mul3A_687 : i32 to vector<16xi32>
          %add3A_689 = arith.addi %broadcast_in_dim3A_56, %add3A_688 : vector<16xi32>
          %add3A_690 = arith.addi %add3A_689, %and3A_52 : vector<16xi32>
          %gather3A_691 = tpu.vector_load_idx %arg11[%add3A_690] : memref<6304xi32, #tpu.memory_space<vmem>>[vector<16xi32>], vector<16xi32>,
          %xor3A_692 = arith.xori %gather3A_691, %gather3A_677 : vector<16xi32>
          tpu.vector_store_idx %arg11[%add3A_690], %xor3A_692 masked %lt3A_55 : memref<6304xi32, #tpu.memory_space<vmem>>[vector<16xi32>], vector<16xi32>, vector<16xi1>
          %add3A_693 = arith.constant 14 : i32
          %add3A_694 = vector.broadcast %add3A_693 : i32 to vector<16xi32>
          %add3A_695 = arith.addi %broadcast_in_dim3A_56, %add3A_694 : vector<16xi32>
          %broadcast_in_dim3A_696 = vector.shape_cast %add3A_695 : vector<16xi32> to vector<16x1xi32>
          %gather3A_697 = vector.shape_cast %broadcast_in_dim3A_696 : vector<16x1xi32> to vector<16xi32>
          %gather3A_698 = tpu.dynamic_gather %mul3A_308[%gather3A_697] in [0] : vector<16xi32>, vector<16xi32> -> vector<16xi32>
          %add3A_699 = arith.addi %gather3A_698, %sub3A_37 : vector<16xi32>
          %add3A_700 = arith.constant 14 : i32
          %add3A_701 = arith.addi %mul3A_299, %add3A_700 : i32
          %add3A_702 = vector.broadcast %add3A_701 : i32 to vector<16xi32>
          %add3A_703 = arith.addi %broadcast_in_dim3A_56, %add3A_702 : vector<16xi32>
          %gather3A_704 = tpu.vector_load_idx %arg10[%add3A_703, %add3A_699] : memref<1032x24xi32, #tpu.memory_space<vmem>>[vector<16xi32>, vector<16xi32>], vector<16xi32>,
          %slice3A_705 = vector.extract_strided_slice %get3A_300 {offsets = [14], sizes = [1], strides = [1]} : vector<16xi32> to vector<1xi32>
          %squeeze3A_706 = vector.extract %slice3A_705[0] : i32 from vector<1xi32>
          %ge3A_707 = arith.cmpi sge, %squeeze3A_706, %mul3A_2 : i32
          %lt3A_708 = arith.cmpi slt, %squeeze3A_706, %add3A_4 : i32
          %and3A_709 = arith.andi %ge3A_707, %lt3A_708 : i1
          %sub3A_710 = arith.subi %squeeze3A_706, %mul3A_2 : i32
          %jit3A_711 = arith.constant 1568 : i32
          %select_n3A_712 = arith.select %and3A_709, %sub3A_710, %jit3A_711 : i32
          %mul3A_713 = arith.constant 4 : i32
          %mul3A_714 = arith.muli %select_n3A_712, %mul3A_713 : i32
          %add3A_715 = vector.broadcast %mul3A_714 : i32 to vector<16xi32>
          %add3A_716 = arith.addi %broadcast_in_dim3A_56, %add3A_715 : vector<16xi32>
          %add3A_717 = arith.addi %add3A_716, %and3A_52 : vector<16xi32>
          %gather3A_718 = tpu.vector_load_idx %arg11[%add3A_717] : memref<6304xi32, #tpu.memory_space<vmem>>[vector<16xi32>], vector<16xi32>,
          %xor3A_719 = arith.xori %gather3A_718, %gather3A_704 : vector<16xi32>
          tpu.vector_store_idx %arg11[%add3A_717], %xor3A_719 masked %lt3A_55 : memref<6304xi32, #tpu.memory_space<vmem>>[vector<16xi32>], vector<16xi32>, vector<16xi1>
          %add3A_720 = arith.constant 15 : i32
          %add3A_721 = vector.broadcast %add3A_720 : i32 to vector<16xi32>
          %add3A_722 = arith.addi %broadcast_in_dim3A_56, %add3A_721 : vector<16xi32>
          %broadcast_in_dim3A_723 = vector.shape_cast %add3A_722 : vector<16xi32> to vector<16x1xi32>
          %gather3A_724 = vector.shape_cast %broadcast_in_dim3A_723 : vector<16x1xi32> to vector<16xi32>
          %gather3A_725 = tpu.dynamic_gather %mul3A_308[%gather3A_724] in [0] : vector<16xi32>, vector<16xi32> -> vector<16xi32>
          %add3A_726 = arith.addi %gather3A_725, %sub3A_37 : vector<16xi32>
          %add3A_727 = arith.constant 15 : i32
          %add3A_728 = arith.addi %mul3A_299, %add3A_727 : i32
          %add3A_729 = vector.broadcast %add3A_728 : i32 to vector<16xi32>
          %add3A_730 = arith.addi %broadcast_in_dim3A_56, %add3A_729 : vector<16xi32>
          %gather3A_731 = tpu.vector_load_idx %arg10[%add3A_730, %add3A_726] : memref<1032x24xi32, #tpu.memory_space<vmem>>[vector<16xi32>, vector<16xi32>], vector<16xi32>,
          %slice3A_732 = vector.extract_strided_slice %get3A_300 {offsets = [15], sizes = [1], strides = [1]} : vector<16xi32> to vector<1xi32>
          %squeeze3A_733 = vector.extract %slice3A_732[0] : i32 from vector<1xi32>
          %ge3A_734 = arith.cmpi sge, %squeeze3A_733, %mul3A_2 : i32
          %lt3A_735 = arith.cmpi slt, %squeeze3A_733, %add3A_4 : i32
          %and3A_736 = arith.andi %ge3A_734, %lt3A_735 : i1
          %sub3A_737 = arith.subi %squeeze3A_733, %mul3A_2 : i32
          %jit3A_738 = arith.constant 1568 : i32
          %select_n3A_739 = arith.select %and3A_736, %sub3A_737, %jit3A_738 : i32
          %mul3A_740 = arith.constant 4 : i32
          %mul3A_741 = arith.muli %select_n3A_739, %mul3A_740 : i32
          %add3A_742 = vector.broadcast %mul3A_741 : i32 to vector<16xi32>
          %add3A_743 = arith.addi %broadcast_in_dim3A_56, %add3A_742 : vector<16xi32>
          %add3A_744 = arith.addi %add3A_743, %and3A_52 : vector<16xi32>
          %gather3A_745 = tpu.vector_load_idx %arg11[%add3A_744] : memref<6304xi32, #tpu.memory_space<vmem>>[vector<16xi32>], vector<16xi32>,
          %xor3A_746 = arith.xori %gather3A_745, %gather3A_731 : vector<16xi32>
          tpu.vector_store_idx %arg11[%add3A_744], %xor3A_746 masked %lt3A_55 : memref<6304xi32, #tpu.memory_space<vmem>>[vector<16xi32>], vector<16xi32>, vector<16xi1>
          %cond3A_747 = arith.constant 0 : i32
          scf.yield %cond3A_747 : i32
        }
        %while3A_317 = arith.constant 0 : i32
        scf.yield %while3A_317 : i32
      }
      %while3A_293 = arith.constant 1 : i32
      %while3A_294 = scf.for %while3A_296 = %while3A_290 to %while3A_286 step %while3A_293 iter_args(%while3A_297 = %while3A_292) -> (i32)  : i32 {
        %mul3A_298 = arith.constant 16 : i32
        %mul3A_299 = arith.muli %while3A_296, %mul3A_298 : i32
        %get3A = arith.index_cast %mul3A_299 : i32 to index
        %get3A_300 = tpu.vector_load %arg9[%get3A] {strides = array<i32>} : memref<1024xi32, #tpu.memory_space<vmem>>, vector<16xi32>,
        %get3A_301 = arith.index_cast %mul3A_299 : i32 to index
        %get3A_302 = tpu.vector_load %arg7[%get3A_301] {strides = array<i32>} : memref<1024xi32, #tpu.memory_space<vmem>>, vector<16xi32>,
        %and3A_303 = arith.constant 7 : i32
        %and3A_304 = vector.broadcast %and3A_303 : i32 to vector<16xi32>
        %and3A_305 = arith.andi %get3A_302, %and3A_304 : vector<16xi32>
        %mul3A_306 = arith.constant 3 : i32
        %mul3A_307 = vector.broadcast %mul3A_306 : i32 to vector<16xi32>
        %mul3A_308 = arith.muli %and3A_305, %mul3A_307 : vector<16xi32>
        %slice3A = vector.extract_strided_slice %get3A_300 {offsets = [0], sizes = [1], strides = [1]} : vector<16xi32> to vector<1xi32>
        %squeeze3A = vector.extract %slice3A[0] : i32 from vector<1xi32>
        %slice3A_309 = vector.extract_strided_slice %get3A_300 {offsets = [15], sizes = [1], strides = [1]} : vector<16xi32> to vector<1xi32>
        %squeeze3A_310 = vector.extract %slice3A_309[0] : i32 from vector<1xi32>
        %eq3A_311 = arith.cmpi eq, %squeeze3A, %squeeze3A_310 : i32
        %convert_element_type3A_312 = arith.extui %eq3A_311 : i1 to i32
        %cond3A_313 = arith.constant 0 : i32
        %cond3A_314 = arith.constant 0 : i32
        %cond3A_315 = arith.cmpi ne, %convert_element_type3A_312, %cond3A_314 : i32
        %cond3A_316 = scf.if %cond3A_315 -> (i32) {
          %add3A_318 = arith.constant 0 : i32
          %add3A_319 = vector.broadcast %add3A_318 : i32 to vector<16xi32>
          %add3A_320 = arith.addi %add3A_319, %select_n3A : vector<16xi32>
          %and3A_321 = arith.constant 15 : i32
          %and3A_322 = vector.broadcast %and3A_321 : i32 to vector<16xi32>
          %and3A_323 = arith.andi %add3A_320, %and3A_322 : vector<16xi32>
          %broadcast_in_dim3A_324 = vector.shape_cast %and3A_323 : vector<16xi32> to vector<16x1xi32>
          %gather3A = vector.shape_cast %broadcast_in_dim3A_324 : vector<16x1xi32> to vector<16xi32>
          %gather3A_325 = tpu.dynamic_gather %mul3A_308[%gather3A] in [0] : vector<16xi32>, vector<16xi32> -> vector<16xi32>
          %add3A_326 = arith.addi %gather3A_325, %sub3A_37 : vector<16xi32>
          %add3A_327 = arith.constant 0 : i32
          %add3A_328 = arith.addi %mul3A_299, %add3A_327 : i32
          %add3A_329 = vector.broadcast %add3A_328 : i32 to vector<16xi32>
          %add3A_330 = arith.addi %add3A_329, %select_n3A : vector<16xi32>
          %gather3A_331 = tpu.vector_load_idx %arg10[%add3A_330, %add3A_326] : memref<1032x24xi32, #tpu.memory_space<vmem>>[vector<16xi32>, vector<16xi32>], vector<16xi32>,
          %xor3A = arith.xori %broadcast_in_dim3A_56, %gather3A_331 : vector<16xi32>
          %add3A_332 = arith.constant 4 : i32
          %add3A_333 = vector.broadcast %add3A_332 : i32 to vector<16xi32>
          %add3A_334 = arith.addi %add3A_333, %select_n3A : vector<16xi32>
          %and3A_335 = arith.constant 15 : i32
          %and3A_336 = vector.broadcast %and3A_335 : i32 to vector<16xi32>
          %and3A_337 = arith.andi %add3A_334, %and3A_336 : vector<16xi32>
          %broadcast_in_dim3A_338 = vector.shape_cast %and3A_337 : vector<16xi32> to vector<16x1xi32>
          %gather3A_339 = vector.shape_cast %broadcast_in_dim3A_338 : vector<16x1xi32> to vector<16xi32>
          %gather3A_340 = tpu.dynamic_gather %mul3A_308[%gather3A_339] in [0] : vector<16xi32>, vector<16xi32> -> vector<16xi32>
          %add3A_341 = arith.addi %gather3A_340, %sub3A_37 : vector<16xi32>
          %add3A_342 = arith.constant 4 : i32
          %add3A_343 = arith.addi %mul3A_299, %add3A_342 : i32
          %add3A_344 = vector.broadcast %add3A_343 : i32 to vector<16xi32>
          %add3A_345 = arith.addi %add3A_344, %select_n3A : vector<16xi32>
          %gather3A_346 = tpu.vector_load_idx %arg10[%add3A_345, %add3A_341] : memref<1032x24xi32, #tpu.memory_space<vmem>>[vector<16xi32>, vector<16xi32>], vector<16xi32>,
          %xor3A_347 = arith.xori %xor3A, %gather3A_346 : vector<16xi32>
          %add3A_348 = arith.constant 8 : i32
          %add3A_349 = vector.broadcast %add3A_348 : i32 to vector<16xi32>
          %add3A_350 = arith.addi %add3A_349, %select_n3A : vector<16xi32>
          %and3A_351 = arith.constant 15 : i32
          %and3A_352 = vector.broadcast %and3A_351 : i32 to vector<16xi32>
          %and3A_353 = arith.andi %add3A_350, %and3A_352 : vector<16xi32>
          %broadcast_in_dim3A_354 = vector.shape_cast %and3A_353 : vector<16xi32> to vector<16x1xi32>
          %gather3A_355 = vector.shape_cast %broadcast_in_dim3A_354 : vector<16x1xi32> to vector<16xi32>
          %gather3A_356 = tpu.dynamic_gather %mul3A_308[%gather3A_355] in [0] : vector<16xi32>, vector<16xi32> -> vector<16xi32>
          %add3A_357 = arith.addi %gather3A_356, %sub3A_37 : vector<16xi32>
          %add3A_358 = arith.constant 8 : i32
          %add3A_359 = arith.addi %mul3A_299, %add3A_358 : i32
          %add3A_360 = vector.broadcast %add3A_359 : i32 to vector<16xi32>
          %add3A_361 = arith.addi %add3A_360, %select_n3A : vector<16xi32>
          %gather3A_362 = tpu.vector_load_idx %arg10[%add3A_361, %add3A_357] : memref<1032x24xi32, #tpu.memory_space<vmem>>[vector<16xi32>, vector<16xi32>], vector<16xi32>,
          %xor3A_363 = arith.xori %xor3A_347, %gather3A_362 : vector<16xi32>
          %add3A_364 = arith.constant 12 : i32
          %add3A_365 = vector.broadcast %add3A_364 : i32 to vector<16xi32>
          %add3A_366 = arith.addi %add3A_365, %select_n3A : vector<16xi32>
          %and3A_367 = arith.constant 15 : i32
          %and3A_368 = vector.broadcast %and3A_367 : i32 to vector<16xi32>
          %and3A_369 = arith.andi %add3A_366, %and3A_368 : vector<16xi32>
          %broadcast_in_dim3A_370 = vector.shape_cast %and3A_369 : vector<16xi32> to vector<16x1xi32>
          %gather3A_371 = vector.shape_cast %broadcast_in_dim3A_370 : vector<16x1xi32> to vector<16xi32>
          %gather3A_372 = tpu.dynamic_gather %mul3A_308[%gather3A_371] in [0] : vector<16xi32>, vector<16xi32> -> vector<16xi32>
          %add3A_373 = arith.addi %gather3A_372, %sub3A_37 : vector<16xi32>
          %add3A_374 = arith.constant 12 : i32
          %add3A_375 = arith.addi %mul3A_299, %add3A_374 : i32
          %add3A_376 = vector.broadcast %add3A_375 : i32 to vector<16xi32>
          %add3A_377 = arith.addi %add3A_376, %select_n3A : vector<16xi32>
          %gather3A_378 = tpu.vector_load_idx %arg10[%add3A_377, %add3A_373] : memref<1032x24xi32, #tpu.memory_space<vmem>>[vector<16xi32>, vector<16xi32>], vector<16xi32>,
          %xor3A_379 = arith.xori %xor3A_363, %gather3A_378 : vector<16xi32>
          %broadcast_in_dim3A_380 = vector.shape_cast %and3A_43 : vector<16xi32> to vector<16x1xi32>
          %gather3A_381 = vector.shape_cast %broadcast_in_dim3A_380 : vector<16x1xi32> to vector<16xi32>
          %gather3A_382 = tpu.dynamic_gather %xor3A_379[%gather3A_381] in [0] : vector<16xi32>, vector<16xi32> -> vector<16xi32>
          %xor3A_383 = arith.xori %xor3A_379, %gather3A_382 : vector<16xi32>
          %broadcast_in_dim3A_384 = vector.shape_cast %and3A_49 : vector<16xi32> to vector<16x1xi32>
          %gather3A_385 = vector.shape_cast %broadcast_in_dim3A_384 : vector<16x1xi32> to vector<16xi32>
          %gather3A_386 = tpu.dynamic_gather %xor3A_383[%gather3A_385] in [0] : vector<16xi32>, vector<16xi32> -> vector<16xi32>
          %xor3A_387 = arith.xori %xor3A_383, %gather3A_386 : vector<16xi32>
          %slice3A_388 = vector.extract_strided_slice %get3A_300 {offsets = [0], sizes = [1], strides = [1]} : vector<16xi32> to vector<1xi32>
          %squeeze3A_389 = vector.extract %slice3A_388[0] : i32 from vector<1xi32>
          %ge3A = arith.cmpi sge, %squeeze3A_389, %mul3A_2 : i32
          %lt3A_390 = arith.cmpi slt, %squeeze3A_389, %add3A_4 : i32
          %and3A_391 = arith.andi %ge3A, %lt3A_390 : i1
          %sub3A_392 = arith.subi %squeeze3A_389, %mul3A_2 : i32
          %jit3A_393 = arith.constant 1568 : i32
          %select_n3A_394 = arith.select %and3A_391, %sub3A_392, %jit3A_393 : i32
          %mul3A_395 = arith.constant 4 : i32
          %mul3A_396 = arith.muli %select_n3A_394, %mul3A_395 : i32
          %add3A_397 = vector.broadcast %mul3A_396 : i32 to vector<16xi32>
          %add3A_398 = arith.addi %broadcast_in_dim3A_56, %add3A_397 : vector<16xi32>
          %add3A_399 = arith.addi %add3A_398, %and3A_52 : vector<16xi32>
          %gather3A_400 = tpu.vector_load_idx %arg11[%add3A_399] : memref<6304xi32, #tpu.memory_space<vmem>>[vector<16xi32>], vector<16xi32>,
          %xor3A_401 = arith.xori %gather3A_400, %xor3A_387 : vector<16xi32>
          tpu.vector_store_idx %arg11[%add3A_399], %xor3A_401 masked %lt3A_55 : memref<6304xi32, #tpu.memory_space<vmem>>[vector<16xi32>], vector<16xi32>, vector<16xi1>
          %cond3A_402 = arith.constant 0 : i32
          scf.yield %cond3A_402 : i32
        } else {
          %add3A_318 = arith.constant 0 : i32
          %add3A_319 = vector.broadcast %add3A_318 : i32 to vector<16xi32>
          %add3A_320 = arith.addi %broadcast_in_dim3A_56, %add3A_319 : vector<16xi32>
          %broadcast_in_dim3A_321 = vector.shape_cast %add3A_320 : vector<16xi32> to vector<16x1xi32>
          %gather3A = vector.shape_cast %broadcast_in_dim3A_321 : vector<16x1xi32> to vector<16xi32>
          %gather3A_322 = tpu.dynamic_gather %mul3A_308[%gather3A] in [0] : vector<16xi32>, vector<16xi32> -> vector<16xi32>
          %add3A_323 = arith.addi %gather3A_322, %sub3A_37 : vector<16xi32>
          %add3A_324 = arith.constant 0 : i32
          %add3A_325 = arith.addi %mul3A_299, %add3A_324 : i32
          %add3A_326 = vector.broadcast %add3A_325 : i32 to vector<16xi32>
          %add3A_327 = arith.addi %broadcast_in_dim3A_56, %add3A_326 : vector<16xi32>
          %gather3A_328 = tpu.vector_load_idx %arg10[%add3A_327, %add3A_323] : memref<1032x24xi32, #tpu.memory_space<vmem>>[vector<16xi32>, vector<16xi32>], vector<16xi32>,
          %slice3A_329 = vector.extract_strided_slice %get3A_300 {offsets = [0], sizes = [1], strides = [1]} : vector<16xi32> to vector<1xi32>
          %squeeze3A_330 = vector.extract %slice3A_329[0] : i32 from vector<1xi32>
          %ge3A = arith.cmpi sge, %squeeze3A_330, %mul3A_2 : i32
          %lt3A_331 = arith.cmpi slt, %squeeze3A_330, %add3A_4 : i32
          %and3A_332 = arith.andi %ge3A, %lt3A_331 : i1
          %sub3A_333 = arith.subi %squeeze3A_330, %mul3A_2 : i32
          %jit3A_334 = arith.constant 1568 : i32
          %select_n3A_335 = arith.select %and3A_332, %sub3A_333, %jit3A_334 : i32
          %mul3A_336 = arith.constant 4 : i32
          %mul3A_337 = arith.muli %select_n3A_335, %mul3A_336 : i32
          %add3A_338 = vector.broadcast %mul3A_337 : i32 to vector<16xi32>
          %add3A_339 = arith.addi %broadcast_in_dim3A_56, %add3A_338 : vector<16xi32>
          %add3A_340 = arith.addi %add3A_339, %and3A_52 : vector<16xi32>
          %gather3A_341 = tpu.vector_load_idx %arg11[%add3A_340] : memref<6304xi32, #tpu.memory_space<vmem>>[vector<16xi32>], vector<16xi32>,
          %xor3A = arith.xori %gather3A_341, %gather3A_328 : vector<16xi32>
          tpu.vector_store_idx %arg11[%add3A_340], %xor3A masked %lt3A_55 : memref<6304xi32, #tpu.memory_space<vmem>>[vector<16xi32>], vector<16xi32>, vector<16xi1>
          %add3A_342 = arith.constant 1 : i32
          %add3A_343 = vector.broadcast %add3A_342 : i32 to vector<16xi32>
          %add3A_344 = arith.addi %broadcast_in_dim3A_56, %add3A_343 : vector<16xi32>
          %broadcast_in_dim3A_345 = vector.shape_cast %add3A_344 : vector<16xi32> to vector<16x1xi32>
          %gather3A_346 = vector.shape_cast %broadcast_in_dim3A_345 : vector<16x1xi32> to vector<16xi32>
          %gather3A_347 = tpu.dynamic_gather %mul3A_308[%gather3A_346] in [0] : vector<16xi32>, vector<16xi32> -> vector<16xi32>
          %add3A_348 = arith.addi %gather3A_347, %sub3A_37 : vector<16xi32>
          %add3A_349 = arith.constant 1 : i32
          %add3A_350 = arith.addi %mul3A_299, %add3A_349 : i32
          %add3A_351 = vector.broadcast %add3A_350 : i32 to vector<16xi32>
          %add3A_352 = arith.addi %broadcast_in_dim3A_56, %add3A_351 : vector<16xi32>
          %gather3A_353 = tpu.vector_load_idx %arg10[%add3A_352, %add3A_348] : memref<1032x24xi32, #tpu.memory_space<vmem>>[vector<16xi32>, vector<16xi32>], vector<16xi32>,
          %slice3A_354 = vector.extract_strided_slice %get3A_300 {offsets = [1], sizes = [1], strides = [1]} : vector<16xi32> to vector<1xi32>
          %squeeze3A_355 = vector.extract %slice3A_354[0] : i32 from vector<1xi32>
          %ge3A_356 = arith.cmpi sge, %squeeze3A_355, %mul3A_2 : i32
          %lt3A_357 = arith.cmpi slt, %squeeze3A_355, %add3A_4 : i32
          %and3A_358 = arith.andi %ge3A_356, %lt3A_357 : i1
          %sub3A_359 = arith.subi %squeeze3A_355, %mul3A_2 : i32
          %jit3A_360 = arith.constant 1568 : i32
          %select_n3A_361 = arith.select %and3A_358, %sub3A_359, %jit3A_360 : i32
          %mul3A_362 = arith.constant 4 : i32
          %mul3A_363 = arith.muli %select_n3A_361, %mul3A_362 : i32
          %add3A_364 = vector.broadcast %mul3A_363 : i32 to vector<16xi32>
          %add3A_365 = arith.addi %broadcast_in_dim3A_56, %add3A_364 : vector<16xi32>
          %add3A_366 = arith.addi %add3A_365, %and3A_52 : vector<16xi32>
          %gather3A_367 = tpu.vector_load_idx %arg11[%add3A_366] : memref<6304xi32, #tpu.memory_space<vmem>>[vector<16xi32>], vector<16xi32>,
          %xor3A_368 = arith.xori %gather3A_367, %gather3A_353 : vector<16xi32>
          tpu.vector_store_idx %arg11[%add3A_366], %xor3A_368 masked %lt3A_55 : memref<6304xi32, #tpu.memory_space<vmem>>[vector<16xi32>], vector<16xi32>, vector<16xi1>
          %add3A_369 = arith.constant 2 : i32
          %add3A_370 = vector.broadcast %add3A_369 : i32 to vector<16xi32>
          %add3A_371 = arith.addi %broadcast_in_dim3A_56, %add3A_370 : vector<16xi32>
          %broadcast_in_dim3A_372 = vector.shape_cast %add3A_371 : vector<16xi32> to vector<16x1xi32>
          %gather3A_373 = vector.shape_cast %broadcast_in_dim3A_372 : vector<16x1xi32> to vector<16xi32>
          %gather3A_374 = tpu.dynamic_gather %mul3A_308[%gather3A_373] in [0] : vector<16xi32>, vector<16xi32> -> vector<16xi32>
          %add3A_375 = arith.addi %gather3A_374, %sub3A_37 : vector<16xi32>
          %add3A_376 = arith.constant 2 : i32
          %add3A_377 = arith.addi %mul3A_299, %add3A_376 : i32
          %add3A_378 = vector.broadcast %add3A_377 : i32 to vector<16xi32>
          %add3A_379 = arith.addi %broadcast_in_dim3A_56, %add3A_378 : vector<16xi32>
          %gather3A_380 = tpu.vector_load_idx %arg10[%add3A_379, %add3A_375] : memref<1032x24xi32, #tpu.memory_space<vmem>>[vector<16xi32>, vector<16xi32>], vector<16xi32>,
          %slice3A_381 = vector.extract_strided_slice %get3A_300 {offsets = [2], sizes = [1], strides = [1]} : vector<16xi32> to vector<1xi32>
          %squeeze3A_382 = vector.extract %slice3A_381[0] : i32 from vector<1xi32>
          %ge3A_383 = arith.cmpi sge, %squeeze3A_382, %mul3A_2 : i32
          %lt3A_384 = arith.cmpi slt, %squeeze3A_382, %add3A_4 : i32
          %and3A_385 = arith.andi %ge3A_383, %lt3A_384 : i1
          %sub3A_386 = arith.subi %squeeze3A_382, %mul3A_2 : i32
          %jit3A_387 = arith.constant 1568 : i32
          %select_n3A_388 = arith.select %and3A_385, %sub3A_386, %jit3A_387 : i32
          %mul3A_389 = arith.constant 4 : i32
          %mul3A_390 = arith.muli %select_n3A_388, %mul3A_389 : i32
          %add3A_391 = vector.broadcast %mul3A_390 : i32 to vector<16xi32>
          %add3A_392 = arith.addi %broadcast_in_dim3A_56, %add3A_391 : vector<16xi32>
          %add3A_393 = arith.addi %add3A_392, %and3A_52 : vector<16xi32>
          %gather3A_394 = tpu.vector_load_idx %arg11[%add3A_393] : memref<6304xi32, #tpu.memory_space<vmem>>[vector<16xi32>], vector<16xi32>,
          %xor3A_395 = arith.xori %gather3A_394, %gather3A_380 : vector<16xi32>
          tpu.vector_store_idx %arg11[%add3A_393], %xor3A_395 masked %lt3A_55 : memref<6304xi32, #tpu.memory_space<vmem>>[vector<16xi32>], vector<16xi32>, vector<16xi1>
          %add3A_396 = arith.constant 3 : i32
          %add3A_397 = vector.broadcast %add3A_396 : i32 to vector<16xi32>
          %add3A_398 = arith.addi %broadcast_in_dim3A_56, %add3A_397 : vector<16xi32>
          %broadcast_in_dim3A_399 = vector.shape_cast %add3A_398 : vector<16xi32> to vector<16x1xi32>
          %gather3A_400 = vector.shape_cast %broadcast_in_dim3A_399 : vector<16x1xi32> to vector<16xi32>
          %gather3A_401 = tpu.dynamic_gather %mul3A_308[%gather3A_400] in [0] : vector<16xi32>, vector<16xi32> -> vector<16xi32>
          %add3A_402 = arith.addi %gather3A_401, %sub3A_37 : vector<16xi32>
          %add3A_403 = arith.constant 3 : i32
          %add3A_404 = arith.addi %mul3A_299, %add3A_403 : i32
          %add3A_405 = vector.broadcast %add3A_404 : i32 to vector<16xi32>
          %add3A_406 = arith.addi %broadcast_in_dim3A_56, %add3A_405 : vector<16xi32>
          %gather3A_407 = tpu.vector_load_idx %arg10[%add3A_406, %add3A_402] : memref<1032x24xi32, #tpu.memory_space<vmem>>[vector<16xi32>, vector<16xi32>], vector<16xi32>,
          %slice3A_408 = vector.extract_strided_slice %get3A_300 {offsets = [3], sizes = [1], strides = [1]} : vector<16xi32> to vector<1xi32>
          %squeeze3A_409 = vector.extract %slice3A_408[0] : i32 from vector<1xi32>
          %ge3A_410 = arith.cmpi sge, %squeeze3A_409, %mul3A_2 : i32
          %lt3A_411 = arith.cmpi slt, %squeeze3A_409, %add3A_4 : i32
          %and3A_412 = arith.andi %ge3A_410, %lt3A_411 : i1
          %sub3A_413 = arith.subi %squeeze3A_409, %mul3A_2 : i32
          %jit3A_414 = arith.constant 1568 : i32
          %select_n3A_415 = arith.select %and3A_412, %sub3A_413, %jit3A_414 : i32
          %mul3A_416 = arith.constant 4 : i32
          %mul3A_417 = arith.muli %select_n3A_415, %mul3A_416 : i32
          %add3A_418 = vector.broadcast %mul3A_417 : i32 to vector<16xi32>
          %add3A_419 = arith.addi %broadcast_in_dim3A_56, %add3A_418 : vector<16xi32>
          %add3A_420 = arith.addi %add3A_419, %and3A_52 : vector<16xi32>
          %gather3A_421 = tpu.vector_load_idx %arg11[%add3A_420] : memref<6304xi32, #tpu.memory_space<vmem>>[vector<16xi32>], vector<16xi32>,
          %xor3A_422 = arith.xori %gather3A_421, %gather3A_407 : vector<16xi32>
          tpu.vector_store_idx %arg11[%add3A_420], %xor3A_422 masked %lt3A_55 : memref<6304xi32, #tpu.memory_space<vmem>>[vector<16xi32>], vector<16xi32>, vector<16xi1>
          %add3A_423 = arith.constant 4 : i32
          %add3A_424 = vector.broadcast %add3A_423 : i32 to vector<16xi32>
          %add3A_425 = arith.addi %broadcast_in_dim3A_56, %add3A_424 : vector<16xi32>
          %broadcast_in_dim3A_426 = vector.shape_cast %add3A_425 : vector<16xi32> to vector<16x1xi32>
          %gather3A_427 = vector.shape_cast %broadcast_in_dim3A_426 : vector<16x1xi32> to vector<16xi32>
          %gather3A_428 = tpu.dynamic_gather %mul3A_308[%gather3A_427] in [0] : vector<16xi32>, vector<16xi32> -> vector<16xi32>
          %add3A_429 = arith.addi %gather3A_428, %sub3A_37 : vector<16xi32>
          %add3A_430 = arith.constant 4 : i32
          %add3A_431 = arith.addi %mul3A_299, %add3A_430 : i32
          %add3A_432 = vector.broadcast %add3A_431 : i32 to vector<16xi32>
          %add3A_433 = arith.addi %broadcast_in_dim3A_56, %add3A_432 : vector<16xi32>
          %gather3A_434 = tpu.vector_load_idx %arg10[%add3A_433, %add3A_429] : memref<1032x24xi32, #tpu.memory_space<vmem>>[vector<16xi32>, vector<16xi32>], vector<16xi32>,
          %slice3A_435 = vector.extract_strided_slice %get3A_300 {offsets = [4], sizes = [1], strides = [1]} : vector<16xi32> to vector<1xi32>
          %squeeze3A_436 = vector.extract %slice3A_435[0] : i32 from vector<1xi32>
          %ge3A_437 = arith.cmpi sge, %squeeze3A_436, %mul3A_2 : i32
          %lt3A_438 = arith.cmpi slt, %squeeze3A_436, %add3A_4 : i32
          %and3A_439 = arith.andi %ge3A_437, %lt3A_438 : i1
          %sub3A_440 = arith.subi %squeeze3A_436, %mul3A_2 : i32
          %jit3A_441 = arith.constant 1568 : i32
          %select_n3A_442 = arith.select %and3A_439, %sub3A_440, %jit3A_441 : i32
          %mul3A_443 = arith.constant 4 : i32
          %mul3A_444 = arith.muli %select_n3A_442, %mul3A_443 : i32
          %add3A_445 = vector.broadcast %mul3A_444 : i32 to vector<16xi32>
          %add3A_446 = arith.addi %broadcast_in_dim3A_56, %add3A_445 : vector<16xi32>
          %add3A_447 = arith.addi %add3A_446, %and3A_52 : vector<16xi32>
          %gather3A_448 = tpu.vector_load_idx %arg11[%add3A_447] : memref<6304xi32, #tpu.memory_space<vmem>>[vector<16xi32>], vector<16xi32>,
          %xor3A_449 = arith.xori %gather3A_448, %gather3A_434 : vector<16xi32>
          tpu.vector_store_idx %arg11[%add3A_447], %xor3A_449 masked %lt3A_55 : memref<6304xi32, #tpu.memory_space<vmem>>[vector<16xi32>], vector<16xi32>, vector<16xi1>
          %add3A_450 = arith.constant 5 : i32
          %add3A_451 = vector.broadcast %add3A_450 : i32 to vector<16xi32>
          %add3A_452 = arith.addi %broadcast_in_dim3A_56, %add3A_451 : vector<16xi32>
          %broadcast_in_dim3A_453 = vector.shape_cast %add3A_452 : vector<16xi32> to vector<16x1xi32>
          %gather3A_454 = vector.shape_cast %broadcast_in_dim3A_453 : vector<16x1xi32> to vector<16xi32>
          %gather3A_455 = tpu.dynamic_gather %mul3A_308[%gather3A_454] in [0] : vector<16xi32>, vector<16xi32> -> vector<16xi32>
          %add3A_456 = arith.addi %gather3A_455, %sub3A_37 : vector<16xi32>
          %add3A_457 = arith.constant 5 : i32
          %add3A_458 = arith.addi %mul3A_299, %add3A_457 : i32
          %add3A_459 = vector.broadcast %add3A_458 : i32 to vector<16xi32>
          %add3A_460 = arith.addi %broadcast_in_dim3A_56, %add3A_459 : vector<16xi32>
          %gather3A_461 = tpu.vector_load_idx %arg10[%add3A_460, %add3A_456] : memref<1032x24xi32, #tpu.memory_space<vmem>>[vector<16xi32>, vector<16xi32>], vector<16xi32>,
          %slice3A_462 = vector.extract_strided_slice %get3A_300 {offsets = [5], sizes = [1], strides = [1]} : vector<16xi32> to vector<1xi32>
          %squeeze3A_463 = vector.extract %slice3A_462[0] : i32 from vector<1xi32>
          %ge3A_464 = arith.cmpi sge, %squeeze3A_463, %mul3A_2 : i32
          %lt3A_465 = arith.cmpi slt, %squeeze3A_463, %add3A_4 : i32
          %and3A_466 = arith.andi %ge3A_464, %lt3A_465 : i1
          %sub3A_467 = arith.subi %squeeze3A_463, %mul3A_2 : i32
          %jit3A_468 = arith.constant 1568 : i32
          %select_n3A_469 = arith.select %and3A_466, %sub3A_467, %jit3A_468 : i32
          %mul3A_470 = arith.constant 4 : i32
          %mul3A_471 = arith.muli %select_n3A_469, %mul3A_470 : i32
          %add3A_472 = vector.broadcast %mul3A_471 : i32 to vector<16xi32>
          %add3A_473 = arith.addi %broadcast_in_dim3A_56, %add3A_472 : vector<16xi32>
          %add3A_474 = arith.addi %add3A_473, %and3A_52 : vector<16xi32>
          %gather3A_475 = tpu.vector_load_idx %arg11[%add3A_474] : memref<6304xi32, #tpu.memory_space<vmem>>[vector<16xi32>], vector<16xi32>,
          %xor3A_476 = arith.xori %gather3A_475, %gather3A_461 : vector<16xi32>
          tpu.vector_store_idx %arg11[%add3A_474], %xor3A_476 masked %lt3A_55 : memref<6304xi32, #tpu.memory_space<vmem>>[vector<16xi32>], vector<16xi32>, vector<16xi1>
          %add3A_477 = arith.constant 6 : i32
          %add3A_478 = vector.broadcast %add3A_477 : i32 to vector<16xi32>
          %add3A_479 = arith.addi %broadcast_in_dim3A_56, %add3A_478 : vector<16xi32>
          %broadcast_in_dim3A_480 = vector.shape_cast %add3A_479 : vector<16xi32> to vector<16x1xi32>
          %gather3A_481 = vector.shape_cast %broadcast_in_dim3A_480 : vector<16x1xi32> to vector<16xi32>
          %gather3A_482 = tpu.dynamic_gather %mul3A_308[%gather3A_481] in [0] : vector<16xi32>, vector<16xi32> -> vector<16xi32>
          %add3A_483 = arith.addi %gather3A_482, %sub3A_37 : vector<16xi32>
          %add3A_484 = arith.constant 6 : i32
          %add3A_485 = arith.addi %mul3A_299, %add3A_484 : i32
          %add3A_486 = vector.broadcast %add3A_485 : i32 to vector<16xi32>
          %add3A_487 = arith.addi %broadcast_in_dim3A_56, %add3A_486 : vector<16xi32>
          %gather3A_488 = tpu.vector_load_idx %arg10[%add3A_487, %add3A_483] : memref<1032x24xi32, #tpu.memory_space<vmem>>[vector<16xi32>, vector<16xi32>], vector<16xi32>,
          %slice3A_489 = vector.extract_strided_slice %get3A_300 {offsets = [6], sizes = [1], strides = [1]} : vector<16xi32> to vector<1xi32>
          %squeeze3A_490 = vector.extract %slice3A_489[0] : i32 from vector<1xi32>
          %ge3A_491 = arith.cmpi sge, %squeeze3A_490, %mul3A_2 : i32
          %lt3A_492 = arith.cmpi slt, %squeeze3A_490, %add3A_4 : i32
          %and3A_493 = arith.andi %ge3A_491, %lt3A_492 : i1
          %sub3A_494 = arith.subi %squeeze3A_490, %mul3A_2 : i32
          %jit3A_495 = arith.constant 1568 : i32
          %select_n3A_496 = arith.select %and3A_493, %sub3A_494, %jit3A_495 : i32
          %mul3A_497 = arith.constant 4 : i32
          %mul3A_498 = arith.muli %select_n3A_496, %mul3A_497 : i32
          %add3A_499 = vector.broadcast %mul3A_498 : i32 to vector<16xi32>
          %add3A_500 = arith.addi %broadcast_in_dim3A_56, %add3A_499 : vector<16xi32>
          %add3A_501 = arith.addi %add3A_500, %and3A_52 : vector<16xi32>
          %gather3A_502 = tpu.vector_load_idx %arg11[%add3A_501] : memref<6304xi32, #tpu.memory_space<vmem>>[vector<16xi32>], vector<16xi32>,
          %xor3A_503 = arith.xori %gather3A_502, %gather3A_488 : vector<16xi32>
          tpu.vector_store_idx %arg11[%add3A_501], %xor3A_503 masked %lt3A_55 : memref<6304xi32, #tpu.memory_space<vmem>>[vector<16xi32>], vector<16xi32>, vector<16xi1>
          %add3A_504 = arith.constant 7 : i32
          %add3A_505 = vector.broadcast %add3A_504 : i32 to vector<16xi32>
          %add3A_506 = arith.addi %broadcast_in_dim3A_56, %add3A_505 : vector<16xi32>
          %broadcast_in_dim3A_507 = vector.shape_cast %add3A_506 : vector<16xi32> to vector<16x1xi32>
          %gather3A_508 = vector.shape_cast %broadcast_in_dim3A_507 : vector<16x1xi32> to vector<16xi32>
          %gather3A_509 = tpu.dynamic_gather %mul3A_308[%gather3A_508] in [0] : vector<16xi32>, vector<16xi32> -> vector<16xi32>
          %add3A_510 = arith.addi %gather3A_509, %sub3A_37 : vector<16xi32>
          %add3A_511 = arith.constant 7 : i32
          %add3A_512 = arith.addi %mul3A_299, %add3A_511 : i32
          %add3A_513 = vector.broadcast %add3A_512 : i32 to vector<16xi32>
          %add3A_514 = arith.addi %broadcast_in_dim3A_56, %add3A_513 : vector<16xi32>
          %gather3A_515 = tpu.vector_load_idx %arg10[%add3A_514, %add3A_510] : memref<1032x24xi32, #tpu.memory_space<vmem>>[vector<16xi32>, vector<16xi32>], vector<16xi32>,
          %slice3A_516 = vector.extract_strided_slice %get3A_300 {offsets = [7], sizes = [1], strides = [1]} : vector<16xi32> to vector<1xi32>
          %squeeze3A_517 = vector.extract %slice3A_516[0] : i32 from vector<1xi32>
          %ge3A_518 = arith.cmpi sge, %squeeze3A_517, %mul3A_2 : i32
          %lt3A_519 = arith.cmpi slt, %squeeze3A_517, %add3A_4 : i32
          %and3A_520 = arith.andi %ge3A_518, %lt3A_519 : i1
          %sub3A_521 = arith.subi %squeeze3A_517, %mul3A_2 : i32
          %jit3A_522 = arith.constant 1568 : i32
          %select_n3A_523 = arith.select %and3A_520, %sub3A_521, %jit3A_522 : i32
          %mul3A_524 = arith.constant 4 : i32
          %mul3A_525 = arith.muli %select_n3A_523, %mul3A_524 : i32
          %add3A_526 = vector.broadcast %mul3A_525 : i32 to vector<16xi32>
          %add3A_527 = arith.addi %broadcast_in_dim3A_56, %add3A_526 : vector<16xi32>
          %add3A_528 = arith.addi %add3A_527, %and3A_52 : vector<16xi32>
          %gather3A_529 = tpu.vector_load_idx %arg11[%add3A_528] : memref<6304xi32, #tpu.memory_space<vmem>>[vector<16xi32>], vector<16xi32>,
          %xor3A_530 = arith.xori %gather3A_529, %gather3A_515 : vector<16xi32>
          tpu.vector_store_idx %arg11[%add3A_528], %xor3A_530 masked %lt3A_55 : memref<6304xi32, #tpu.memory_space<vmem>>[vector<16xi32>], vector<16xi32>, vector<16xi1>
          %add3A_531 = arith.constant 8 : i32
          %add3A_532 = vector.broadcast %add3A_531 : i32 to vector<16xi32>
          %add3A_533 = arith.addi %broadcast_in_dim3A_56, %add3A_532 : vector<16xi32>
          %broadcast_in_dim3A_534 = vector.shape_cast %add3A_533 : vector<16xi32> to vector<16x1xi32>
          %gather3A_535 = vector.shape_cast %broadcast_in_dim3A_534 : vector<16x1xi32> to vector<16xi32>
          %gather3A_536 = tpu.dynamic_gather %mul3A_308[%gather3A_535] in [0] : vector<16xi32>, vector<16xi32> -> vector<16xi32>
          %add3A_537 = arith.addi %gather3A_536, %sub3A_37 : vector<16xi32>
          %add3A_538 = arith.constant 8 : i32
          %add3A_539 = arith.addi %mul3A_299, %add3A_538 : i32
          %add3A_540 = vector.broadcast %add3A_539 : i32 to vector<16xi32>
          %add3A_541 = arith.addi %broadcast_in_dim3A_56, %add3A_540 : vector<16xi32>
          %gather3A_542 = tpu.vector_load_idx %arg10[%add3A_541, %add3A_537] : memref<1032x24xi32, #tpu.memory_space<vmem>>[vector<16xi32>, vector<16xi32>], vector<16xi32>,
          %slice3A_543 = vector.extract_strided_slice %get3A_300 {offsets = [8], sizes = [1], strides = [1]} : vector<16xi32> to vector<1xi32>
          %squeeze3A_544 = vector.extract %slice3A_543[0] : i32 from vector<1xi32>
          %ge3A_545 = arith.cmpi sge, %squeeze3A_544, %mul3A_2 : i32
          %lt3A_546 = arith.cmpi slt, %squeeze3A_544, %add3A_4 : i32
          %and3A_547 = arith.andi %ge3A_545, %lt3A_546 : i1
          %sub3A_548 = arith.subi %squeeze3A_544, %mul3A_2 : i32
          %jit3A_549 = arith.constant 1568 : i32
          %select_n3A_550 = arith.select %and3A_547, %sub3A_548, %jit3A_549 : i32
          %mul3A_551 = arith.constant 4 : i32
          %mul3A_552 = arith.muli %select_n3A_550, %mul3A_551 : i32
          %add3A_553 = vector.broadcast %mul3A_552 : i32 to vector<16xi32>
          %add3A_554 = arith.addi %broadcast_in_dim3A_56, %add3A_553 : vector<16xi32>
          %add3A_555 = arith.addi %add3A_554, %and3A_52 : vector<16xi32>
          %gather3A_556 = tpu.vector_load_idx %arg11[%add3A_555] : memref<6304xi32, #tpu.memory_space<vmem>>[vector<16xi32>], vector<16xi32>,
          %xor3A_557 = arith.xori %gather3A_556, %gather3A_542 : vector<16xi32>
          tpu.vector_store_idx %arg11[%add3A_555], %xor3A_557 masked %lt3A_55 : memref<6304xi32, #tpu.memory_space<vmem>>[vector<16xi32>], vector<16xi32>, vector<16xi1>
          %add3A_558 = arith.constant 9 : i32
          %add3A_559 = vector.broadcast %add3A_558 : i32 to vector<16xi32>
          %add3A_560 = arith.addi %broadcast_in_dim3A_56, %add3A_559 : vector<16xi32>
          %broadcast_in_dim3A_561 = vector.shape_cast %add3A_560 : vector<16xi32> to vector<16x1xi32>
          %gather3A_562 = vector.shape_cast %broadcast_in_dim3A_561 : vector<16x1xi32> to vector<16xi32>
          %gather3A_563 = tpu.dynamic_gather %mul3A_308[%gather3A_562] in [0] : vector<16xi32>, vector<16xi32> -> vector<16xi32>
          %add3A_564 = arith.addi %gather3A_563, %sub3A_37 : vector<16xi32>
          %add3A_565 = arith.constant 9 : i32
          %add3A_566 = arith.addi %mul3A_299, %add3A_565 : i32
          %add3A_567 = vector.broadcast %add3A_566 : i32 to vector<16xi32>
          %add3A_568 = arith.addi %broadcast_in_dim3A_56, %add3A_567 : vector<16xi32>
          %gather3A_569 = tpu.vector_load_idx %arg10[%add3A_568, %add3A_564] : memref<1032x24xi32, #tpu.memory_space<vmem>>[vector<16xi32>, vector<16xi32>], vector<16xi32>,
          %slice3A_570 = vector.extract_strided_slice %get3A_300 {offsets = [9], sizes = [1], strides = [1]} : vector<16xi32> to vector<1xi32>
          %squeeze3A_571 = vector.extract %slice3A_570[0] : i32 from vector<1xi32>
          %ge3A_572 = arith.cmpi sge, %squeeze3A_571, %mul3A_2 : i32
          %lt3A_573 = arith.cmpi slt, %squeeze3A_571, %add3A_4 : i32
          %and3A_574 = arith.andi %ge3A_572, %lt3A_573 : i1
          %sub3A_575 = arith.subi %squeeze3A_571, %mul3A_2 : i32
          %jit3A_576 = arith.constant 1568 : i32
          %select_n3A_577 = arith.select %and3A_574, %sub3A_575, %jit3A_576 : i32
          %mul3A_578 = arith.constant 4 : i32
          %mul3A_579 = arith.muli %select_n3A_577, %mul3A_578 : i32
          %add3A_580 = vector.broadcast %mul3A_579 : i32 to vector<16xi32>
          %add3A_581 = arith.addi %broadcast_in_dim3A_56, %add3A_580 : vector<16xi32>
          %add3A_582 = arith.addi %add3A_581, %and3A_52 : vector<16xi32>
          %gather3A_583 = tpu.vector_load_idx %arg11[%add3A_582] : memref<6304xi32, #tpu.memory_space<vmem>>[vector<16xi32>], vector<16xi32>,
          %xor3A_584 = arith.xori %gather3A_583, %gather3A_569 : vector<16xi32>
          tpu.vector_store_idx %arg11[%add3A_582], %xor3A_584 masked %lt3A_55 : memref<6304xi32, #tpu.memory_space<vmem>>[vector<16xi32>], vector<16xi32>, vector<16xi1>
          %add3A_585 = arith.constant 10 : i32
          %add3A_586 = vector.broadcast %add3A_585 : i32 to vector<16xi32>
          %add3A_587 = arith.addi %broadcast_in_dim3A_56, %add3A_586 : vector<16xi32>
          %broadcast_in_dim3A_588 = vector.shape_cast %add3A_587 : vector<16xi32> to vector<16x1xi32>
          %gather3A_589 = vector.shape_cast %broadcast_in_dim3A_588 : vector<16x1xi32> to vector<16xi32>
          %gather3A_590 = tpu.dynamic_gather %mul3A_308[%gather3A_589] in [0] : vector<16xi32>, vector<16xi32> -> vector<16xi32>
          %add3A_591 = arith.addi %gather3A_590, %sub3A_37 : vector<16xi32>
          %add3A_592 = arith.constant 10 : i32
          %add3A_593 = arith.addi %mul3A_299, %add3A_592 : i32
          %add3A_594 = vector.broadcast %add3A_593 : i32 to vector<16xi32>
          %add3A_595 = arith.addi %broadcast_in_dim3A_56, %add3A_594 : vector<16xi32>
          %gather3A_596 = tpu.vector_load_idx %arg10[%add3A_595, %add3A_591] : memref<1032x24xi32, #tpu.memory_space<vmem>>[vector<16xi32>, vector<16xi32>], vector<16xi32>,
          %slice3A_597 = vector.extract_strided_slice %get3A_300 {offsets = [10], sizes = [1], strides = [1]} : vector<16xi32> to vector<1xi32>
          %squeeze3A_598 = vector.extract %slice3A_597[0] : i32 from vector<1xi32>
          %ge3A_599 = arith.cmpi sge, %squeeze3A_598, %mul3A_2 : i32
          %lt3A_600 = arith.cmpi slt, %squeeze3A_598, %add3A_4 : i32
          %and3A_601 = arith.andi %ge3A_599, %lt3A_600 : i1
          %sub3A_602 = arith.subi %squeeze3A_598, %mul3A_2 : i32
          %jit3A_603 = arith.constant 1568 : i32
          %select_n3A_604 = arith.select %and3A_601, %sub3A_602, %jit3A_603 : i32
          %mul3A_605 = arith.constant 4 : i32
          %mul3A_606 = arith.muli %select_n3A_604, %mul3A_605 : i32
          %add3A_607 = vector.broadcast %mul3A_606 : i32 to vector<16xi32>
          %add3A_608 = arith.addi %broadcast_in_dim3A_56, %add3A_607 : vector<16xi32>
          %add3A_609 = arith.addi %add3A_608, %and3A_52 : vector<16xi32>
          %gather3A_610 = tpu.vector_load_idx %arg11[%add3A_609] : memref<6304xi32, #tpu.memory_space<vmem>>[vector<16xi32>], vector<16xi32>,
          %xor3A_611 = arith.xori %gather3A_610, %gather3A_596 : vector<16xi32>
          tpu.vector_store_idx %arg11[%add3A_609], %xor3A_611 masked %lt3A_55 : memref<6304xi32, #tpu.memory_space<vmem>>[vector<16xi32>], vector<16xi32>, vector<16xi1>
          %add3A_612 = arith.constant 11 : i32
          %add3A_613 = vector.broadcast %add3A_612 : i32 to vector<16xi32>
          %add3A_614 = arith.addi %broadcast_in_dim3A_56, %add3A_613 : vector<16xi32>
          %broadcast_in_dim3A_615 = vector.shape_cast %add3A_614 : vector<16xi32> to vector<16x1xi32>
          %gather3A_616 = vector.shape_cast %broadcast_in_dim3A_615 : vector<16x1xi32> to vector<16xi32>
          %gather3A_617 = tpu.dynamic_gather %mul3A_308[%gather3A_616] in [0] : vector<16xi32>, vector<16xi32> -> vector<16xi32>
          %add3A_618 = arith.addi %gather3A_617, %sub3A_37 : vector<16xi32>
          %add3A_619 = arith.constant 11 : i32
          %add3A_620 = arith.addi %mul3A_299, %add3A_619 : i32
          %add3A_621 = vector.broadcast %add3A_620 : i32 to vector<16xi32>
          %add3A_622 = arith.addi %broadcast_in_dim3A_56, %add3A_621 : vector<16xi32>
          %gather3A_623 = tpu.vector_load_idx %arg10[%add3A_622, %add3A_618] : memref<1032x24xi32, #tpu.memory_space<vmem>>[vector<16xi32>, vector<16xi32>], vector<16xi32>,
          %slice3A_624 = vector.extract_strided_slice %get3A_300 {offsets = [11], sizes = [1], strides = [1]} : vector<16xi32> to vector<1xi32>
          %squeeze3A_625 = vector.extract %slice3A_624[0] : i32 from vector<1xi32>
          %ge3A_626 = arith.cmpi sge, %squeeze3A_625, %mul3A_2 : i32
          %lt3A_627 = arith.cmpi slt, %squeeze3A_625, %add3A_4 : i32
          %and3A_628 = arith.andi %ge3A_626, %lt3A_627 : i1
          %sub3A_629 = arith.subi %squeeze3A_625, %mul3A_2 : i32
          %jit3A_630 = arith.constant 1568 : i32
          %select_n3A_631 = arith.select %and3A_628, %sub3A_629, %jit3A_630 : i32
          %mul3A_632 = arith.constant 4 : i32
          %mul3A_633 = arith.muli %select_n3A_631, %mul3A_632 : i32
          %add3A_634 = vector.broadcast %mul3A_633 : i32 to vector<16xi32>
          %add3A_635 = arith.addi %broadcast_in_dim3A_56, %add3A_634 : vector<16xi32>
          %add3A_636 = arith.addi %add3A_635, %and3A_52 : vector<16xi32>
          %gather3A_637 = tpu.vector_load_idx %arg11[%add3A_636] : memref<6304xi32, #tpu.memory_space<vmem>>[vector<16xi32>], vector<16xi32>,
          %xor3A_638 = arith.xori %gather3A_637, %gather3A_623 : vector<16xi32>
          tpu.vector_store_idx %arg11[%add3A_636], %xor3A_638 masked %lt3A_55 : memref<6304xi32, #tpu.memory_space<vmem>>[vector<16xi32>], vector<16xi32>, vector<16xi1>
          %add3A_639 = arith.constant 12 : i32
          %add3A_640 = vector.broadcast %add3A_639 : i32 to vector<16xi32>
          %add3A_641 = arith.addi %broadcast_in_dim3A_56, %add3A_640 : vector<16xi32>
          %broadcast_in_dim3A_642 = vector.shape_cast %add3A_641 : vector<16xi32> to vector<16x1xi32>
          %gather3A_643 = vector.shape_cast %broadcast_in_dim3A_642 : vector<16x1xi32> to vector<16xi32>
          %gather3A_644 = tpu.dynamic_gather %mul3A_308[%gather3A_643] in [0] : vector<16xi32>, vector<16xi32> -> vector<16xi32>
          %add3A_645 = arith.addi %gather3A_644, %sub3A_37 : vector<16xi32>
          %add3A_646 = arith.constant 12 : i32
          %add3A_647 = arith.addi %mul3A_299, %add3A_646 : i32
          %add3A_648 = vector.broadcast %add3A_647 : i32 to vector<16xi32>
          %add3A_649 = arith.addi %broadcast_in_dim3A_56, %add3A_648 : vector<16xi32>
          %gather3A_650 = tpu.vector_load_idx %arg10[%add3A_649, %add3A_645] : memref<1032x24xi32, #tpu.memory_space<vmem>>[vector<16xi32>, vector<16xi32>], vector<16xi32>,
          %slice3A_651 = vector.extract_strided_slice %get3A_300 {offsets = [12], sizes = [1], strides = [1]} : vector<16xi32> to vector<1xi32>
          %squeeze3A_652 = vector.extract %slice3A_651[0] : i32 from vector<1xi32>
          %ge3A_653 = arith.cmpi sge, %squeeze3A_652, %mul3A_2 : i32
          %lt3A_654 = arith.cmpi slt, %squeeze3A_652, %add3A_4 : i32
          %and3A_655 = arith.andi %ge3A_653, %lt3A_654 : i1
          %sub3A_656 = arith.subi %squeeze3A_652, %mul3A_2 : i32
          %jit3A_657 = arith.constant 1568 : i32
          %select_n3A_658 = arith.select %and3A_655, %sub3A_656, %jit3A_657 : i32
          %mul3A_659 = arith.constant 4 : i32
          %mul3A_660 = arith.muli %select_n3A_658, %mul3A_659 : i32
          %add3A_661 = vector.broadcast %mul3A_660 : i32 to vector<16xi32>
          %add3A_662 = arith.addi %broadcast_in_dim3A_56, %add3A_661 : vector<16xi32>
          %add3A_663 = arith.addi %add3A_662, %and3A_52 : vector<16xi32>
          %gather3A_664 = tpu.vector_load_idx %arg11[%add3A_663] : memref<6304xi32, #tpu.memory_space<vmem>>[vector<16xi32>], vector<16xi32>,
          %xor3A_665 = arith.xori %gather3A_664, %gather3A_650 : vector<16xi32>
          tpu.vector_store_idx %arg11[%add3A_663], %xor3A_665 masked %lt3A_55 : memref<6304xi32, #tpu.memory_space<vmem>>[vector<16xi32>], vector<16xi32>, vector<16xi1>
          %add3A_666 = arith.constant 13 : i32
          %add3A_667 = vector.broadcast %add3A_666 : i32 to vector<16xi32>
          %add3A_668 = arith.addi %broadcast_in_dim3A_56, %add3A_667 : vector<16xi32>
          %broadcast_in_dim3A_669 = vector.shape_cast %add3A_668 : vector<16xi32> to vector<16x1xi32>
          %gather3A_670 = vector.shape_cast %broadcast_in_dim3A_669 : vector<16x1xi32> to vector<16xi32>
          %gather3A_671 = tpu.dynamic_gather %mul3A_308[%gather3A_670] in [0] : vector<16xi32>, vector<16xi32> -> vector<16xi32>
          %add3A_672 = arith.addi %gather3A_671, %sub3A_37 : vector<16xi32>
          %add3A_673 = arith.constant 13 : i32
          %add3A_674 = arith.addi %mul3A_299, %add3A_673 : i32
          %add3A_675 = vector.broadcast %add3A_674 : i32 to vector<16xi32>
          %add3A_676 = arith.addi %broadcast_in_dim3A_56, %add3A_675 : vector<16xi32>
          %gather3A_677 = tpu.vector_load_idx %arg10[%add3A_676, %add3A_672] : memref<1032x24xi32, #tpu.memory_space<vmem>>[vector<16xi32>, vector<16xi32>], vector<16xi32>,
          %slice3A_678 = vector.extract_strided_slice %get3A_300 {offsets = [13], sizes = [1], strides = [1]} : vector<16xi32> to vector<1xi32>
          %squeeze3A_679 = vector.extract %slice3A_678[0] : i32 from vector<1xi32>
          %ge3A_680 = arith.cmpi sge, %squeeze3A_679, %mul3A_2 : i32
          %lt3A_681 = arith.cmpi slt, %squeeze3A_679, %add3A_4 : i32
          %and3A_682 = arith.andi %ge3A_680, %lt3A_681 : i1
          %sub3A_683 = arith.subi %squeeze3A_679, %mul3A_2 : i32
          %jit3A_684 = arith.constant 1568 : i32
          %select_n3A_685 = arith.select %and3A_682, %sub3A_683, %jit3A_684 : i32
          %mul3A_686 = arith.constant 4 : i32
          %mul3A_687 = arith.muli %select_n3A_685, %mul3A_686 : i32
          %add3A_688 = vector.broadcast %mul3A_687 : i32 to vector<16xi32>
          %add3A_689 = arith.addi %broadcast_in_dim3A_56, %add3A_688 : vector<16xi32>
          %add3A_690 = arith.addi %add3A_689, %and3A_52 : vector<16xi32>
          %gather3A_691 = tpu.vector_load_idx %arg11[%add3A_690] : memref<6304xi32, #tpu.memory_space<vmem>>[vector<16xi32>], vector<16xi32>,
          %xor3A_692 = arith.xori %gather3A_691, %gather3A_677 : vector<16xi32>
          tpu.vector_store_idx %arg11[%add3A_690], %xor3A_692 masked %lt3A_55 : memref<6304xi32, #tpu.memory_space<vmem>>[vector<16xi32>], vector<16xi32>, vector<16xi1>
          %add3A_693 = arith.constant 14 : i32
          %add3A_694 = vector.broadcast %add3A_693 : i32 to vector<16xi32>
          %add3A_695 = arith.addi %broadcast_in_dim3A_56, %add3A_694 : vector<16xi32>
          %broadcast_in_dim3A_696 = vector.shape_cast %add3A_695 : vector<16xi32> to vector<16x1xi32>
          %gather3A_697 = vector.shape_cast %broadcast_in_dim3A_696 : vector<16x1xi32> to vector<16xi32>
          %gather3A_698 = tpu.dynamic_gather %mul3A_308[%gather3A_697] in [0] : vector<16xi32>, vector<16xi32> -> vector<16xi32>
          %add3A_699 = arith.addi %gather3A_698, %sub3A_37 : vector<16xi32>
          %add3A_700 = arith.constant 14 : i32
          %add3A_701 = arith.addi %mul3A_299, %add3A_700 : i32
          %add3A_702 = vector.broadcast %add3A_701 : i32 to vector<16xi32>
          %add3A_703 = arith.addi %broadcast_in_dim3A_56, %add3A_702 : vector<16xi32>
          %gather3A_704 = tpu.vector_load_idx %arg10[%add3A_703, %add3A_699] : memref<1032x24xi32, #tpu.memory_space<vmem>>[vector<16xi32>, vector<16xi32>], vector<16xi32>,
          %slice3A_705 = vector.extract_strided_slice %get3A_300 {offsets = [14], sizes = [1], strides = [1]} : vector<16xi32> to vector<1xi32>
          %squeeze3A_706 = vector.extract %slice3A_705[0] : i32 from vector<1xi32>
          %ge3A_707 = arith.cmpi sge, %squeeze3A_706, %mul3A_2 : i32
          %lt3A_708 = arith.cmpi slt, %squeeze3A_706, %add3A_4 : i32
          %and3A_709 = arith.andi %ge3A_707, %lt3A_708 : i1
          %sub3A_710 = arith.subi %squeeze3A_706, %mul3A_2 : i32
          %jit3A_711 = arith.constant 1568 : i32
          %select_n3A_712 = arith.select %and3A_709, %sub3A_710, %jit3A_711 : i32
          %mul3A_713 = arith.constant 4 : i32
          %mul3A_714 = arith.muli %select_n3A_712, %mul3A_713 : i32
          %add3A_715 = vector.broadcast %mul3A_714 : i32 to vector<16xi32>
          %add3A_716 = arith.addi %broadcast_in_dim3A_56, %add3A_715 : vector<16xi32>
          %add3A_717 = arith.addi %add3A_716, %and3A_52 : vector<16xi32>
          %gather3A_718 = tpu.vector_load_idx %arg11[%add3A_717] : memref<6304xi32, #tpu.memory_space<vmem>>[vector<16xi32>], vector<16xi32>,
          %xor3A_719 = arith.xori %gather3A_718, %gather3A_704 : vector<16xi32>
          tpu.vector_store_idx %arg11[%add3A_717], %xor3A_719 masked %lt3A_55 : memref<6304xi32, #tpu.memory_space<vmem>>[vector<16xi32>], vector<16xi32>, vector<16xi1>
          %add3A_720 = arith.constant 15 : i32
          %add3A_721 = vector.broadcast %add3A_720 : i32 to vector<16xi32>
          %add3A_722 = arith.addi %broadcast_in_dim3A_56, %add3A_721 : vector<16xi32>
          %broadcast_in_dim3A_723 = vector.shape_cast %add3A_722 : vector<16xi32> to vector<16x1xi32>
          %gather3A_724 = vector.shape_cast %broadcast_in_dim3A_723 : vector<16x1xi32> to vector<16xi32>
          %gather3A_725 = tpu.dynamic_gather %mul3A_308[%gather3A_724] in [0] : vector<16xi32>, vector<16xi32> -> vector<16xi32>
          %add3A_726 = arith.addi %gather3A_725, %sub3A_37 : vector<16xi32>
          %add3A_727 = arith.constant 15 : i32
          %add3A_728 = arith.addi %mul3A_299, %add3A_727 : i32
          %add3A_729 = vector.broadcast %add3A_728 : i32 to vector<16xi32>
          %add3A_730 = arith.addi %broadcast_in_dim3A_56, %add3A_729 : vector<16xi32>
          %gather3A_731 = tpu.vector_load_idx %arg10[%add3A_730, %add3A_726] : memref<1032x24xi32, #tpu.memory_space<vmem>>[vector<16xi32>, vector<16xi32>], vector<16xi32>,
          %slice3A_732 = vector.extract_strided_slice %get3A_300 {offsets = [15], sizes = [1], strides = [1]} : vector<16xi32> to vector<1xi32>
          %squeeze3A_733 = vector.extract %slice3A_732[0] : i32 from vector<1xi32>
          %ge3A_734 = arith.cmpi sge, %squeeze3A_733, %mul3A_2 : i32
          %lt3A_735 = arith.cmpi slt, %squeeze3A_733, %add3A_4 : i32
          %and3A_736 = arith.andi %ge3A_734, %lt3A_735 : i1
          %sub3A_737 = arith.subi %squeeze3A_733, %mul3A_2 : i32
          %jit3A_738 = arith.constant 1568 : i32
          %select_n3A_739 = arith.select %and3A_736, %sub3A_737, %jit3A_738 : i32
          %mul3A_740 = arith.constant 4 : i32
          %mul3A_741 = arith.muli %select_n3A_739, %mul3A_740 : i32
          %add3A_742 = vector.broadcast %mul3A_741 : i32 to vector<16xi32>
          %add3A_743 = arith.addi %broadcast_in_dim3A_56, %add3A_742 : vector<16xi32>
          %add3A_744 = arith.addi %add3A_743, %and3A_52 : vector<16xi32>
          %gather3A_745 = tpu.vector_load_idx %arg11[%add3A_744] : memref<6304xi32, #tpu.memory_space<vmem>>[vector<16xi32>], vector<16xi32>,
          %xor3A_746 = arith.xori %gather3A_745, %gather3A_731 : vector<16xi32>
          tpu.vector_store_idx %arg11[%add3A_744], %xor3A_746 masked %lt3A_55 : memref<6304xi32, #tpu.memory_space<vmem>>[vector<16xi32>], vector<16xi32>, vector<16xi1>
          %cond3A_747 = arith.constant 0 : i32
          scf.yield %cond3A_747 : i32
        }
        %while3A_317 = arith.constant 0 : i32
        scf.yield %while3A_317 : i32
      }
      %while3A_295 = arith.constant 0 : i32
      scf.yield %while3A_295 : i32
    }
    %while3A_134 = arith.constant 1 : i32
    %while3A_135 = scf.for %while3A_138 = %while3A_131 to %while3A_127 step %while3A_134 iter_args(%while3A_139 = %while3A_133) -> (i32)  : i32 {
      %mul3A_140 = arith.constant 1024 : i32
      %mul3A_141 = arith.muli %while3A_138, %mul3A_140 : i32
      %add3A_142 = arith.addi %while3A_82#0, %mul3A_141 : i32
      %multiple_of3A = tpu.assume_multiple %add3A_142, 16 : i32
      "tpu.region"() ({
        %run_scoped3A = tpu.sem_alloc : memref<!tpu.dma_semaphore, #tpu.memory_space<semaphore_mem>>
        %dma_start3A_296 = tpu.memref_slice %arg3[%multiple_of3A] : memref<1601536xi32, #tpu.memory_space<hbm>> -> memref<1024xi32, #tpu.memory_space<hbm>>
        %dma_start3A_297 = tpu.memref_slice %arg3[%multiple_of3A] : memref<1601536xi32, #tpu.memory_space<hbm>> -> memref<1024xi32, #tpu.memory_space<hbm>>
        tpu.enqueue_dma source(%dma_start3A_297 : memref<1024xi32, #tpu.memory_space<hbm>>) target(%arg7 : memref<1024xi32, #tpu.memory_space<vmem>>) target_semaphore(%run_scoped3A : memref<!tpu.dma_semaphore, #tpu.memory_space<semaphore_mem>>)
        %dma_wait3A_298 = tpu.memref_slice %arg3[%multiple_of3A] : memref<1601536xi32, #tpu.memory_space<hbm>> -> memref<1024xi32, #tpu.memory_space<hbm>>
        %dma_wait3A_299 = tpu.memref_slice %arg3[%multiple_of3A] : memref<1601536xi32, #tpu.memory_space<hbm>> -> memref<1024xi32, #tpu.memory_space<hbm>>
        tpu.wait_dma2 semaphore(%run_scoped3A : memref<!tpu.dma_semaphore, #tpu.memory_space<semaphore_mem>>) src(%dma_wait3A_299 : memref<1024xi32, #tpu.memory_space<hbm>>) dst(%arg7 : memref<1024xi32, #tpu.memory_space<vmem>>)
        tpu.yield
      }) : () -> ()
      "tpu.region"() ({
        %run_scoped3A = tpu.sem_alloc : memref<!tpu.dma_semaphore, #tpu.memory_space<semaphore_mem>>
        %dma_start3A_296 = tpu.memref_slice %arg4[%multiple_of3A] : memref<1601536xi32, #tpu.memory_space<hbm>> -> memref<1024xi32, #tpu.memory_space<hbm>>
        %dma_start3A_297 = tpu.memref_slice %arg4[%multiple_of3A] : memref<1601536xi32, #tpu.memory_space<hbm>> -> memref<1024xi32, #tpu.memory_space<hbm>>
        tpu.enqueue_dma source(%dma_start3A_297 : memref<1024xi32, #tpu.memory_space<hbm>>) target(%arg9 : memref<1024xi32, #tpu.memory_space<vmem>>) target_semaphore(%run_scoped3A : memref<!tpu.dma_semaphore, #tpu.memory_space<semaphore_mem>>)
        %dma_wait3A_298 = tpu.memref_slice %arg4[%multiple_of3A] : memref<1601536xi32, #tpu.memory_space<hbm>> -> memref<1024xi32, #tpu.memory_space<hbm>>
        %dma_wait3A_299 = tpu.memref_slice %arg4[%multiple_of3A] : memref<1601536xi32, #tpu.memory_space<hbm>> -> memref<1024xi32, #tpu.memory_space<hbm>>
        tpu.wait_dma2 semaphore(%run_scoped3A : memref<!tpu.dma_semaphore, #tpu.memory_space<semaphore_mem>>) src(%dma_wait3A_299 : memref<1024xi32, #tpu.memory_space<hbm>>) dst(%arg9 : memref<1024xi32, #tpu.memory_space<vmem>>)
        tpu.yield
      }) : () -> ()
      %while3A_143 = arith.constant 0 : i32
      %while3A_144 = arith.constant 64 : i32
      %while3A_145 = arith.constant 0 : i32
      %while3A_146 = arith.subi %while3A_144, %while3A_143 : i32
      %while3A_147 = arith.addi %while3A_143, %while3A_146 : i32
      %while3A_148 = arith.constant 1 : i32
      %while3A_149 = arith.divsi %while3A_146, %while3A_148 : i32
      %while3A_150 = arith.muli %while3A_149, %while3A_148 : i32
      %while3A_151 = arith.addi %while3A_143, %while3A_150 : i32
      %while3A_152 = arith.constant 1 : i32
      %while3A_153 = scf.for %while3A_296 = %while3A_143 to %while3A_151 step %while3A_152 iter_args(%while3A_297 = %while3A_145) -> (i32)  : i32 {
        %mul3A_298 = arith.constant 16 : i32
        %mul3A_299 = arith.muli %while3A_296, %mul3A_298 : i32
        %get3A = arith.index_cast %mul3A_299 : i32 to index
        %get3A_300 = tpu.vector_load %arg7[%get3A] {strides = array<i32>} : memref<1024xi32, #tpu.memory_space<vmem>>, vector<16xi32>,
        %shift_right_arithmetic3A = arith.constant 3 : i32
        %shift_right_arithmetic3A_301 = vector.broadcast %shift_right_arithmetic3A : i32 to vector<16xi32>
        %shift_right_arithmetic3A_302 = arith.shrsi %get3A_300, %shift_right_arithmetic3A_301 : vector<16xi32>
        %swap3A = arith.index_cast %mul3A_299 : i32 to index
        %swap3A_303 = tpu.vector_load %arg8[%swap3A] {strides = array<i32>} : memref<1024xi32, #tpu.memory_space<vmem>>, vector<16xi32>,
        tpu.vector_store %arg8[%swap3A], %shift_right_arithmetic3A_302 {strides = array<i32>} : memref<1024xi32, #tpu.memory_space<vmem>>, vector<16xi32>,
        %while3A_304 = arith.constant 0 : i32
        scf.yield %while3A_304 : i32
      }
      %while3A_154 = arith.constant 1 : i32
      %while3A_155 = scf.for %while3A_296 = %while3A_151 to %while3A_147 step %while3A_154 iter_args(%while3A_297 = %while3A_153) -> (i32)  : i32 {
        %mul3A_298 = arith.constant 16 : i32
        %mul3A_299 = arith.muli %while3A_296, %mul3A_298 : i32
        %get3A = arith.index_cast %mul3A_299 : i32 to index
        %get3A_300 = tpu.vector_load %arg7[%get3A] {strides = array<i32>} : memref<1024xi32, #tpu.memory_space<vmem>>, vector<16xi32>,
        %shift_right_arithmetic3A = arith.constant 3 : i32
        %shift_right_arithmetic3A_301 = vector.broadcast %shift_right_arithmetic3A : i32 to vector<16xi32>
        %shift_right_arithmetic3A_302 = arith.shrsi %get3A_300, %shift_right_arithmetic3A_301 : vector<16xi32>
        %swap3A = arith.index_cast %mul3A_299 : i32 to index
        %swap3A_303 = tpu.vector_load %arg8[%swap3A] {strides = array<i32>} : memref<1024xi32, #tpu.memory_space<vmem>>, vector<16xi32>,
        tpu.vector_store %arg8[%swap3A], %shift_right_arithmetic3A_302 {strides = array<i32>} : memref<1024xi32, #tpu.memory_space<vmem>>, vector<16xi32>,
        %while3A_304 = arith.constant 0 : i32
        scf.yield %while3A_304 : i32
      }
      %dma_start3A = arith.constant 0 : i32
      %dma_start3A_156 = arith.constant 0 : i32
      %dma_start3A_157 = tpu.memref_slice %arg10[%dma_start3A, %dma_start3A_156] : memref<1032x24xi32, #tpu.memory_space<vmem>> -> memref<128x24xi32, #tpu.memory_space<vmem>>
      %dma_start3A_158 = arith.constant 0 : i32
      %dma_start3A_159 = tpu.memref_slice %arg8[%dma_start3A_158] : memref<1024xi32, #tpu.memory_space<vmem>> -> memref<128xi32, #tpu.memory_space<vmem>>
      %dma_start3A_160 = arith.constant 0 : i32
      %dma_start3A_161 = arith.constant 0 : i32
      %dma_start3A_162 = tpu.memref_slice %arg6[%dma_start3A_160, %dma_start3A_161] : memref<62500x24xi32, #tpu.memory_space<vmem_shared>> -> memref<62500x24xi32, #tpu.memory_space<vmem_shared>>
      tpu.enqueue_indirect_dma source(%dma_start3A_162 : memref<62500x24xi32, #tpu.memory_space<vmem_shared>>) target(%dma_start3A_157 : memref<128x24xi32, #tpu.memory_space<vmem>>) offsets(%dma_start3A_159 : memref<128xi32, #tpu.memory_space<vmem>>) semaphore(%arg13 : memref<!tpu.dma_semaphore, #tpu.memory_space<semaphore_mem>>)
      %dma_start3A_163 = arith.constant 128 : i32
      %dma_start3A_164 = arith.constant 0 : i32
      %dma_start3A_165 = tpu.memref_slice %arg10[%dma_start3A_163, %dma_start3A_164] : memref<1032x24xi32, #tpu.memory_space<vmem>> -> memref<128x24xi32, #tpu.memory_space<vmem>>
      %dma_start3A_166 = arith.constant 128 : i32
      %dma_start3A_167 = tpu.memref_slice %arg8[%dma_start3A_166] : memref<1024xi32, #tpu.memory_space<vmem>> -> memref<128xi32, #tpu.memory_space<vmem>>
      %dma_start3A_168 = arith.constant 0 : i32
      %dma_start3A_169 = arith.constant 0 : i32
      %dma_start3A_170 = tpu.memref_slice %arg6[%dma_start3A_168, %dma_start3A_169] : memref<62500x24xi32, #tpu.memory_space<vmem_shared>> -> memref<62500x24xi32, #tpu.memory_space<vmem_shared>>
      tpu.enqueue_indirect_dma source(%dma_start3A_170 : memref<62500x24xi32, #tpu.memory_space<vmem_shared>>) target(%dma_start3A_165 : memref<128x24xi32, #tpu.memory_space<vmem>>) offsets(%dma_start3A_167 : memref<128xi32, #tpu.memory_space<vmem>>) semaphore(%arg13 : memref<!tpu.dma_semaphore, #tpu.memory_space<semaphore_mem>>)
      %dma_start3A_171 = arith.constant 256 : i32
      %dma_start3A_172 = arith.constant 0 : i32
      %dma_start3A_173 = tpu.memref_slice %arg10[%dma_start3A_171, %dma_start3A_172] : memref<1032x24xi32, #tpu.memory_space<vmem>> -> memref<128x24xi32, #tpu.memory_space<vmem>>
      %dma_start3A_174 = arith.constant 256 : i32
      %dma_start3A_175 = tpu.memref_slice %arg8[%dma_start3A_174] : memref<1024xi32, #tpu.memory_space<vmem>> -> memref<128xi32, #tpu.memory_space<vmem>>
      %dma_start3A_176 = arith.constant 0 : i32
      %dma_start3A_177 = arith.constant 0 : i32
      %dma_start3A_178 = tpu.memref_slice %arg6[%dma_start3A_176, %dma_start3A_177] : memref<62500x24xi32, #tpu.memory_space<vmem_shared>> -> memref<62500x24xi32, #tpu.memory_space<vmem_shared>>
      tpu.enqueue_indirect_dma source(%dma_start3A_178 : memref<62500x24xi32, #tpu.memory_space<vmem_shared>>) target(%dma_start3A_173 : memref<128x24xi32, #tpu.memory_space<vmem>>) offsets(%dma_start3A_175 : memref<128xi32, #tpu.memory_space<vmem>>) semaphore(%arg13 : memref<!tpu.dma_semaphore, #tpu.memory_space<semaphore_mem>>)
      %dma_start3A_179 = arith.constant 384 : i32
      %dma_start3A_180 = arith.constant 0 : i32
      %dma_start3A_181 = tpu.memref_slice %arg10[%dma_start3A_179, %dma_start3A_180] : memref<1032x24xi32, #tpu.memory_space<vmem>> -> memref<128x24xi32, #tpu.memory_space<vmem>>
      %dma_start3A_182 = arith.constant 384 : i32
      %dma_start3A_183 = tpu.memref_slice %arg8[%dma_start3A_182] : memref<1024xi32, #tpu.memory_space<vmem>> -> memref<128xi32, #tpu.memory_space<vmem>>
      %dma_start3A_184 = arith.constant 0 : i32
      %dma_start3A_185 = arith.constant 0 : i32
      %dma_start3A_186 = tpu.memref_slice %arg6[%dma_start3A_184, %dma_start3A_185] : memref<62500x24xi32, #tpu.memory_space<vmem_shared>> -> memref<62500x24xi32, #tpu.memory_space<vmem_shared>>
      tpu.enqueue_indirect_dma source(%dma_start3A_186 : memref<62500x24xi32, #tpu.memory_space<vmem_shared>>) target(%dma_start3A_181 : memref<128x24xi32, #tpu.memory_space<vmem>>) offsets(%dma_start3A_183 : memref<128xi32, #tpu.memory_space<vmem>>) semaphore(%arg13 : memref<!tpu.dma_semaphore, #tpu.memory_space<semaphore_mem>>)
      %dma_start3A_187 = arith.constant 512 : i32
      %dma_start3A_188 = arith.constant 0 : i32
      %dma_start3A_189 = tpu.memref_slice %arg10[%dma_start3A_187, %dma_start3A_188] : memref<1032x24xi32, #tpu.memory_space<vmem>> -> memref<128x24xi32, #tpu.memory_space<vmem>>
      %dma_start3A_190 = arith.constant 512 : i32
      %dma_start3A_191 = tpu.memref_slice %arg8[%dma_start3A_190] : memref<1024xi32, #tpu.memory_space<vmem>> -> memref<128xi32, #tpu.memory_space<vmem>>
      %dma_start3A_192 = arith.constant 0 : i32
      %dma_start3A_193 = arith.constant 0 : i32
      %dma_start3A_194 = tpu.memref_slice %arg6[%dma_start3A_192, %dma_start3A_193] : memref<62500x24xi32, #tpu.memory_space<vmem_shared>> -> memref<62500x24xi32, #tpu.memory_space<vmem_shared>>
      tpu.enqueue_indirect_dma source(%dma_start3A_194 : memref<62500x24xi32, #tpu.memory_space<vmem_shared>>) target(%dma_start3A_189 : memref<128x24xi32, #tpu.memory_space<vmem>>) offsets(%dma_start3A_191 : memref<128xi32, #tpu.memory_space<vmem>>) semaphore(%arg13 : memref<!tpu.dma_semaphore, #tpu.memory_space<semaphore_mem>>)
      %dma_start3A_195 = arith.constant 640 : i32
      %dma_start3A_196 = arith.constant 0 : i32
      %dma_start3A_197 = tpu.memref_slice %arg10[%dma_start3A_195, %dma_start3A_196] : memref<1032x24xi32, #tpu.memory_space<vmem>> -> memref<128x24xi32, #tpu.memory_space<vmem>>
      %dma_start3A_198 = arith.constant 640 : i32
      %dma_start3A_199 = tpu.memref_slice %arg8[%dma_start3A_198] : memref<1024xi32, #tpu.memory_space<vmem>> -> memref<128xi32, #tpu.memory_space<vmem>>
      %dma_start3A_200 = arith.constant 0 : i32
      %dma_start3A_201 = arith.constant 0 : i32
      %dma_start3A_202 = tpu.memref_slice %arg6[%dma_start3A_200, %dma_start3A_201] : memref<62500x24xi32, #tpu.memory_space<vmem_shared>> -> memref<62500x24xi32, #tpu.memory_space<vmem_shared>>
      tpu.enqueue_indirect_dma source(%dma_start3A_202 : memref<62500x24xi32, #tpu.memory_space<vmem_shared>>) target(%dma_start3A_197 : memref<128x24xi32, #tpu.memory_space<vmem>>) offsets(%dma_start3A_199 : memref<128xi32, #tpu.memory_space<vmem>>) semaphore(%arg13 : memref<!tpu.dma_semaphore, #tpu.memory_space<semaphore_mem>>)
      %dma_start3A_203 = arith.constant 768 : i32
      %dma_start3A_204 = arith.constant 0 : i32
      %dma_start3A_205 = tpu.memref_slice %arg10[%dma_start3A_203, %dma_start3A_204] : memref<1032x24xi32, #tpu.memory_space<vmem>> -> memref<128x24xi32, #tpu.memory_space<vmem>>
      %dma_start3A_206 = arith.constant 768 : i32
      %dma_start3A_207 = tpu.memref_slice %arg8[%dma_start3A_206] : memref<1024xi32, #tpu.memory_space<vmem>> -> memref<128xi32, #tpu.memory_space<vmem>>
      %dma_start3A_208 = arith.constant 0 : i32
      %dma_start3A_209 = arith.constant 0 : i32
      %dma_start3A_210 = tpu.memref_slice %arg6[%dma_start3A_208, %dma_start3A_209] : memref<62500x24xi32, #tpu.memory_space<vmem_shared>> -> memref<62500x24xi32, #tpu.memory_space<vmem_shared>>
      tpu.enqueue_indirect_dma source(%dma_start3A_210 : memref<62500x24xi32, #tpu.memory_space<vmem_shared>>) target(%dma_start3A_205 : memref<128x24xi32, #tpu.memory_space<vmem>>) offsets(%dma_start3A_207 : memref<128xi32, #tpu.memory_space<vmem>>) semaphore(%arg13 : memref<!tpu.dma_semaphore, #tpu.memory_space<semaphore_mem>>)
      %dma_start3A_211 = arith.constant 896 : i32
      %dma_start3A_212 = arith.constant 0 : i32
      %dma_start3A_213 = tpu.memref_slice %arg10[%dma_start3A_211, %dma_start3A_212] : memref<1032x24xi32, #tpu.memory_space<vmem>> -> memref<128x24xi32, #tpu.memory_space<vmem>>
      %dma_start3A_214 = arith.constant 896 : i32
      %dma_start3A_215 = tpu.memref_slice %arg8[%dma_start3A_214] : memref<1024xi32, #tpu.memory_space<vmem>> -> memref<128xi32, #tpu.memory_space<vmem>>
      %dma_start3A_216 = arith.constant 0 : i32
      %dma_start3A_217 = arith.constant 0 : i32
      %dma_start3A_218 = tpu.memref_slice %arg6[%dma_start3A_216, %dma_start3A_217] : memref<62500x24xi32, #tpu.memory_space<vmem_shared>> -> memref<62500x24xi32, #tpu.memory_space<vmem_shared>>
      tpu.enqueue_indirect_dma source(%dma_start3A_218 : memref<62500x24xi32, #tpu.memory_space<vmem_shared>>) target(%dma_start3A_213 : memref<128x24xi32, #tpu.memory_space<vmem>>) offsets(%dma_start3A_215 : memref<128xi32, #tpu.memory_space<vmem>>) semaphore(%arg13 : memref<!tpu.dma_semaphore, #tpu.memory_space<semaphore_mem>>)
      %dma_wait3A = arith.constant 0 : i32
      %dma_wait3A_219 = arith.constant 0 : i32
      %dma_wait3A_220 = tpu.memref_slice %arg10[%dma_wait3A, %dma_wait3A_219] : memref<1032x24xi32, #tpu.memory_space<vmem>> -> memref<128x24xi32, #tpu.memory_space<vmem>>
      %dma_wait3A_221 = arith.constant 0 : i32
      %dma_wait3A_222 = tpu.memref_slice %arg8[%dma_wait3A_221] : memref<1024xi32, #tpu.memory_space<vmem>> -> memref<128xi32, #tpu.memory_space<vmem>>
      %dma_wait3A_223 = arith.constant 0 : i32
      %dma_wait3A_224 = arith.constant 0 : i32
      %dma_wait3A_225 = tpu.memref_slice %arg6[%dma_wait3A_223, %dma_wait3A_224] : memref<62500x24xi32, #tpu.memory_space<vmem_shared>> -> memref<62500x24xi32, #tpu.memory_space<vmem_shared>>
      tpu.wait_indirect_dma semaphore(%arg13 : memref<!tpu.dma_semaphore, #tpu.memory_space<semaphore_mem>>) src(%dma_wait3A_225 : memref<62500x24xi32, #tpu.memory_space<vmem_shared>>) dst(%dma_wait3A_220 : memref<128x24xi32, #tpu.memory_space<vmem>>)
      %dma_wait3A_226 = arith.constant 128 : i32
      %dma_wait3A_227 = arith.constant 0 : i32
      %dma_wait3A_228 = tpu.memref_slice %arg10[%dma_wait3A_226, %dma_wait3A_227] : memref<1032x24xi32, #tpu.memory_space<vmem>> -> memref<128x24xi32, #tpu.memory_space<vmem>>
      %dma_wait3A_229 = arith.constant 128 : i32
      %dma_wait3A_230 = tpu.memref_slice %arg8[%dma_wait3A_229] : memref<1024xi32, #tpu.memory_space<vmem>> -> memref<128xi32, #tpu.memory_space<vmem>>
      %dma_wait3A_231 = arith.constant 0 : i32
      %dma_wait3A_232 = arith.constant 0 : i32
      %dma_wait3A_233 = tpu.memref_slice %arg6[%dma_wait3A_231, %dma_wait3A_232] : memref<62500x24xi32, #tpu.memory_space<vmem_shared>> -> memref<62500x24xi32, #tpu.memory_space<vmem_shared>>
      tpu.wait_indirect_dma semaphore(%arg13 : memref<!tpu.dma_semaphore, #tpu.memory_space<semaphore_mem>>) src(%dma_wait3A_233 : memref<62500x24xi32, #tpu.memory_space<vmem_shared>>) dst(%dma_wait3A_228 : memref<128x24xi32, #tpu.memory_space<vmem>>)
      %dma_wait3A_234 = arith.constant 256 : i32
      %dma_wait3A_235 = arith.constant 0 : i32
      %dma_wait3A_236 = tpu.memref_slice %arg10[%dma_wait3A_234, %dma_wait3A_235] : memref<1032x24xi32, #tpu.memory_space<vmem>> -> memref<128x24xi32, #tpu.memory_space<vmem>>
      %dma_wait3A_237 = arith.constant 256 : i32
      %dma_wait3A_238 = tpu.memref_slice %arg8[%dma_wait3A_237] : memref<1024xi32, #tpu.memory_space<vmem>> -> memref<128xi32, #tpu.memory_space<vmem>>
      %dma_wait3A_239 = arith.constant 0 : i32
      %dma_wait3A_240 = arith.constant 0 : i32
      %dma_wait3A_241 = tpu.memref_slice %arg6[%dma_wait3A_239, %dma_wait3A_240] : memref<62500x24xi32, #tpu.memory_space<vmem_shared>> -> memref<62500x24xi32, #tpu.memory_space<vmem_shared>>
      tpu.wait_indirect_dma semaphore(%arg13 : memref<!tpu.dma_semaphore, #tpu.memory_space<semaphore_mem>>) src(%dma_wait3A_241 : memref<62500x24xi32, #tpu.memory_space<vmem_shared>>) dst(%dma_wait3A_236 : memref<128x24xi32, #tpu.memory_space<vmem>>)
      %dma_wait3A_242 = arith.constant 384 : i32
      %dma_wait3A_243 = arith.constant 0 : i32
      %dma_wait3A_244 = tpu.memref_slice %arg10[%dma_wait3A_242, %dma_wait3A_243] : memref<1032x24xi32, #tpu.memory_space<vmem>> -> memref<128x24xi32, #tpu.memory_space<vmem>>
      %dma_wait3A_245 = arith.constant 384 : i32
      %dma_wait3A_246 = tpu.memref_slice %arg8[%dma_wait3A_245] : memref<1024xi32, #tpu.memory_space<vmem>> -> memref<128xi32, #tpu.memory_space<vmem>>
      %dma_wait3A_247 = arith.constant 0 : i32
      %dma_wait3A_248 = arith.constant 0 : i32
      %dma_wait3A_249 = tpu.memref_slice %arg6[%dma_wait3A_247, %dma_wait3A_248] : memref<62500x24xi32, #tpu.memory_space<vmem_shared>> -> memref<62500x24xi32, #tpu.memory_space<vmem_shared>>
      tpu.wait_indirect_dma semaphore(%arg13 : memref<!tpu.dma_semaphore, #tpu.memory_space<semaphore_mem>>) src(%dma_wait3A_249 : memref<62500x24xi32, #tpu.memory_space<vmem_shared>>) dst(%dma_wait3A_244 : memref<128x24xi32, #tpu.memory_space<vmem>>)
      %dma_wait3A_250 = arith.constant 512 : i32
      %dma_wait3A_251 = arith.constant 0 : i32
      %dma_wait3A_252 = tpu.memref_slice %arg10[%dma_wait3A_250, %dma_wait3A_251] : memref<1032x24xi32, #tpu.memory_space<vmem>> -> memref<128x24xi32, #tpu.memory_space<vmem>>
      %dma_wait3A_253 = arith.constant 512 : i32
      %dma_wait3A_254 = tpu.memref_slice %arg8[%dma_wait3A_253] : memref<1024xi32, #tpu.memory_space<vmem>> -> memref<128xi32, #tpu.memory_space<vmem>>
      %dma_wait3A_255 = arith.constant 0 : i32
      %dma_wait3A_256 = arith.constant 0 : i32
      %dma_wait3A_257 = tpu.memref_slice %arg6[%dma_wait3A_255, %dma_wait3A_256] : memref<62500x24xi32, #tpu.memory_space<vmem_shared>> -> memref<62500x24xi32, #tpu.memory_space<vmem_shared>>
      tpu.wait_indirect_dma semaphore(%arg13 : memref<!tpu.dma_semaphore, #tpu.memory_space<semaphore_mem>>) src(%dma_wait3A_257 : memref<62500x24xi32, #tpu.memory_space<vmem_shared>>) dst(%dma_wait3A_252 : memref<128x24xi32, #tpu.memory_space<vmem>>)
      %dma_wait3A_258 = arith.constant 640 : i32
      %dma_wait3A_259 = arith.constant 0 : i32
      %dma_wait3A_260 = tpu.memref_slice %arg10[%dma_wait3A_258, %dma_wait3A_259] : memref<1032x24xi32, #tpu.memory_space<vmem>> -> memref<128x24xi32, #tpu.memory_space<vmem>>
      %dma_wait3A_261 = arith.constant 640 : i32
      %dma_wait3A_262 = tpu.memref_slice %arg8[%dma_wait3A_261] : memref<1024xi32, #tpu.memory_space<vmem>> -> memref<128xi32, #tpu.memory_space<vmem>>
      %dma_wait3A_263 = arith.constant 0 : i32
      %dma_wait3A_264 = arith.constant 0 : i32
      %dma_wait3A_265 = tpu.memref_slice %arg6[%dma_wait3A_263, %dma_wait3A_264] : memref<62500x24xi32, #tpu.memory_space<vmem_shared>> -> memref<62500x24xi32, #tpu.memory_space<vmem_shared>>
      tpu.wait_indirect_dma semaphore(%arg13 : memref<!tpu.dma_semaphore, #tpu.memory_space<semaphore_mem>>) src(%dma_wait3A_265 : memref<62500x24xi32, #tpu.memory_space<vmem_shared>>) dst(%dma_wait3A_260 : memref<128x24xi32, #tpu.memory_space<vmem>>)
      %dma_wait3A_266 = arith.constant 768 : i32
      %dma_wait3A_267 = arith.constant 0 : i32
      %dma_wait3A_268 = tpu.memref_slice %arg10[%dma_wait3A_266, %dma_wait3A_267] : memref<1032x24xi32, #tpu.memory_space<vmem>> -> memref<128x24xi32, #tpu.memory_space<vmem>>
      %dma_wait3A_269 = arith.constant 768 : i32
      %dma_wait3A_270 = tpu.memref_slice %arg8[%dma_wait3A_269] : memref<1024xi32, #tpu.memory_space<vmem>> -> memref<128xi32, #tpu.memory_space<vmem>>
      %dma_wait3A_271 = arith.constant 0 : i32
      %dma_wait3A_272 = arith.constant 0 : i32
      %dma_wait3A_273 = tpu.memref_slice %arg6[%dma_wait3A_271, %dma_wait3A_272] : memref<62500x24xi32, #tpu.memory_space<vmem_shared>> -> memref<62500x24xi32, #tpu.memory_space<vmem_shared>>
      tpu.wait_indirect_dma semaphore(%arg13 : memref<!tpu.dma_semaphore, #tpu.memory_space<semaphore_mem>>) src(%dma_wait3A_273 : memref<62500x24xi32, #tpu.memory_space<vmem_shared>>) dst(%dma_wait3A_268 : memref<128x24xi32, #tpu.memory_space<vmem>>)
      %dma_wait3A_274 = arith.constant 896 : i32
      %dma_wait3A_275 = arith.constant 0 : i32
      %dma_wait3A_276 = tpu.memref_slice %arg10[%dma_wait3A_274, %dma_wait3A_275] : memref<1032x24xi32, #tpu.memory_space<vmem>> -> memref<128x24xi32, #tpu.memory_space<vmem>>
      %dma_wait3A_277 = arith.constant 896 : i32
      %dma_wait3A_278 = tpu.memref_slice %arg8[%dma_wait3A_277] : memref<1024xi32, #tpu.memory_space<vmem>> -> memref<128xi32, #tpu.memory_space<vmem>>
      %dma_wait3A_279 = arith.constant 0 : i32
      %dma_wait3A_280 = arith.constant 0 : i32
      %dma_wait3A_281 = tpu.memref_slice %arg6[%dma_wait3A_279, %dma_wait3A_280] : memref<62500x24xi32, #tpu.memory_space<vmem_shared>> -> memref<62500x24xi32, #tpu.memory_space<vmem_shared>>
      tpu.wait_indirect_dma semaphore(%arg13 : memref<!tpu.dma_semaphore, #tpu.memory_space<semaphore_mem>>) src(%dma_wait3A_281 : memref<62500x24xi32, #tpu.memory_space<vmem_shared>>) dst(%dma_wait3A_276 : memref<128x24xi32, #tpu.memory_space<vmem>>)
      %while3A_282 = arith.constant 0 : i32
      %while3A_283 = arith.constant 64 : i32
      %while3A_284 = arith.constant 0 : i32
      %while3A_285 = arith.subi %while3A_283, %while3A_282 : i32
      %while3A_286 = arith.addi %while3A_282, %while3A_285 : i32
      %while3A_287 = arith.constant 1 : i32
      %while3A_288 = arith.divsi %while3A_285, %while3A_287 : i32
      %while3A_289 = arith.muli %while3A_288, %while3A_287 : i32
      %while3A_290 = arith.addi %while3A_282, %while3A_289 : i32
      %while3A_291 = arith.constant 1 : i32
      %while3A_292 = scf.for %while3A_296 = %while3A_282 to %while3A_290 step %while3A_291 iter_args(%while3A_297 = %while3A_284) -> (i32)  : i32 {
        %mul3A_298 = arith.constant 16 : i32
        %mul3A_299 = arith.muli %while3A_296, %mul3A_298 : i32
        %get3A = arith.index_cast %mul3A_299 : i32 to index
        %get3A_300 = tpu.vector_load %arg9[%get3A] {strides = array<i32>} : memref<1024xi32, #tpu.memory_space<vmem>>, vector<16xi32>,
        %get3A_301 = arith.index_cast %mul3A_299 : i32 to index
        %get3A_302 = tpu.vector_load %arg7[%get3A_301] {strides = array<i32>} : memref<1024xi32, #tpu.memory_space<vmem>>, vector<16xi32>,
        %and3A_303 = arith.constant 7 : i32
        %and3A_304 = vector.broadcast %and3A_303 : i32 to vector<16xi32>
        %and3A_305 = arith.andi %get3A_302, %and3A_304 : vector<16xi32>
        %mul3A_306 = arith.constant 3 : i32
        %mul3A_307 = vector.broadcast %mul3A_306 : i32 to vector<16xi32>
        %mul3A_308 = arith.muli %and3A_305, %mul3A_307 : vector<16xi32>
        %slice3A = vector.extract_strided_slice %get3A_300 {offsets = [0], sizes = [1], strides = [1]} : vector<16xi32> to vector<1xi32>
        %squeeze3A = vector.extract %slice3A[0] : i32 from vector<1xi32>
        %slice3A_309 = vector.extract_strided_slice %get3A_300 {offsets = [15], sizes = [1], strides = [1]} : vector<16xi32> to vector<1xi32>
        %squeeze3A_310 = vector.extract %slice3A_309[0] : i32 from vector<1xi32>
        %eq3A_311 = arith.cmpi eq, %squeeze3A, %squeeze3A_310 : i32
        %convert_element_type3A_312 = arith.extui %eq3A_311 : i1 to i32
        %cond3A_313 = arith.constant 0 : i32
        %cond3A_314 = arith.constant 0 : i32
        %cond3A_315 = arith.cmpi ne, %convert_element_type3A_312, %cond3A_314 : i32
        %cond3A_316 = scf.if %cond3A_315 -> (i32) {
          %add3A_318 = arith.constant 0 : i32
          %add3A_319 = vector.broadcast %add3A_318 : i32 to vector<16xi32>
          %add3A_320 = arith.addi %add3A_319, %select_n3A : vector<16xi32>
          %and3A_321 = arith.constant 15 : i32
          %and3A_322 = vector.broadcast %and3A_321 : i32 to vector<16xi32>
          %and3A_323 = arith.andi %add3A_320, %and3A_322 : vector<16xi32>
          %broadcast_in_dim3A_324 = vector.shape_cast %and3A_323 : vector<16xi32> to vector<16x1xi32>
          %gather3A = vector.shape_cast %broadcast_in_dim3A_324 : vector<16x1xi32> to vector<16xi32>
          %gather3A_325 = tpu.dynamic_gather %mul3A_308[%gather3A] in [0] : vector<16xi32>, vector<16xi32> -> vector<16xi32>
          %add3A_326 = arith.addi %gather3A_325, %sub3A_37 : vector<16xi32>
          %add3A_327 = arith.constant 0 : i32
          %add3A_328 = arith.addi %mul3A_299, %add3A_327 : i32
          %add3A_329 = vector.broadcast %add3A_328 : i32 to vector<16xi32>
          %add3A_330 = arith.addi %add3A_329, %select_n3A : vector<16xi32>
          %gather3A_331 = tpu.vector_load_idx %arg10[%add3A_330, %add3A_326] : memref<1032x24xi32, #tpu.memory_space<vmem>>[vector<16xi32>, vector<16xi32>], vector<16xi32>,
          %xor3A = arith.xori %broadcast_in_dim3A_56, %gather3A_331 : vector<16xi32>
          %add3A_332 = arith.constant 4 : i32
          %add3A_333 = vector.broadcast %add3A_332 : i32 to vector<16xi32>
          %add3A_334 = arith.addi %add3A_333, %select_n3A : vector<16xi32>
          %and3A_335 = arith.constant 15 : i32
          %and3A_336 = vector.broadcast %and3A_335 : i32 to vector<16xi32>
          %and3A_337 = arith.andi %add3A_334, %and3A_336 : vector<16xi32>
          %broadcast_in_dim3A_338 = vector.shape_cast %and3A_337 : vector<16xi32> to vector<16x1xi32>
          %gather3A_339 = vector.shape_cast %broadcast_in_dim3A_338 : vector<16x1xi32> to vector<16xi32>
          %gather3A_340 = tpu.dynamic_gather %mul3A_308[%gather3A_339] in [0] : vector<16xi32>, vector<16xi32> -> vector<16xi32>
          %add3A_341 = arith.addi %gather3A_340, %sub3A_37 : vector<16xi32>
          %add3A_342 = arith.constant 4 : i32
          %add3A_343 = arith.addi %mul3A_299, %add3A_342 : i32
          %add3A_344 = vector.broadcast %add3A_343 : i32 to vector<16xi32>
          %add3A_345 = arith.addi %add3A_344, %select_n3A : vector<16xi32>
          %gather3A_346 = tpu.vector_load_idx %arg10[%add3A_345, %add3A_341] : memref<1032x24xi32, #tpu.memory_space<vmem>>[vector<16xi32>, vector<16xi32>], vector<16xi32>,
          %xor3A_347 = arith.xori %xor3A, %gather3A_346 : vector<16xi32>
          %add3A_348 = arith.constant 8 : i32
          %add3A_349 = vector.broadcast %add3A_348 : i32 to vector<16xi32>
          %add3A_350 = arith.addi %add3A_349, %select_n3A : vector<16xi32>
          %and3A_351 = arith.constant 15 : i32
          %and3A_352 = vector.broadcast %and3A_351 : i32 to vector<16xi32>
          %and3A_353 = arith.andi %add3A_350, %and3A_352 : vector<16xi32>
          %broadcast_in_dim3A_354 = vector.shape_cast %and3A_353 : vector<16xi32> to vector<16x1xi32>
          %gather3A_355 = vector.shape_cast %broadcast_in_dim3A_354 : vector<16x1xi32> to vector<16xi32>
          %gather3A_356 = tpu.dynamic_gather %mul3A_308[%gather3A_355] in [0] : vector<16xi32>, vector<16xi32> -> vector<16xi32>
          %add3A_357 = arith.addi %gather3A_356, %sub3A_37 : vector<16xi32>
          %add3A_358 = arith.constant 8 : i32
          %add3A_359 = arith.addi %mul3A_299, %add3A_358 : i32
          %add3A_360 = vector.broadcast %add3A_359 : i32 to vector<16xi32>
          %add3A_361 = arith.addi %add3A_360, %select_n3A : vector<16xi32>
          %gather3A_362 = tpu.vector_load_idx %arg10[%add3A_361, %add3A_357] : memref<1032x24xi32, #tpu.memory_space<vmem>>[vector<16xi32>, vector<16xi32>], vector<16xi32>,
          %xor3A_363 = arith.xori %xor3A_347, %gather3A_362 : vector<16xi32>
          %add3A_364 = arith.constant 12 : i32
          %add3A_365 = vector.broadcast %add3A_364 : i32 to vector<16xi32>
          %add3A_366 = arith.addi %add3A_365, %select_n3A : vector<16xi32>
          %and3A_367 = arith.constant 15 : i32
          %and3A_368 = vector.broadcast %and3A_367 : i32 to vector<16xi32>
          %and3A_369 = arith.andi %add3A_366, %and3A_368 : vector<16xi32>
          %broadcast_in_dim3A_370 = vector.shape_cast %and3A_369 : vector<16xi32> to vector<16x1xi32>
          %gather3A_371 = vector.shape_cast %broadcast_in_dim3A_370 : vector<16x1xi32> to vector<16xi32>
          %gather3A_372 = tpu.dynamic_gather %mul3A_308[%gather3A_371] in [0] : vector<16xi32>, vector<16xi32> -> vector<16xi32>
          %add3A_373 = arith.addi %gather3A_372, %sub3A_37 : vector<16xi32>
          %add3A_374 = arith.constant 12 : i32
          %add3A_375 = arith.addi %mul3A_299, %add3A_374 : i32
          %add3A_376 = vector.broadcast %add3A_375 : i32 to vector<16xi32>
          %add3A_377 = arith.addi %add3A_376, %select_n3A : vector<16xi32>
          %gather3A_378 = tpu.vector_load_idx %arg10[%add3A_377, %add3A_373] : memref<1032x24xi32, #tpu.memory_space<vmem>>[vector<16xi32>, vector<16xi32>], vector<16xi32>,
          %xor3A_379 = arith.xori %xor3A_363, %gather3A_378 : vector<16xi32>
          %broadcast_in_dim3A_380 = vector.shape_cast %and3A_43 : vector<16xi32> to vector<16x1xi32>
          %gather3A_381 = vector.shape_cast %broadcast_in_dim3A_380 : vector<16x1xi32> to vector<16xi32>
          %gather3A_382 = tpu.dynamic_gather %xor3A_379[%gather3A_381] in [0] : vector<16xi32>, vector<16xi32> -> vector<16xi32>
          %xor3A_383 = arith.xori %xor3A_379, %gather3A_382 : vector<16xi32>
          %broadcast_in_dim3A_384 = vector.shape_cast %and3A_49 : vector<16xi32> to vector<16x1xi32>
          %gather3A_385 = vector.shape_cast %broadcast_in_dim3A_384 : vector<16x1xi32> to vector<16xi32>
          %gather3A_386 = tpu.dynamic_gather %xor3A_383[%gather3A_385] in [0] : vector<16xi32>, vector<16xi32> -> vector<16xi32>
          %xor3A_387 = arith.xori %xor3A_383, %gather3A_386 : vector<16xi32>
          %slice3A_388 = vector.extract_strided_slice %get3A_300 {offsets = [0], sizes = [1], strides = [1]} : vector<16xi32> to vector<1xi32>
          %squeeze3A_389 = vector.extract %slice3A_388[0] : i32 from vector<1xi32>
          %ge3A = arith.cmpi sge, %squeeze3A_389, %mul3A_2 : i32
          %lt3A_390 = arith.cmpi slt, %squeeze3A_389, %add3A_4 : i32
          %and3A_391 = arith.andi %ge3A, %lt3A_390 : i1
          %sub3A_392 = arith.subi %squeeze3A_389, %mul3A_2 : i32
          %jit3A_393 = arith.constant 1568 : i32
          %select_n3A_394 = arith.select %and3A_391, %sub3A_392, %jit3A_393 : i32
          %mul3A_395 = arith.constant 4 : i32
          %mul3A_396 = arith.muli %select_n3A_394, %mul3A_395 : i32
          %add3A_397 = vector.broadcast %mul3A_396 : i32 to vector<16xi32>
          %add3A_398 = arith.addi %broadcast_in_dim3A_56, %add3A_397 : vector<16xi32>
          %add3A_399 = arith.addi %add3A_398, %and3A_52 : vector<16xi32>
          %gather3A_400 = tpu.vector_load_idx %arg11[%add3A_399] : memref<6304xi32, #tpu.memory_space<vmem>>[vector<16xi32>], vector<16xi32>,
          %xor3A_401 = arith.xori %gather3A_400, %xor3A_387 : vector<16xi32>
          tpu.vector_store_idx %arg11[%add3A_399], %xor3A_401 masked %lt3A_55 : memref<6304xi32, #tpu.memory_space<vmem>>[vector<16xi32>], vector<16xi32>, vector<16xi1>
          %cond3A_402 = arith.constant 0 : i32
          scf.yield %cond3A_402 : i32
        } else {
          %add3A_318 = arith.constant 0 : i32
          %add3A_319 = vector.broadcast %add3A_318 : i32 to vector<16xi32>
          %add3A_320 = arith.addi %broadcast_in_dim3A_56, %add3A_319 : vector<16xi32>
          %broadcast_in_dim3A_321 = vector.shape_cast %add3A_320 : vector<16xi32> to vector<16x1xi32>
          %gather3A = vector.shape_cast %broadcast_in_dim3A_321 : vector<16x1xi32> to vector<16xi32>
          %gather3A_322 = tpu.dynamic_gather %mul3A_308[%gather3A] in [0] : vector<16xi32>, vector<16xi32> -> vector<16xi32>
          %add3A_323 = arith.addi %gather3A_322, %sub3A_37 : vector<16xi32>
          %add3A_324 = arith.constant 0 : i32
          %add3A_325 = arith.addi %mul3A_299, %add3A_324 : i32
          %add3A_326 = vector.broadcast %add3A_325 : i32 to vector<16xi32>
          %add3A_327 = arith.addi %broadcast_in_dim3A_56, %add3A_326 : vector<16xi32>
          %gather3A_328 = tpu.vector_load_idx %arg10[%add3A_327, %add3A_323] : memref<1032x24xi32, #tpu.memory_space<vmem>>[vector<16xi32>, vector<16xi32>], vector<16xi32>,
          %slice3A_329 = vector.extract_strided_slice %get3A_300 {offsets = [0], sizes = [1], strides = [1]} : vector<16xi32> to vector<1xi32>
          %squeeze3A_330 = vector.extract %slice3A_329[0] : i32 from vector<1xi32>
          %ge3A = arith.cmpi sge, %squeeze3A_330, %mul3A_2 : i32
          %lt3A_331 = arith.cmpi slt, %squeeze3A_330, %add3A_4 : i32
          %and3A_332 = arith.andi %ge3A, %lt3A_331 : i1
          %sub3A_333 = arith.subi %squeeze3A_330, %mul3A_2 : i32
          %jit3A_334 = arith.constant 1568 : i32
          %select_n3A_335 = arith.select %and3A_332, %sub3A_333, %jit3A_334 : i32
          %mul3A_336 = arith.constant 4 : i32
          %mul3A_337 = arith.muli %select_n3A_335, %mul3A_336 : i32
          %add3A_338 = vector.broadcast %mul3A_337 : i32 to vector<16xi32>
          %add3A_339 = arith.addi %broadcast_in_dim3A_56, %add3A_338 : vector<16xi32>
          %add3A_340 = arith.addi %add3A_339, %and3A_52 : vector<16xi32>
          %gather3A_341 = tpu.vector_load_idx %arg11[%add3A_340] : memref<6304xi32, #tpu.memory_space<vmem>>[vector<16xi32>], vector<16xi32>,
          %xor3A = arith.xori %gather3A_341, %gather3A_328 : vector<16xi32>
          tpu.vector_store_idx %arg11[%add3A_340], %xor3A masked %lt3A_55 : memref<6304xi32, #tpu.memory_space<vmem>>[vector<16xi32>], vector<16xi32>, vector<16xi1>
          %add3A_342 = arith.constant 1 : i32
          %add3A_343 = vector.broadcast %add3A_342 : i32 to vector<16xi32>
          %add3A_344 = arith.addi %broadcast_in_dim3A_56, %add3A_343 : vector<16xi32>
          %broadcast_in_dim3A_345 = vector.shape_cast %add3A_344 : vector<16xi32> to vector<16x1xi32>
          %gather3A_346 = vector.shape_cast %broadcast_in_dim3A_345 : vector<16x1xi32> to vector<16xi32>
          %gather3A_347 = tpu.dynamic_gather %mul3A_308[%gather3A_346] in [0] : vector<16xi32>, vector<16xi32> -> vector<16xi32>
          %add3A_348 = arith.addi %gather3A_347, %sub3A_37 : vector<16xi32>
          %add3A_349 = arith.constant 1 : i32
          %add3A_350 = arith.addi %mul3A_299, %add3A_349 : i32
          %add3A_351 = vector.broadcast %add3A_350 : i32 to vector<16xi32>
          %add3A_352 = arith.addi %broadcast_in_dim3A_56, %add3A_351 : vector<16xi32>
          %gather3A_353 = tpu.vector_load_idx %arg10[%add3A_352, %add3A_348] : memref<1032x24xi32, #tpu.memory_space<vmem>>[vector<16xi32>, vector<16xi32>], vector<16xi32>,
          %slice3A_354 = vector.extract_strided_slice %get3A_300 {offsets = [1], sizes = [1], strides = [1]} : vector<16xi32> to vector<1xi32>
          %squeeze3A_355 = vector.extract %slice3A_354[0] : i32 from vector<1xi32>
          %ge3A_356 = arith.cmpi sge, %squeeze3A_355, %mul3A_2 : i32
          %lt3A_357 = arith.cmpi slt, %squeeze3A_355, %add3A_4 : i32
          %and3A_358 = arith.andi %ge3A_356, %lt3A_357 : i1
          %sub3A_359 = arith.subi %squeeze3A_355, %mul3A_2 : i32
          %jit3A_360 = arith.constant 1568 : i32
          %select_n3A_361 = arith.select %and3A_358, %sub3A_359, %jit3A_360 : i32
          %mul3A_362 = arith.constant 4 : i32
          %mul3A_363 = arith.muli %select_n3A_361, %mul3A_362 : i32
          %add3A_364 = vector.broadcast %mul3A_363 : i32 to vector<16xi32>
          %add3A_365 = arith.addi %broadcast_in_dim3A_56, %add3A_364 : vector<16xi32>
          %add3A_366 = arith.addi %add3A_365, %and3A_52 : vector<16xi32>
          %gather3A_367 = tpu.vector_load_idx %arg11[%add3A_366] : memref<6304xi32, #tpu.memory_space<vmem>>[vector<16xi32>], vector<16xi32>,
          %xor3A_368 = arith.xori %gather3A_367, %gather3A_353 : vector<16xi32>
          tpu.vector_store_idx %arg11[%add3A_366], %xor3A_368 masked %lt3A_55 : memref<6304xi32, #tpu.memory_space<vmem>>[vector<16xi32>], vector<16xi32>, vector<16xi1>
          %add3A_369 = arith.constant 2 : i32
          %add3A_370 = vector.broadcast %add3A_369 : i32 to vector<16xi32>
          %add3A_371 = arith.addi %broadcast_in_dim3A_56, %add3A_370 : vector<16xi32>
          %broadcast_in_dim3A_372 = vector.shape_cast %add3A_371 : vector<16xi32> to vector<16x1xi32>
          %gather3A_373 = vector.shape_cast %broadcast_in_dim3A_372 : vector<16x1xi32> to vector<16xi32>
          %gather3A_374 = tpu.dynamic_gather %mul3A_308[%gather3A_373] in [0] : vector<16xi32>, vector<16xi32> -> vector<16xi32>
          %add3A_375 = arith.addi %gather3A_374, %sub3A_37 : vector<16xi32>
          %add3A_376 = arith.constant 2 : i32
          %add3A_377 = arith.addi %mul3A_299, %add3A_376 : i32
          %add3A_378 = vector.broadcast %add3A_377 : i32 to vector<16xi32>
          %add3A_379 = arith.addi %broadcast_in_dim3A_56, %add3A_378 : vector<16xi32>
          %gather3A_380 = tpu.vector_load_idx %arg10[%add3A_379, %add3A_375] : memref<1032x24xi32, #tpu.memory_space<vmem>>[vector<16xi32>, vector<16xi32>], vector<16xi32>,
          %slice3A_381 = vector.extract_strided_slice %get3A_300 {offsets = [2], sizes = [1], strides = [1]} : vector<16xi32> to vector<1xi32>
          %squeeze3A_382 = vector.extract %slice3A_381[0] : i32 from vector<1xi32>
          %ge3A_383 = arith.cmpi sge, %squeeze3A_382, %mul3A_2 : i32
          %lt3A_384 = arith.cmpi slt, %squeeze3A_382, %add3A_4 : i32
          %and3A_385 = arith.andi %ge3A_383, %lt3A_384 : i1
          %sub3A_386 = arith.subi %squeeze3A_382, %mul3A_2 : i32
          %jit3A_387 = arith.constant 1568 : i32
          %select_n3A_388 = arith.select %and3A_385, %sub3A_386, %jit3A_387 : i32
          %mul3A_389 = arith.constant 4 : i32
          %mul3A_390 = arith.muli %select_n3A_388, %mul3A_389 : i32
          %add3A_391 = vector.broadcast %mul3A_390 : i32 to vector<16xi32>
          %add3A_392 = arith.addi %broadcast_in_dim3A_56, %add3A_391 : vector<16xi32>
          %add3A_393 = arith.addi %add3A_392, %and3A_52 : vector<16xi32>
          %gather3A_394 = tpu.vector_load_idx %arg11[%add3A_393] : memref<6304xi32, #tpu.memory_space<vmem>>[vector<16xi32>], vector<16xi32>,
          %xor3A_395 = arith.xori %gather3A_394, %gather3A_380 : vector<16xi32>
          tpu.vector_store_idx %arg11[%add3A_393], %xor3A_395 masked %lt3A_55 : memref<6304xi32, #tpu.memory_space<vmem>>[vector<16xi32>], vector<16xi32>, vector<16xi1>
          %add3A_396 = arith.constant 3 : i32
          %add3A_397 = vector.broadcast %add3A_396 : i32 to vector<16xi32>
          %add3A_398 = arith.addi %broadcast_in_dim3A_56, %add3A_397 : vector<16xi32>
          %broadcast_in_dim3A_399 = vector.shape_cast %add3A_398 : vector<16xi32> to vector<16x1xi32>
          %gather3A_400 = vector.shape_cast %broadcast_in_dim3A_399 : vector<16x1xi32> to vector<16xi32>
          %gather3A_401 = tpu.dynamic_gather %mul3A_308[%gather3A_400] in [0] : vector<16xi32>, vector<16xi32> -> vector<16xi32>
          %add3A_402 = arith.addi %gather3A_401, %sub3A_37 : vector<16xi32>
          %add3A_403 = arith.constant 3 : i32
          %add3A_404 = arith.addi %mul3A_299, %add3A_403 : i32
          %add3A_405 = vector.broadcast %add3A_404 : i32 to vector<16xi32>
          %add3A_406 = arith.addi %broadcast_in_dim3A_56, %add3A_405 : vector<16xi32>
          %gather3A_407 = tpu.vector_load_idx %arg10[%add3A_406, %add3A_402] : memref<1032x24xi32, #tpu.memory_space<vmem>>[vector<16xi32>, vector<16xi32>], vector<16xi32>,
          %slice3A_408 = vector.extract_strided_slice %get3A_300 {offsets = [3], sizes = [1], strides = [1]} : vector<16xi32> to vector<1xi32>
          %squeeze3A_409 = vector.extract %slice3A_408[0] : i32 from vector<1xi32>
          %ge3A_410 = arith.cmpi sge, %squeeze3A_409, %mul3A_2 : i32
          %lt3A_411 = arith.cmpi slt, %squeeze3A_409, %add3A_4 : i32
          %and3A_412 = arith.andi %ge3A_410, %lt3A_411 : i1
          %sub3A_413 = arith.subi %squeeze3A_409, %mul3A_2 : i32
          %jit3A_414 = arith.constant 1568 : i32
          %select_n3A_415 = arith.select %and3A_412, %sub3A_413, %jit3A_414 : i32
          %mul3A_416 = arith.constant 4 : i32
          %mul3A_417 = arith.muli %select_n3A_415, %mul3A_416 : i32
          %add3A_418 = vector.broadcast %mul3A_417 : i32 to vector<16xi32>
          %add3A_419 = arith.addi %broadcast_in_dim3A_56, %add3A_418 : vector<16xi32>
          %add3A_420 = arith.addi %add3A_419, %and3A_52 : vector<16xi32>
          %gather3A_421 = tpu.vector_load_idx %arg11[%add3A_420] : memref<6304xi32, #tpu.memory_space<vmem>>[vector<16xi32>], vector<16xi32>,
          %xor3A_422 = arith.xori %gather3A_421, %gather3A_407 : vector<16xi32>
          tpu.vector_store_idx %arg11[%add3A_420], %xor3A_422 masked %lt3A_55 : memref<6304xi32, #tpu.memory_space<vmem>>[vector<16xi32>], vector<16xi32>, vector<16xi1>
          %add3A_423 = arith.constant 4 : i32
          %add3A_424 = vector.broadcast %add3A_423 : i32 to vector<16xi32>
          %add3A_425 = arith.addi %broadcast_in_dim3A_56, %add3A_424 : vector<16xi32>
          %broadcast_in_dim3A_426 = vector.shape_cast %add3A_425 : vector<16xi32> to vector<16x1xi32>
          %gather3A_427 = vector.shape_cast %broadcast_in_dim3A_426 : vector<16x1xi32> to vector<16xi32>
          %gather3A_428 = tpu.dynamic_gather %mul3A_308[%gather3A_427] in [0] : vector<16xi32>, vector<16xi32> -> vector<16xi32>
          %add3A_429 = arith.addi %gather3A_428, %sub3A_37 : vector<16xi32>
          %add3A_430 = arith.constant 4 : i32
          %add3A_431 = arith.addi %mul3A_299, %add3A_430 : i32
          %add3A_432 = vector.broadcast %add3A_431 : i32 to vector<16xi32>
          %add3A_433 = arith.addi %broadcast_in_dim3A_56, %add3A_432 : vector<16xi32>
          %gather3A_434 = tpu.vector_load_idx %arg10[%add3A_433, %add3A_429] : memref<1032x24xi32, #tpu.memory_space<vmem>>[vector<16xi32>, vector<16xi32>], vector<16xi32>,
          %slice3A_435 = vector.extract_strided_slice %get3A_300 {offsets = [4], sizes = [1], strides = [1]} : vector<16xi32> to vector<1xi32>
          %squeeze3A_436 = vector.extract %slice3A_435[0] : i32 from vector<1xi32>
          %ge3A_437 = arith.cmpi sge, %squeeze3A_436, %mul3A_2 : i32
          %lt3A_438 = arith.cmpi slt, %squeeze3A_436, %add3A_4 : i32
          %and3A_439 = arith.andi %ge3A_437, %lt3A_438 : i1
          %sub3A_440 = arith.subi %squeeze3A_436, %mul3A_2 : i32
          %jit3A_441 = arith.constant 1568 : i32
          %select_n3A_442 = arith.select %and3A_439, %sub3A_440, %jit3A_441 : i32
          %mul3A_443 = arith.constant 4 : i32
          %mul3A_444 = arith.muli %select_n3A_442, %mul3A_443 : i32
          %add3A_445 = vector.broadcast %mul3A_444 : i32 to vector<16xi32>
          %add3A_446 = arith.addi %broadcast_in_dim3A_56, %add3A_445 : vector<16xi32>
          %add3A_447 = arith.addi %add3A_446, %and3A_52 : vector<16xi32>
          %gather3A_448 = tpu.vector_load_idx %arg11[%add3A_447] : memref<6304xi32, #tpu.memory_space<vmem>>[vector<16xi32>], vector<16xi32>,
          %xor3A_449 = arith.xori %gather3A_448, %gather3A_434 : vector<16xi32>
          tpu.vector_store_idx %arg11[%add3A_447], %xor3A_449 masked %lt3A_55 : memref<6304xi32, #tpu.memory_space<vmem>>[vector<16xi32>], vector<16xi32>, vector<16xi1>
          %add3A_450 = arith.constant 5 : i32
          %add3A_451 = vector.broadcast %add3A_450 : i32 to vector<16xi32>
          %add3A_452 = arith.addi %broadcast_in_dim3A_56, %add3A_451 : vector<16xi32>
          %broadcast_in_dim3A_453 = vector.shape_cast %add3A_452 : vector<16xi32> to vector<16x1xi32>
          %gather3A_454 = vector.shape_cast %broadcast_in_dim3A_453 : vector<16x1xi32> to vector<16xi32>
          %gather3A_455 = tpu.dynamic_gather %mul3A_308[%gather3A_454] in [0] : vector<16xi32>, vector<16xi32> -> vector<16xi32>
          %add3A_456 = arith.addi %gather3A_455, %sub3A_37 : vector<16xi32>
          %add3A_457 = arith.constant 5 : i32
          %add3A_458 = arith.addi %mul3A_299, %add3A_457 : i32
          %add3A_459 = vector.broadcast %add3A_458 : i32 to vector<16xi32>
          %add3A_460 = arith.addi %broadcast_in_dim3A_56, %add3A_459 : vector<16xi32>
          %gather3A_461 = tpu.vector_load_idx %arg10[%add3A_460, %add3A_456] : memref<1032x24xi32, #tpu.memory_space<vmem>>[vector<16xi32>, vector<16xi32>], vector<16xi32>,
          %slice3A_462 = vector.extract_strided_slice %get3A_300 {offsets = [5], sizes = [1], strides = [1]} : vector<16xi32> to vector<1xi32>
          %squeeze3A_463 = vector.extract %slice3A_462[0] : i32 from vector<1xi32>
          %ge3A_464 = arith.cmpi sge, %squeeze3A_463, %mul3A_2 : i32
          %lt3A_465 = arith.cmpi slt, %squeeze3A_463, %add3A_4 : i32
          %and3A_466 = arith.andi %ge3A_464, %lt3A_465 : i1
          %sub3A_467 = arith.subi %squeeze3A_463, %mul3A_2 : i32
          %jit3A_468 = arith.constant 1568 : i32
          %select_n3A_469 = arith.select %and3A_466, %sub3A_467, %jit3A_468 : i32
          %mul3A_470 = arith.constant 4 : i32
          %mul3A_471 = arith.muli %select_n3A_469, %mul3A_470 : i32
          %add3A_472 = vector.broadcast %mul3A_471 : i32 to vector<16xi32>
          %add3A_473 = arith.addi %broadcast_in_dim3A_56, %add3A_472 : vector<16xi32>
          %add3A_474 = arith.addi %add3A_473, %and3A_52 : vector<16xi32>
          %gather3A_475 = tpu.vector_load_idx %arg11[%add3A_474] : memref<6304xi32, #tpu.memory_space<vmem>>[vector<16xi32>], vector<16xi32>,
          %xor3A_476 = arith.xori %gather3A_475, %gather3A_461 : vector<16xi32>
          tpu.vector_store_idx %arg11[%add3A_474], %xor3A_476 masked %lt3A_55 : memref<6304xi32, #tpu.memory_space<vmem>>[vector<16xi32>], vector<16xi32>, vector<16xi1>
          %add3A_477 = arith.constant 6 : i32
          %add3A_478 = vector.broadcast %add3A_477 : i32 to vector<16xi32>
          %add3A_479 = arith.addi %broadcast_in_dim3A_56, %add3A_478 : vector<16xi32>
          %broadcast_in_dim3A_480 = vector.shape_cast %add3A_479 : vector<16xi32> to vector<16x1xi32>
          %gather3A_481 = vector.shape_cast %broadcast_in_dim3A_480 : vector<16x1xi32> to vector<16xi32>
          %gather3A_482 = tpu.dynamic_gather %mul3A_308[%gather3A_481] in [0] : vector<16xi32>, vector<16xi32> -> vector<16xi32>
          %add3A_483 = arith.addi %gather3A_482, %sub3A_37 : vector<16xi32>
          %add3A_484 = arith.constant 6 : i32
          %add3A_485 = arith.addi %mul3A_299, %add3A_484 : i32
          %add3A_486 = vector.broadcast %add3A_485 : i32 to vector<16xi32>
          %add3A_487 = arith.addi %broadcast_in_dim3A_56, %add3A_486 : vector<16xi32>
          %gather3A_488 = tpu.vector_load_idx %arg10[%add3A_487, %add3A_483] : memref<1032x24xi32, #tpu.memory_space<vmem>>[vector<16xi32>, vector<16xi32>], vector<16xi32>,
          %slice3A_489 = vector.extract_strided_slice %get3A_300 {offsets = [6], sizes = [1], strides = [1]} : vector<16xi32> to vector<1xi32>
          %squeeze3A_490 = vector.extract %slice3A_489[0] : i32 from vector<1xi32>
          %ge3A_491 = arith.cmpi sge, %squeeze3A_490, %mul3A_2 : i32
          %lt3A_492 = arith.cmpi slt, %squeeze3A_490, %add3A_4 : i32
          %and3A_493 = arith.andi %ge3A_491, %lt3A_492 : i1
          %sub3A_494 = arith.subi %squeeze3A_490, %mul3A_2 : i32
          %jit3A_495 = arith.constant 1568 : i32
          %select_n3A_496 = arith.select %and3A_493, %sub3A_494, %jit3A_495 : i32
          %mul3A_497 = arith.constant 4 : i32
          %mul3A_498 = arith.muli %select_n3A_496, %mul3A_497 : i32
          %add3A_499 = vector.broadcast %mul3A_498 : i32 to vector<16xi32>
          %add3A_500 = arith.addi %broadcast_in_dim3A_56, %add3A_499 : vector<16xi32>
          %add3A_501 = arith.addi %add3A_500, %and3A_52 : vector<16xi32>
          %gather3A_502 = tpu.vector_load_idx %arg11[%add3A_501] : memref<6304xi32, #tpu.memory_space<vmem>>[vector<16xi32>], vector<16xi32>,
          %xor3A_503 = arith.xori %gather3A_502, %gather3A_488 : vector<16xi32>
          tpu.vector_store_idx %arg11[%add3A_501], %xor3A_503 masked %lt3A_55 : memref<6304xi32, #tpu.memory_space<vmem>>[vector<16xi32>], vector<16xi32>, vector<16xi1>
          %add3A_504 = arith.constant 7 : i32
          %add3A_505 = vector.broadcast %add3A_504 : i32 to vector<16xi32>
          %add3A_506 = arith.addi %broadcast_in_dim3A_56, %add3A_505 : vector<16xi32>
          %broadcast_in_dim3A_507 = vector.shape_cast %add3A_506 : vector<16xi32> to vector<16x1xi32>
          %gather3A_508 = vector.shape_cast %broadcast_in_dim3A_507 : vector<16x1xi32> to vector<16xi32>
          %gather3A_509 = tpu.dynamic_gather %mul3A_308[%gather3A_508] in [0] : vector<16xi32>, vector<16xi32> -> vector<16xi32>
          %add3A_510 = arith.addi %gather3A_509, %sub3A_37 : vector<16xi32>
          %add3A_511 = arith.constant 7 : i32
          %add3A_512 = arith.addi %mul3A_299, %add3A_511 : i32
          %add3A_513 = vector.broadcast %add3A_512 : i32 to vector<16xi32>
          %add3A_514 = arith.addi %broadcast_in_dim3A_56, %add3A_513 : vector<16xi32>
          %gather3A_515 = tpu.vector_load_idx %arg10[%add3A_514, %add3A_510] : memref<1032x24xi32, #tpu.memory_space<vmem>>[vector<16xi32>, vector<16xi32>], vector<16xi32>,
          %slice3A_516 = vector.extract_strided_slice %get3A_300 {offsets = [7], sizes = [1], strides = [1]} : vector<16xi32> to vector<1xi32>
          %squeeze3A_517 = vector.extract %slice3A_516[0] : i32 from vector<1xi32>
          %ge3A_518 = arith.cmpi sge, %squeeze3A_517, %mul3A_2 : i32
          %lt3A_519 = arith.cmpi slt, %squeeze3A_517, %add3A_4 : i32
          %and3A_520 = arith.andi %ge3A_518, %lt3A_519 : i1
          %sub3A_521 = arith.subi %squeeze3A_517, %mul3A_2 : i32
          %jit3A_522 = arith.constant 1568 : i32
          %select_n3A_523 = arith.select %and3A_520, %sub3A_521, %jit3A_522 : i32
          %mul3A_524 = arith.constant 4 : i32
          %mul3A_525 = arith.muli %select_n3A_523, %mul3A_524 : i32
          %add3A_526 = vector.broadcast %mul3A_525 : i32 to vector<16xi32>
          %add3A_527 = arith.addi %broadcast_in_dim3A_56, %add3A_526 : vector<16xi32>
          %add3A_528 = arith.addi %add3A_527, %and3A_52 : vector<16xi32>
          %gather3A_529 = tpu.vector_load_idx %arg11[%add3A_528] : memref<6304xi32, #tpu.memory_space<vmem>>[vector<16xi32>], vector<16xi32>,
          %xor3A_530 = arith.xori %gather3A_529, %gather3A_515 : vector<16xi32>
          tpu.vector_store_idx %arg11[%add3A_528], %xor3A_530 masked %lt3A_55 : memref<6304xi32, #tpu.memory_space<vmem>>[vector<16xi32>], vector<16xi32>, vector<16xi1>
          %add3A_531 = arith.constant 8 : i32
          %add3A_532 = vector.broadcast %add3A_531 : i32 to vector<16xi32>
          %add3A_533 = arith.addi %broadcast_in_dim3A_56, %add3A_532 : vector<16xi32>
          %broadcast_in_dim3A_534 = vector.shape_cast %add3A_533 : vector<16xi32> to vector<16x1xi32>
          %gather3A_535 = vector.shape_cast %broadcast_in_dim3A_534 : vector<16x1xi32> to vector<16xi32>
          %gather3A_536 = tpu.dynamic_gather %mul3A_308[%gather3A_535] in [0] : vector<16xi32>, vector<16xi32> -> vector<16xi32>
          %add3A_537 = arith.addi %gather3A_536, %sub3A_37 : vector<16xi32>
          %add3A_538 = arith.constant 8 : i32
          %add3A_539 = arith.addi %mul3A_299, %add3A_538 : i32
          %add3A_540 = vector.broadcast %add3A_539 : i32 to vector<16xi32>
          %add3A_541 = arith.addi %broadcast_in_dim3A_56, %add3A_540 : vector<16xi32>
          %gather3A_542 = tpu.vector_load_idx %arg10[%add3A_541, %add3A_537] : memref<1032x24xi32, #tpu.memory_space<vmem>>[vector<16xi32>, vector<16xi32>], vector<16xi32>,
          %slice3A_543 = vector.extract_strided_slice %get3A_300 {offsets = [8], sizes = [1], strides = [1]} : vector<16xi32> to vector<1xi32>
          %squeeze3A_544 = vector.extract %slice3A_543[0] : i32 from vector<1xi32>
          %ge3A_545 = arith.cmpi sge, %squeeze3A_544, %mul3A_2 : i32
          %lt3A_546 = arith.cmpi slt, %squeeze3A_544, %add3A_4 : i32
          %and3A_547 = arith.andi %ge3A_545, %lt3A_546 : i1
          %sub3A_548 = arith.subi %squeeze3A_544, %mul3A_2 : i32
          %jit3A_549 = arith.constant 1568 : i32
          %select_n3A_550 = arith.select %and3A_547, %sub3A_548, %jit3A_549 : i32
          %mul3A_551 = arith.constant 4 : i32
          %mul3A_552 = arith.muli %select_n3A_550, %mul3A_551 : i32
          %add3A_553 = vector.broadcast %mul3A_552 : i32 to vector<16xi32>
          %add3A_554 = arith.addi %broadcast_in_dim3A_56, %add3A_553 : vector<16xi32>
          %add3A_555 = arith.addi %add3A_554, %and3A_52 : vector<16xi32>
          %gather3A_556 = tpu.vector_load_idx %arg11[%add3A_555] : memref<6304xi32, #tpu.memory_space<vmem>>[vector<16xi32>], vector<16xi32>,
          %xor3A_557 = arith.xori %gather3A_556, %gather3A_542 : vector<16xi32>
          tpu.vector_store_idx %arg11[%add3A_555], %xor3A_557 masked %lt3A_55 : memref<6304xi32, #tpu.memory_space<vmem>>[vector<16xi32>], vector<16xi32>, vector<16xi1>
          %add3A_558 = arith.constant 9 : i32
          %add3A_559 = vector.broadcast %add3A_558 : i32 to vector<16xi32>
          %add3A_560 = arith.addi %broadcast_in_dim3A_56, %add3A_559 : vector<16xi32>
          %broadcast_in_dim3A_561 = vector.shape_cast %add3A_560 : vector<16xi32> to vector<16x1xi32>
          %gather3A_562 = vector.shape_cast %broadcast_in_dim3A_561 : vector<16x1xi32> to vector<16xi32>
          %gather3A_563 = tpu.dynamic_gather %mul3A_308[%gather3A_562] in [0] : vector<16xi32>, vector<16xi32> -> vector<16xi32>
          %add3A_564 = arith.addi %gather3A_563, %sub3A_37 : vector<16xi32>
          %add3A_565 = arith.constant 9 : i32
          %add3A_566 = arith.addi %mul3A_299, %add3A_565 : i32
          %add3A_567 = vector.broadcast %add3A_566 : i32 to vector<16xi32>
          %add3A_568 = arith.addi %broadcast_in_dim3A_56, %add3A_567 : vector<16xi32>
          %gather3A_569 = tpu.vector_load_idx %arg10[%add3A_568, %add3A_564] : memref<1032x24xi32, #tpu.memory_space<vmem>>[vector<16xi32>, vector<16xi32>], vector<16xi32>,
          %slice3A_570 = vector.extract_strided_slice %get3A_300 {offsets = [9], sizes = [1], strides = [1]} : vector<16xi32> to vector<1xi32>
          %squeeze3A_571 = vector.extract %slice3A_570[0] : i32 from vector<1xi32>
          %ge3A_572 = arith.cmpi sge, %squeeze3A_571, %mul3A_2 : i32
          %lt3A_573 = arith.cmpi slt, %squeeze3A_571, %add3A_4 : i32
          %and3A_574 = arith.andi %ge3A_572, %lt3A_573 : i1
          %sub3A_575 = arith.subi %squeeze3A_571, %mul3A_2 : i32
          %jit3A_576 = arith.constant 1568 : i32
          %select_n3A_577 = arith.select %and3A_574, %sub3A_575, %jit3A_576 : i32
          %mul3A_578 = arith.constant 4 : i32
          %mul3A_579 = arith.muli %select_n3A_577, %mul3A_578 : i32
          %add3A_580 = vector.broadcast %mul3A_579 : i32 to vector<16xi32>
          %add3A_581 = arith.addi %broadcast_in_dim3A_56, %add3A_580 : vector<16xi32>
          %add3A_582 = arith.addi %add3A_581, %and3A_52 : vector<16xi32>
          %gather3A_583 = tpu.vector_load_idx %arg11[%add3A_582] : memref<6304xi32, #tpu.memory_space<vmem>>[vector<16xi32>], vector<16xi32>,
          %xor3A_584 = arith.xori %gather3A_583, %gather3A_569 : vector<16xi32>
          tpu.vector_store_idx %arg11[%add3A_582], %xor3A_584 masked %lt3A_55 : memref<6304xi32, #tpu.memory_space<vmem>>[vector<16xi32>], vector<16xi32>, vector<16xi1>
          %add3A_585 = arith.constant 10 : i32
          %add3A_586 = vector.broadcast %add3A_585 : i32 to vector<16xi32>
          %add3A_587 = arith.addi %broadcast_in_dim3A_56, %add3A_586 : vector<16xi32>
          %broadcast_in_dim3A_588 = vector.shape_cast %add3A_587 : vector<16xi32> to vector<16x1xi32>
          %gather3A_589 = vector.shape_cast %broadcast_in_dim3A_588 : vector<16x1xi32> to vector<16xi32>
          %gather3A_590 = tpu.dynamic_gather %mul3A_308[%gather3A_589] in [0] : vector<16xi32>, vector<16xi32> -> vector<16xi32>
          %add3A_591 = arith.addi %gather3A_590, %sub3A_37 : vector<16xi32>
          %add3A_592 = arith.constant 10 : i32
          %add3A_593 = arith.addi %mul3A_299, %add3A_592 : i32
          %add3A_594 = vector.broadcast %add3A_593 : i32 to vector<16xi32>
          %add3A_595 = arith.addi %broadcast_in_dim3A_56, %add3A_594 : vector<16xi32>
          %gather3A_596 = tpu.vector_load_idx %arg10[%add3A_595, %add3A_591] : memref<1032x24xi32, #tpu.memory_space<vmem>>[vector<16xi32>, vector<16xi32>], vector<16xi32>,
          %slice3A_597 = vector.extract_strided_slice %get3A_300 {offsets = [10], sizes = [1], strides = [1]} : vector<16xi32> to vector<1xi32>
          %squeeze3A_598 = vector.extract %slice3A_597[0] : i32 from vector<1xi32>
          %ge3A_599 = arith.cmpi sge, %squeeze3A_598, %mul3A_2 : i32
          %lt3A_600 = arith.cmpi slt, %squeeze3A_598, %add3A_4 : i32
          %and3A_601 = arith.andi %ge3A_599, %lt3A_600 : i1
          %sub3A_602 = arith.subi %squeeze3A_598, %mul3A_2 : i32
          %jit3A_603 = arith.constant 1568 : i32
          %select_n3A_604 = arith.select %and3A_601, %sub3A_602, %jit3A_603 : i32
          %mul3A_605 = arith.constant 4 : i32
          %mul3A_606 = arith.muli %select_n3A_604, %mul3A_605 : i32
          %add3A_607 = vector.broadcast %mul3A_606 : i32 to vector<16xi32>
          %add3A_608 = arith.addi %broadcast_in_dim3A_56, %add3A_607 : vector<16xi32>
          %add3A_609 = arith.addi %add3A_608, %and3A_52 : vector<16xi32>
          %gather3A_610 = tpu.vector_load_idx %arg11[%add3A_609] : memref<6304xi32, #tpu.memory_space<vmem>>[vector<16xi32>], vector<16xi32>,
          %xor3A_611 = arith.xori %gather3A_610, %gather3A_596 : vector<16xi32>
          tpu.vector_store_idx %arg11[%add3A_609], %xor3A_611 masked %lt3A_55 : memref<6304xi32, #tpu.memory_space<vmem>>[vector<16xi32>], vector<16xi32>, vector<16xi1>
          %add3A_612 = arith.constant 11 : i32
          %add3A_613 = vector.broadcast %add3A_612 : i32 to vector<16xi32>
          %add3A_614 = arith.addi %broadcast_in_dim3A_56, %add3A_613 : vector<16xi32>
          %broadcast_in_dim3A_615 = vector.shape_cast %add3A_614 : vector<16xi32> to vector<16x1xi32>
          %gather3A_616 = vector.shape_cast %broadcast_in_dim3A_615 : vector<16x1xi32> to vector<16xi32>
          %gather3A_617 = tpu.dynamic_gather %mul3A_308[%gather3A_616] in [0] : vector<16xi32>, vector<16xi32> -> vector<16xi32>
          %add3A_618 = arith.addi %gather3A_617, %sub3A_37 : vector<16xi32>
          %add3A_619 = arith.constant 11 : i32
          %add3A_620 = arith.addi %mul3A_299, %add3A_619 : i32
          %add3A_621 = vector.broadcast %add3A_620 : i32 to vector<16xi32>
          %add3A_622 = arith.addi %broadcast_in_dim3A_56, %add3A_621 : vector<16xi32>
          %gather3A_623 = tpu.vector_load_idx %arg10[%add3A_622, %add3A_618] : memref<1032x24xi32, #tpu.memory_space<vmem>>[vector<16xi32>, vector<16xi32>], vector<16xi32>,
          %slice3A_624 = vector.extract_strided_slice %get3A_300 {offsets = [11], sizes = [1], strides = [1]} : vector<16xi32> to vector<1xi32>
          %squeeze3A_625 = vector.extract %slice3A_624[0] : i32 from vector<1xi32>
          %ge3A_626 = arith.cmpi sge, %squeeze3A_625, %mul3A_2 : i32
          %lt3A_627 = arith.cmpi slt, %squeeze3A_625, %add3A_4 : i32
          %and3A_628 = arith.andi %ge3A_626, %lt3A_627 : i1
          %sub3A_629 = arith.subi %squeeze3A_625, %mul3A_2 : i32
          %jit3A_630 = arith.constant 1568 : i32
          %select_n3A_631 = arith.select %and3A_628, %sub3A_629, %jit3A_630 : i32
          %mul3A_632 = arith.constant 4 : i32
          %mul3A_633 = arith.muli %select_n3A_631, %mul3A_632 : i32
          %add3A_634 = vector.broadcast %mul3A_633 : i32 to vector<16xi32>
          %add3A_635 = arith.addi %broadcast_in_dim3A_56, %add3A_634 : vector<16xi32>
          %add3A_636 = arith.addi %add3A_635, %and3A_52 : vector<16xi32>
          %gather3A_637 = tpu.vector_load_idx %arg11[%add3A_636] : memref<6304xi32, #tpu.memory_space<vmem>>[vector<16xi32>], vector<16xi32>,
          %xor3A_638 = arith.xori %gather3A_637, %gather3A_623 : vector<16xi32>
          tpu.vector_store_idx %arg11[%add3A_636], %xor3A_638 masked %lt3A_55 : memref<6304xi32, #tpu.memory_space<vmem>>[vector<16xi32>], vector<16xi32>, vector<16xi1>
          %add3A_639 = arith.constant 12 : i32
          %add3A_640 = vector.broadcast %add3A_639 : i32 to vector<16xi32>
          %add3A_641 = arith.addi %broadcast_in_dim3A_56, %add3A_640 : vector<16xi32>
          %broadcast_in_dim3A_642 = vector.shape_cast %add3A_641 : vector<16xi32> to vector<16x1xi32>
          %gather3A_643 = vector.shape_cast %broadcast_in_dim3A_642 : vector<16x1xi32> to vector<16xi32>
          %gather3A_644 = tpu.dynamic_gather %mul3A_308[%gather3A_643] in [0] : vector<16xi32>, vector<16xi32> -> vector<16xi32>
          %add3A_645 = arith.addi %gather3A_644, %sub3A_37 : vector<16xi32>
          %add3A_646 = arith.constant 12 : i32
          %add3A_647 = arith.addi %mul3A_299, %add3A_646 : i32
          %add3A_648 = vector.broadcast %add3A_647 : i32 to vector<16xi32>
          %add3A_649 = arith.addi %broadcast_in_dim3A_56, %add3A_648 : vector<16xi32>
          %gather3A_650 = tpu.vector_load_idx %arg10[%add3A_649, %add3A_645] : memref<1032x24xi32, #tpu.memory_space<vmem>>[vector<16xi32>, vector<16xi32>], vector<16xi32>,
          %slice3A_651 = vector.extract_strided_slice %get3A_300 {offsets = [12], sizes = [1], strides = [1]} : vector<16xi32> to vector<1xi32>
          %squeeze3A_652 = vector.extract %slice3A_651[0] : i32 from vector<1xi32>
          %ge3A_653 = arith.cmpi sge, %squeeze3A_652, %mul3A_2 : i32
          %lt3A_654 = arith.cmpi slt, %squeeze3A_652, %add3A_4 : i32
          %and3A_655 = arith.andi %ge3A_653, %lt3A_654 : i1
          %sub3A_656 = arith.subi %squeeze3A_652, %mul3A_2 : i32
          %jit3A_657 = arith.constant 1568 : i32
          %select_n3A_658 = arith.select %and3A_655, %sub3A_656, %jit3A_657 : i32
          %mul3A_659 = arith.constant 4 : i32
          %mul3A_660 = arith.muli %select_n3A_658, %mul3A_659 : i32
          %add3A_661 = vector.broadcast %mul3A_660 : i32 to vector<16xi32>
          %add3A_662 = arith.addi %broadcast_in_dim3A_56, %add3A_661 : vector<16xi32>
          %add3A_663 = arith.addi %add3A_662, %and3A_52 : vector<16xi32>
          %gather3A_664 = tpu.vector_load_idx %arg11[%add3A_663] : memref<6304xi32, #tpu.memory_space<vmem>>[vector<16xi32>], vector<16xi32>,
          %xor3A_665 = arith.xori %gather3A_664, %gather3A_650 : vector<16xi32>
          tpu.vector_store_idx %arg11[%add3A_663], %xor3A_665 masked %lt3A_55 : memref<6304xi32, #tpu.memory_space<vmem>>[vector<16xi32>], vector<16xi32>, vector<16xi1>
          %add3A_666 = arith.constant 13 : i32
          %add3A_667 = vector.broadcast %add3A_666 : i32 to vector<16xi32>
          %add3A_668 = arith.addi %broadcast_in_dim3A_56, %add3A_667 : vector<16xi32>
          %broadcast_in_dim3A_669 = vector.shape_cast %add3A_668 : vector<16xi32> to vector<16x1xi32>
          %gather3A_670 = vector.shape_cast %broadcast_in_dim3A_669 : vector<16x1xi32> to vector<16xi32>
          %gather3A_671 = tpu.dynamic_gather %mul3A_308[%gather3A_670] in [0] : vector<16xi32>, vector<16xi32> -> vector<16xi32>
          %add3A_672 = arith.addi %gather3A_671, %sub3A_37 : vector<16xi32>
          %add3A_673 = arith.constant 13 : i32
          %add3A_674 = arith.addi %mul3A_299, %add3A_673 : i32
          %add3A_675 = vector.broadcast %add3A_674 : i32 to vector<16xi32>
          %add3A_676 = arith.addi %broadcast_in_dim3A_56, %add3A_675 : vector<16xi32>
          %gather3A_677 = tpu.vector_load_idx %arg10[%add3A_676, %add3A_672] : memref<1032x24xi32, #tpu.memory_space<vmem>>[vector<16xi32>, vector<16xi32>], vector<16xi32>,
          %slice3A_678 = vector.extract_strided_slice %get3A_300 {offsets = [13], sizes = [1], strides = [1]} : vector<16xi32> to vector<1xi32>
          %squeeze3A_679 = vector.extract %slice3A_678[0] : i32 from vector<1xi32>
          %ge3A_680 = arith.cmpi sge, %squeeze3A_679, %mul3A_2 : i32
          %lt3A_681 = arith.cmpi slt, %squeeze3A_679, %add3A_4 : i32
          %and3A_682 = arith.andi %ge3A_680, %lt3A_681 : i1
          %sub3A_683 = arith.subi %squeeze3A_679, %mul3A_2 : i32
          %jit3A_684 = arith.constant 1568 : i32
          %select_n3A_685 = arith.select %and3A_682, %sub3A_683, %jit3A_684 : i32
          %mul3A_686 = arith.constant 4 : i32
          %mul3A_687 = arith.muli %select_n3A_685, %mul3A_686 : i32
          %add3A_688 = vector.broadcast %mul3A_687 : i32 to vector<16xi32>
          %add3A_689 = arith.addi %broadcast_in_dim3A_56, %add3A_688 : vector<16xi32>
          %add3A_690 = arith.addi %add3A_689, %and3A_52 : vector<16xi32>
          %gather3A_691 = tpu.vector_load_idx %arg11[%add3A_690] : memref<6304xi32, #tpu.memory_space<vmem>>[vector<16xi32>], vector<16xi32>,
          %xor3A_692 = arith.xori %gather3A_691, %gather3A_677 : vector<16xi32>
          tpu.vector_store_idx %arg11[%add3A_690], %xor3A_692 masked %lt3A_55 : memref<6304xi32, #tpu.memory_space<vmem>>[vector<16xi32>], vector<16xi32>, vector<16xi1>
          %add3A_693 = arith.constant 14 : i32
          %add3A_694 = vector.broadcast %add3A_693 : i32 to vector<16xi32>
          %add3A_695 = arith.addi %broadcast_in_dim3A_56, %add3A_694 : vector<16xi32>
          %broadcast_in_dim3A_696 = vector.shape_cast %add3A_695 : vector<16xi32> to vector<16x1xi32>
          %gather3A_697 = vector.shape_cast %broadcast_in_dim3A_696 : vector<16x1xi32> to vector<16xi32>
          %gather3A_698 = tpu.dynamic_gather %mul3A_308[%gather3A_697] in [0] : vector<16xi32>, vector<16xi32> -> vector<16xi32>
          %add3A_699 = arith.addi %gather3A_698, %sub3A_37 : vector<16xi32>
          %add3A_700 = arith.constant 14 : i32
          %add3A_701 = arith.addi %mul3A_299, %add3A_700 : i32
          %add3A_702 = vector.broadcast %add3A_701 : i32 to vector<16xi32>
          %add3A_703 = arith.addi %broadcast_in_dim3A_56, %add3A_702 : vector<16xi32>
          %gather3A_704 = tpu.vector_load_idx %arg10[%add3A_703, %add3A_699] : memref<1032x24xi32, #tpu.memory_space<vmem>>[vector<16xi32>, vector<16xi32>], vector<16xi32>,
          %slice3A_705 = vector.extract_strided_slice %get3A_300 {offsets = [14], sizes = [1], strides = [1]} : vector<16xi32> to vector<1xi32>
          %squeeze3A_706 = vector.extract %slice3A_705[0] : i32 from vector<1xi32>
          %ge3A_707 = arith.cmpi sge, %squeeze3A_706, %mul3A_2 : i32
          %lt3A_708 = arith.cmpi slt, %squeeze3A_706, %add3A_4 : i32
          %and3A_709 = arith.andi %ge3A_707, %lt3A_708 : i1
          %sub3A_710 = arith.subi %squeeze3A_706, %mul3A_2 : i32
          %jit3A_711 = arith.constant 1568 : i32
          %select_n3A_712 = arith.select %and3A_709, %sub3A_710, %jit3A_711 : i32
          %mul3A_713 = arith.constant 4 : i32
          %mul3A_714 = arith.muli %select_n3A_712, %mul3A_713 : i32
          %add3A_715 = vector.broadcast %mul3A_714 : i32 to vector<16xi32>
          %add3A_716 = arith.addi %broadcast_in_dim3A_56, %add3A_715 : vector<16xi32>
          %add3A_717 = arith.addi %add3A_716, %and3A_52 : vector<16xi32>
          %gather3A_718 = tpu.vector_load_idx %arg11[%add3A_717] : memref<6304xi32, #tpu.memory_space<vmem>>[vector<16xi32>], vector<16xi32>,
          %xor3A_719 = arith.xori %gather3A_718, %gather3A_704 : vector<16xi32>
          tpu.vector_store_idx %arg11[%add3A_717], %xor3A_719 masked %lt3A_55 : memref<6304xi32, #tpu.memory_space<vmem>>[vector<16xi32>], vector<16xi32>, vector<16xi1>
          %add3A_720 = arith.constant 15 : i32
          %add3A_721 = vector.broadcast %add3A_720 : i32 to vector<16xi32>
          %add3A_722 = arith.addi %broadcast_in_dim3A_56, %add3A_721 : vector<16xi32>
          %broadcast_in_dim3A_723 = vector.shape_cast %add3A_722 : vector<16xi32> to vector<16x1xi32>
          %gather3A_724 = vector.shape_cast %broadcast_in_dim3A_723 : vector<16x1xi32> to vector<16xi32>
          %gather3A_725 = tpu.dynamic_gather %mul3A_308[%gather3A_724] in [0] : vector<16xi32>, vector<16xi32> -> vector<16xi32>
          %add3A_726 = arith.addi %gather3A_725, %sub3A_37 : vector<16xi32>
          %add3A_727 = arith.constant 15 : i32
          %add3A_728 = arith.addi %mul3A_299, %add3A_727 : i32
          %add3A_729 = vector.broadcast %add3A_728 : i32 to vector<16xi32>
          %add3A_730 = arith.addi %broadcast_in_dim3A_56, %add3A_729 : vector<16xi32>
          %gather3A_731 = tpu.vector_load_idx %arg10[%add3A_730, %add3A_726] : memref<1032x24xi32, #tpu.memory_space<vmem>>[vector<16xi32>, vector<16xi32>], vector<16xi32>,
          %slice3A_732 = vector.extract_strided_slice %get3A_300 {offsets = [15], sizes = [1], strides = [1]} : vector<16xi32> to vector<1xi32>
          %squeeze3A_733 = vector.extract %slice3A_732[0] : i32 from vector<1xi32>
          %ge3A_734 = arith.cmpi sge, %squeeze3A_733, %mul3A_2 : i32
          %lt3A_735 = arith.cmpi slt, %squeeze3A_733, %add3A_4 : i32
          %and3A_736 = arith.andi %ge3A_734, %lt3A_735 : i1
          %sub3A_737 = arith.subi %squeeze3A_733, %mul3A_2 : i32
          %jit3A_738 = arith.constant 1568 : i32
          %select_n3A_739 = arith.select %and3A_736, %sub3A_737, %jit3A_738 : i32
          %mul3A_740 = arith.constant 4 : i32
          %mul3A_741 = arith.muli %select_n3A_739, %mul3A_740 : i32
          %add3A_742 = vector.broadcast %mul3A_741 : i32 to vector<16xi32>
          %add3A_743 = arith.addi %broadcast_in_dim3A_56, %add3A_742 : vector<16xi32>
          %add3A_744 = arith.addi %add3A_743, %and3A_52 : vector<16xi32>
          %gather3A_745 = tpu.vector_load_idx %arg11[%add3A_744] : memref<6304xi32, #tpu.memory_space<vmem>>[vector<16xi32>], vector<16xi32>,
          %xor3A_746 = arith.xori %gather3A_745, %gather3A_731 : vector<16xi32>
          tpu.vector_store_idx %arg11[%add3A_744], %xor3A_746 masked %lt3A_55 : memref<6304xi32, #tpu.memory_space<vmem>>[vector<16xi32>], vector<16xi32>, vector<16xi1>
          %cond3A_747 = arith.constant 0 : i32
          scf.yield %cond3A_747 : i32
        }
        %while3A_317 = arith.constant 0 : i32
        scf.yield %while3A_317 : i32
      }
      %while3A_293 = arith.constant 1 : i32
      %while3A_294 = scf.for %while3A_296 = %while3A_290 to %while3A_286 step %while3A_293 iter_args(%while3A_297 = %while3A_292) -> (i32)  : i32 {
        %mul3A_298 = arith.constant 16 : i32
        %mul3A_299 = arith.muli %while3A_296, %mul3A_298 : i32
        %get3A = arith.index_cast %mul3A_299 : i32 to index
        %get3A_300 = tpu.vector_load %arg9[%get3A] {strides = array<i32>} : memref<1024xi32, #tpu.memory_space<vmem>>, vector<16xi32>,
        %get3A_301 = arith.index_cast %mul3A_299 : i32 to index
        %get3A_302 = tpu.vector_load %arg7[%get3A_301] {strides = array<i32>} : memref<1024xi32, #tpu.memory_space<vmem>>, vector<16xi32>,
        %and3A_303 = arith.constant 7 : i32
        %and3A_304 = vector.broadcast %and3A_303 : i32 to vector<16xi32>
        %and3A_305 = arith.andi %get3A_302, %and3A_304 : vector<16xi32>
        %mul3A_306 = arith.constant 3 : i32
        %mul3A_307 = vector.broadcast %mul3A_306 : i32 to vector<16xi32>
        %mul3A_308 = arith.muli %and3A_305, %mul3A_307 : vector<16xi32>
        %slice3A = vector.extract_strided_slice %get3A_300 {offsets = [0], sizes = [1], strides = [1]} : vector<16xi32> to vector<1xi32>
        %squeeze3A = vector.extract %slice3A[0] : i32 from vector<1xi32>
        %slice3A_309 = vector.extract_strided_slice %get3A_300 {offsets = [15], sizes = [1], strides = [1]} : vector<16xi32> to vector<1xi32>
        %squeeze3A_310 = vector.extract %slice3A_309[0] : i32 from vector<1xi32>
        %eq3A_311 = arith.cmpi eq, %squeeze3A, %squeeze3A_310 : i32
        %convert_element_type3A_312 = arith.extui %eq3A_311 : i1 to i32
        %cond3A_313 = arith.constant 0 : i32
        %cond3A_314 = arith.constant 0 : i32
        %cond3A_315 = arith.cmpi ne, %convert_element_type3A_312, %cond3A_314 : i32
        %cond3A_316 = scf.if %cond3A_315 -> (i32) {
          %add3A_318 = arith.constant 0 : i32
          %add3A_319 = vector.broadcast %add3A_318 : i32 to vector<16xi32>
          %add3A_320 = arith.addi %add3A_319, %select_n3A : vector<16xi32>
          %and3A_321 = arith.constant 15 : i32
          %and3A_322 = vector.broadcast %and3A_321 : i32 to vector<16xi32>
          %and3A_323 = arith.andi %add3A_320, %and3A_322 : vector<16xi32>
          %broadcast_in_dim3A_324 = vector.shape_cast %and3A_323 : vector<16xi32> to vector<16x1xi32>
          %gather3A = vector.shape_cast %broadcast_in_dim3A_324 : vector<16x1xi32> to vector<16xi32>
          %gather3A_325 = tpu.dynamic_gather %mul3A_308[%gather3A] in [0] : vector<16xi32>, vector<16xi32> -> vector<16xi32>
          %add3A_326 = arith.addi %gather3A_325, %sub3A_37 : vector<16xi32>
          %add3A_327 = arith.constant 0 : i32
          %add3A_328 = arith.addi %mul3A_299, %add3A_327 : i32
          %add3A_329 = vector.broadcast %add3A_328 : i32 to vector<16xi32>
          %add3A_330 = arith.addi %add3A_329, %select_n3A : vector<16xi32>
          %gather3A_331 = tpu.vector_load_idx %arg10[%add3A_330, %add3A_326] : memref<1032x24xi32, #tpu.memory_space<vmem>>[vector<16xi32>, vector<16xi32>], vector<16xi32>,
          %xor3A = arith.xori %broadcast_in_dim3A_56, %gather3A_331 : vector<16xi32>
          %add3A_332 = arith.constant 4 : i32
          %add3A_333 = vector.broadcast %add3A_332 : i32 to vector<16xi32>
          %add3A_334 = arith.addi %add3A_333, %select_n3A : vector<16xi32>
          %and3A_335 = arith.constant 15 : i32
          %and3A_336 = vector.broadcast %and3A_335 : i32 to vector<16xi32>
          %and3A_337 = arith.andi %add3A_334, %and3A_336 : vector<16xi32>
          %broadcast_in_dim3A_338 = vector.shape_cast %and3A_337 : vector<16xi32> to vector<16x1xi32>
          %gather3A_339 = vector.shape_cast %broadcast_in_dim3A_338 : vector<16x1xi32> to vector<16xi32>
          %gather3A_340 = tpu.dynamic_gather %mul3A_308[%gather3A_339] in [0] : vector<16xi32>, vector<16xi32> -> vector<16xi32>
          %add3A_341 = arith.addi %gather3A_340, %sub3A_37 : vector<16xi32>
          %add3A_342 = arith.constant 4 : i32
          %add3A_343 = arith.addi %mul3A_299, %add3A_342 : i32
          %add3A_344 = vector.broadcast %add3A_343 : i32 to vector<16xi32>
          %add3A_345 = arith.addi %add3A_344, %select_n3A : vector<16xi32>
          %gather3A_346 = tpu.vector_load_idx %arg10[%add3A_345, %add3A_341] : memref<1032x24xi32, #tpu.memory_space<vmem>>[vector<16xi32>, vector<16xi32>], vector<16xi32>,
          %xor3A_347 = arith.xori %xor3A, %gather3A_346 : vector<16xi32>
          %add3A_348 = arith.constant 8 : i32
          %add3A_349 = vector.broadcast %add3A_348 : i32 to vector<16xi32>
          %add3A_350 = arith.addi %add3A_349, %select_n3A : vector<16xi32>
          %and3A_351 = arith.constant 15 : i32
          %and3A_352 = vector.broadcast %and3A_351 : i32 to vector<16xi32>
          %and3A_353 = arith.andi %add3A_350, %and3A_352 : vector<16xi32>
          %broadcast_in_dim3A_354 = vector.shape_cast %and3A_353 : vector<16xi32> to vector<16x1xi32>
          %gather3A_355 = vector.shape_cast %broadcast_in_dim3A_354 : vector<16x1xi32> to vector<16xi32>
          %gather3A_356 = tpu.dynamic_gather %mul3A_308[%gather3A_355] in [0] : vector<16xi32>, vector<16xi32> -> vector<16xi32>
          %add3A_357 = arith.addi %gather3A_356, %sub3A_37 : vector<16xi32>
          %add3A_358 = arith.constant 8 : i32
          %add3A_359 = arith.addi %mul3A_299, %add3A_358 : i32
          %add3A_360 = vector.broadcast %add3A_359 : i32 to vector<16xi32>
          %add3A_361 = arith.addi %add3A_360, %select_n3A : vector<16xi32>
          %gather3A_362 = tpu.vector_load_idx %arg10[%add3A_361, %add3A_357] : memref<1032x24xi32, #tpu.memory_space<vmem>>[vector<16xi32>, vector<16xi32>], vector<16xi32>,
          %xor3A_363 = arith.xori %xor3A_347, %gather3A_362 : vector<16xi32>
          %add3A_364 = arith.constant 12 : i32
          %add3A_365 = vector.broadcast %add3A_364 : i32 to vector<16xi32>
          %add3A_366 = arith.addi %add3A_365, %select_n3A : vector<16xi32>
          %and3A_367 = arith.constant 15 : i32
          %and3A_368 = vector.broadcast %and3A_367 : i32 to vector<16xi32>
          %and3A_369 = arith.andi %add3A_366, %and3A_368 : vector<16xi32>
          %broadcast_in_dim3A_370 = vector.shape_cast %and3A_369 : vector<16xi32> to vector<16x1xi32>
          %gather3A_371 = vector.shape_cast %broadcast_in_dim3A_370 : vector<16x1xi32> to vector<16xi32>
          %gather3A_372 = tpu.dynamic_gather %mul3A_308[%gather3A_371] in [0] : vector<16xi32>, vector<16xi32> -> vector<16xi32>
          %add3A_373 = arith.addi %gather3A_372, %sub3A_37 : vector<16xi32>
          %add3A_374 = arith.constant 12 : i32
          %add3A_375 = arith.addi %mul3A_299, %add3A_374 : i32
          %add3A_376 = vector.broadcast %add3A_375 : i32 to vector<16xi32>
          %add3A_377 = arith.addi %add3A_376, %select_n3A : vector<16xi32>
          %gather3A_378 = tpu.vector_load_idx %arg10[%add3A_377, %add3A_373] : memref<1032x24xi32, #tpu.memory_space<vmem>>[vector<16xi32>, vector<16xi32>], vector<16xi32>,
          %xor3A_379 = arith.xori %xor3A_363, %gather3A_378 : vector<16xi32>
          %broadcast_in_dim3A_380 = vector.shape_cast %and3A_43 : vector<16xi32> to vector<16x1xi32>
          %gather3A_381 = vector.shape_cast %broadcast_in_dim3A_380 : vector<16x1xi32> to vector<16xi32>
          %gather3A_382 = tpu.dynamic_gather %xor3A_379[%gather3A_381] in [0] : vector<16xi32>, vector<16xi32> -> vector<16xi32>
          %xor3A_383 = arith.xori %xor3A_379, %gather3A_382 : vector<16xi32>
          %broadcast_in_dim3A_384 = vector.shape_cast %and3A_49 : vector<16xi32> to vector<16x1xi32>
          %gather3A_385 = vector.shape_cast %broadcast_in_dim3A_384 : vector<16x1xi32> to vector<16xi32>
          %gather3A_386 = tpu.dynamic_gather %xor3A_383[%gather3A_385] in [0] : vector<16xi32>, vector<16xi32> -> vector<16xi32>
          %xor3A_387 = arith.xori %xor3A_383, %gather3A_386 : vector<16xi32>
          %slice3A_388 = vector.extract_strided_slice %get3A_300 {offsets = [0], sizes = [1], strides = [1]} : vector<16xi32> to vector<1xi32>
          %squeeze3A_389 = vector.extract %slice3A_388[0] : i32 from vector<1xi32>
          %ge3A = arith.cmpi sge, %squeeze3A_389, %mul3A_2 : i32
          %lt3A_390 = arith.cmpi slt, %squeeze3A_389, %add3A_4 : i32
          %and3A_391 = arith.andi %ge3A, %lt3A_390 : i1
          %sub3A_392 = arith.subi %squeeze3A_389, %mul3A_2 : i32
          %jit3A_393 = arith.constant 1568 : i32
          %select_n3A_394 = arith.select %and3A_391, %sub3A_392, %jit3A_393 : i32
          %mul3A_395 = arith.constant 4 : i32
          %mul3A_396 = arith.muli %select_n3A_394, %mul3A_395 : i32
          %add3A_397 = vector.broadcast %mul3A_396 : i32 to vector<16xi32>
          %add3A_398 = arith.addi %broadcast_in_dim3A_56, %add3A_397 : vector<16xi32>
          %add3A_399 = arith.addi %add3A_398, %and3A_52 : vector<16xi32>
          %gather3A_400 = tpu.vector_load_idx %arg11[%add3A_399] : memref<6304xi32, #tpu.memory_space<vmem>>[vector<16xi32>], vector<16xi32>,
          %xor3A_401 = arith.xori %gather3A_400, %xor3A_387 : vector<16xi32>
          tpu.vector_store_idx %arg11[%add3A_399], %xor3A_401 masked %lt3A_55 : memref<6304xi32, #tpu.memory_space<vmem>>[vector<16xi32>], vector<16xi32>, vector<16xi1>
          %cond3A_402 = arith.constant 0 : i32
          scf.yield %cond3A_402 : i32
        } else {
          %add3A_318 = arith.constant 0 : i32
          %add3A_319 = vector.broadcast %add3A_318 : i32 to vector<16xi32>
          %add3A_320 = arith.addi %broadcast_in_dim3A_56, %add3A_319 : vector<16xi32>
          %broadcast_in_dim3A_321 = vector.shape_cast %add3A_320 : vector<16xi32> to vector<16x1xi32>
          %gather3A = vector.shape_cast %broadcast_in_dim3A_321 : vector<16x1xi32> to vector<16xi32>
          %gather3A_322 = tpu.dynamic_gather %mul3A_308[%gather3A] in [0] : vector<16xi32>, vector<16xi32> -> vector<16xi32>
          %add3A_323 = arith.addi %gather3A_322, %sub3A_37 : vector<16xi32>
          %add3A_324 = arith.constant 0 : i32
          %add3A_325 = arith.addi %mul3A_299, %add3A_324 : i32
          %add3A_326 = vector.broadcast %add3A_325 : i32 to vector<16xi32>
          %add3A_327 = arith.addi %broadcast_in_dim3A_56, %add3A_326 : vector<16xi32>
          %gather3A_328 = tpu.vector_load_idx %arg10[%add3A_327, %add3A_323] : memref<1032x24xi32, #tpu.memory_space<vmem>>[vector<16xi32>, vector<16xi32>], vector<16xi32>,
          %slice3A_329 = vector.extract_strided_slice %get3A_300 {offsets = [0], sizes = [1], strides = [1]} : vector<16xi32> to vector<1xi32>
          %squeeze3A_330 = vector.extract %slice3A_329[0] : i32 from vector<1xi32>
          %ge3A = arith.cmpi sge, %squeeze3A_330, %mul3A_2 : i32
          %lt3A_331 = arith.cmpi slt, %squeeze3A_330, %add3A_4 : i32
          %and3A_332 = arith.andi %ge3A, %lt3A_331 : i1
          %sub3A_333 = arith.subi %squeeze3A_330, %mul3A_2 : i32
          %jit3A_334 = arith.constant 1568 : i32
          %select_n3A_335 = arith.select %and3A_332, %sub3A_333, %jit3A_334 : i32
          %mul3A_336 = arith.constant 4 : i32
          %mul3A_337 = arith.muli %select_n3A_335, %mul3A_336 : i32
          %add3A_338 = vector.broadcast %mul3A_337 : i32 to vector<16xi32>
          %add3A_339 = arith.addi %broadcast_in_dim3A_56, %add3A_338 : vector<16xi32>
          %add3A_340 = arith.addi %add3A_339, %and3A_52 : vector<16xi32>
          %gather3A_341 = tpu.vector_load_idx %arg11[%add3A_340] : memref<6304xi32, #tpu.memory_space<vmem>>[vector<16xi32>], vector<16xi32>,
          %xor3A = arith.xori %gather3A_341, %gather3A_328 : vector<16xi32>
          tpu.vector_store_idx %arg11[%add3A_340], %xor3A masked %lt3A_55 : memref<6304xi32, #tpu.memory_space<vmem>>[vector<16xi32>], vector<16xi32>, vector<16xi1>
          %add3A_342 = arith.constant 1 : i32
          %add3A_343 = vector.broadcast %add3A_342 : i32 to vector<16xi32>
          %add3A_344 = arith.addi %broadcast_in_dim3A_56, %add3A_343 : vector<16xi32>
          %broadcast_in_dim3A_345 = vector.shape_cast %add3A_344 : vector<16xi32> to vector<16x1xi32>
          %gather3A_346 = vector.shape_cast %broadcast_in_dim3A_345 : vector<16x1xi32> to vector<16xi32>
          %gather3A_347 = tpu.dynamic_gather %mul3A_308[%gather3A_346] in [0] : vector<16xi32>, vector<16xi32> -> vector<16xi32>
          %add3A_348 = arith.addi %gather3A_347, %sub3A_37 : vector<16xi32>
          %add3A_349 = arith.constant 1 : i32
          %add3A_350 = arith.addi %mul3A_299, %add3A_349 : i32
          %add3A_351 = vector.broadcast %add3A_350 : i32 to vector<16xi32>
          %add3A_352 = arith.addi %broadcast_in_dim3A_56, %add3A_351 : vector<16xi32>
          %gather3A_353 = tpu.vector_load_idx %arg10[%add3A_352, %add3A_348] : memref<1032x24xi32, #tpu.memory_space<vmem>>[vector<16xi32>, vector<16xi32>], vector<16xi32>,
          %slice3A_354 = vector.extract_strided_slice %get3A_300 {offsets = [1], sizes = [1], strides = [1]} : vector<16xi32> to vector<1xi32>
          %squeeze3A_355 = vector.extract %slice3A_354[0] : i32 from vector<1xi32>
          %ge3A_356 = arith.cmpi sge, %squeeze3A_355, %mul3A_2 : i32
          %lt3A_357 = arith.cmpi slt, %squeeze3A_355, %add3A_4 : i32
          %and3A_358 = arith.andi %ge3A_356, %lt3A_357 : i1
          %sub3A_359 = arith.subi %squeeze3A_355, %mul3A_2 : i32
          %jit3A_360 = arith.constant 1568 : i32
          %select_n3A_361 = arith.select %and3A_358, %sub3A_359, %jit3A_360 : i32
          %mul3A_362 = arith.constant 4 : i32
          %mul3A_363 = arith.muli %select_n3A_361, %mul3A_362 : i32
          %add3A_364 = vector.broadcast %mul3A_363 : i32 to vector<16xi32>
          %add3A_365 = arith.addi %broadcast_in_dim3A_56, %add3A_364 : vector<16xi32>
          %add3A_366 = arith.addi %add3A_365, %and3A_52 : vector<16xi32>
          %gather3A_367 = tpu.vector_load_idx %arg11[%add3A_366] : memref<6304xi32, #tpu.memory_space<vmem>>[vector<16xi32>], vector<16xi32>,
          %xor3A_368 = arith.xori %gather3A_367, %gather3A_353 : vector<16xi32>
          tpu.vector_store_idx %arg11[%add3A_366], %xor3A_368 masked %lt3A_55 : memref<6304xi32, #tpu.memory_space<vmem>>[vector<16xi32>], vector<16xi32>, vector<16xi1>
          %add3A_369 = arith.constant 2 : i32
          %add3A_370 = vector.broadcast %add3A_369 : i32 to vector<16xi32>
          %add3A_371 = arith.addi %broadcast_in_dim3A_56, %add3A_370 : vector<16xi32>
          %broadcast_in_dim3A_372 = vector.shape_cast %add3A_371 : vector<16xi32> to vector<16x1xi32>
          %gather3A_373 = vector.shape_cast %broadcast_in_dim3A_372 : vector<16x1xi32> to vector<16xi32>
          %gather3A_374 = tpu.dynamic_gather %mul3A_308[%gather3A_373] in [0] : vector<16xi32>, vector<16xi32> -> vector<16xi32>
          %add3A_375 = arith.addi %gather3A_374, %sub3A_37 : vector<16xi32>
          %add3A_376 = arith.constant 2 : i32
          %add3A_377 = arith.addi %mul3A_299, %add3A_376 : i32
          %add3A_378 = vector.broadcast %add3A_377 : i32 to vector<16xi32>
          %add3A_379 = arith.addi %broadcast_in_dim3A_56, %add3A_378 : vector<16xi32>
          %gather3A_380 = tpu.vector_load_idx %arg10[%add3A_379, %add3A_375] : memref<1032x24xi32, #tpu.memory_space<vmem>>[vector<16xi32>, vector<16xi32>], vector<16xi32>,
          %slice3A_381 = vector.extract_strided_slice %get3A_300 {offsets = [2], sizes = [1], strides = [1]} : vector<16xi32> to vector<1xi32>
          %squeeze3A_382 = vector.extract %slice3A_381[0] : i32 from vector<1xi32>
          %ge3A_383 = arith.cmpi sge, %squeeze3A_382, %mul3A_2 : i32
          %lt3A_384 = arith.cmpi slt, %squeeze3A_382, %add3A_4 : i32
          %and3A_385 = arith.andi %ge3A_383, %lt3A_384 : i1
          %sub3A_386 = arith.subi %squeeze3A_382, %mul3A_2 : i32
          %jit3A_387 = arith.constant 1568 : i32
          %select_n3A_388 = arith.select %and3A_385, %sub3A_386, %jit3A_387 : i32
          %mul3A_389 = arith.constant 4 : i32
          %mul3A_390 = arith.muli %select_n3A_388, %mul3A_389 : i32
          %add3A_391 = vector.broadcast %mul3A_390 : i32 to vector<16xi32>
          %add3A_392 = arith.addi %broadcast_in_dim3A_56, %add3A_391 : vector<16xi32>
          %add3A_393 = arith.addi %add3A_392, %and3A_52 : vector<16xi32>
          %gather3A_394 = tpu.vector_load_idx %arg11[%add3A_393] : memref<6304xi32, #tpu.memory_space<vmem>>[vector<16xi32>], vector<16xi32>,
          %xor3A_395 = arith.xori %gather3A_394, %gather3A_380 : vector<16xi32>
          tpu.vector_store_idx %arg11[%add3A_393], %xor3A_395 masked %lt3A_55 : memref<6304xi32, #tpu.memory_space<vmem>>[vector<16xi32>], vector<16xi32>, vector<16xi1>
          %add3A_396 = arith.constant 3 : i32
          %add3A_397 = vector.broadcast %add3A_396 : i32 to vector<16xi32>
          %add3A_398 = arith.addi %broadcast_in_dim3A_56, %add3A_397 : vector<16xi32>
          %broadcast_in_dim3A_399 = vector.shape_cast %add3A_398 : vector<16xi32> to vector<16x1xi32>
          %gather3A_400 = vector.shape_cast %broadcast_in_dim3A_399 : vector<16x1xi32> to vector<16xi32>
          %gather3A_401 = tpu.dynamic_gather %mul3A_308[%gather3A_400] in [0] : vector<16xi32>, vector<16xi32> -> vector<16xi32>
          %add3A_402 = arith.addi %gather3A_401, %sub3A_37 : vector<16xi32>
          %add3A_403 = arith.constant 3 : i32
          %add3A_404 = arith.addi %mul3A_299, %add3A_403 : i32
          %add3A_405 = vector.broadcast %add3A_404 : i32 to vector<16xi32>
          %add3A_406 = arith.addi %broadcast_in_dim3A_56, %add3A_405 : vector<16xi32>
          %gather3A_407 = tpu.vector_load_idx %arg10[%add3A_406, %add3A_402] : memref<1032x24xi32, #tpu.memory_space<vmem>>[vector<16xi32>, vector<16xi32>], vector<16xi32>,
          %slice3A_408 = vector.extract_strided_slice %get3A_300 {offsets = [3], sizes = [1], strides = [1]} : vector<16xi32> to vector<1xi32>
          %squeeze3A_409 = vector.extract %slice3A_408[0] : i32 from vector<1xi32>
          %ge3A_410 = arith.cmpi sge, %squeeze3A_409, %mul3A_2 : i32
          %lt3A_411 = arith.cmpi slt, %squeeze3A_409, %add3A_4 : i32
          %and3A_412 = arith.andi %ge3A_410, %lt3A_411 : i1
          %sub3A_413 = arith.subi %squeeze3A_409, %mul3A_2 : i32
          %jit3A_414 = arith.constant 1568 : i32
          %select_n3A_415 = arith.select %and3A_412, %sub3A_413, %jit3A_414 : i32
          %mul3A_416 = arith.constant 4 : i32
          %mul3A_417 = arith.muli %select_n3A_415, %mul3A_416 : i32
          %add3A_418 = vector.broadcast %mul3A_417 : i32 to vector<16xi32>
          %add3A_419 = arith.addi %broadcast_in_dim3A_56, %add3A_418 : vector<16xi32>
          %add3A_420 = arith.addi %add3A_419, %and3A_52 : vector<16xi32>
          %gather3A_421 = tpu.vector_load_idx %arg11[%add3A_420] : memref<6304xi32, #tpu.memory_space<vmem>>[vector<16xi32>], vector<16xi32>,
          %xor3A_422 = arith.xori %gather3A_421, %gather3A_407 : vector<16xi32>
          tpu.vector_store_idx %arg11[%add3A_420], %xor3A_422 masked %lt3A_55 : memref<6304xi32, #tpu.memory_space<vmem>>[vector<16xi32>], vector<16xi32>, vector<16xi1>
          %add3A_423 = arith.constant 4 : i32
          %add3A_424 = vector.broadcast %add3A_423 : i32 to vector<16xi32>
          %add3A_425 = arith.addi %broadcast_in_dim3A_56, %add3A_424 : vector<16xi32>
          %broadcast_in_dim3A_426 = vector.shape_cast %add3A_425 : vector<16xi32> to vector<16x1xi32>
          %gather3A_427 = vector.shape_cast %broadcast_in_dim3A_426 : vector<16x1xi32> to vector<16xi32>
          %gather3A_428 = tpu.dynamic_gather %mul3A_308[%gather3A_427] in [0] : vector<16xi32>, vector<16xi32> -> vector<16xi32>
          %add3A_429 = arith.addi %gather3A_428, %sub3A_37 : vector<16xi32>
          %add3A_430 = arith.constant 4 : i32
          %add3A_431 = arith.addi %mul3A_299, %add3A_430 : i32
          %add3A_432 = vector.broadcast %add3A_431 : i32 to vector<16xi32>
          %add3A_433 = arith.addi %broadcast_in_dim3A_56, %add3A_432 : vector<16xi32>
          %gather3A_434 = tpu.vector_load_idx %arg10[%add3A_433, %add3A_429] : memref<1032x24xi32, #tpu.memory_space<vmem>>[vector<16xi32>, vector<16xi32>], vector<16xi32>,
          %slice3A_435 = vector.extract_strided_slice %get3A_300 {offsets = [4], sizes = [1], strides = [1]} : vector<16xi32> to vector<1xi32>
          %squeeze3A_436 = vector.extract %slice3A_435[0] : i32 from vector<1xi32>
          %ge3A_437 = arith.cmpi sge, %squeeze3A_436, %mul3A_2 : i32
          %lt3A_438 = arith.cmpi slt, %squeeze3A_436, %add3A_4 : i32
          %and3A_439 = arith.andi %ge3A_437, %lt3A_438 : i1
          %sub3A_440 = arith.subi %squeeze3A_436, %mul3A_2 : i32
          %jit3A_441 = arith.constant 1568 : i32
          %select_n3A_442 = arith.select %and3A_439, %sub3A_440, %jit3A_441 : i32
          %mul3A_443 = arith.constant 4 : i32
          %mul3A_444 = arith.muli %select_n3A_442, %mul3A_443 : i32
          %add3A_445 = vector.broadcast %mul3A_444 : i32 to vector<16xi32>
          %add3A_446 = arith.addi %broadcast_in_dim3A_56, %add3A_445 : vector<16xi32>
          %add3A_447 = arith.addi %add3A_446, %and3A_52 : vector<16xi32>
          %gather3A_448 = tpu.vector_load_idx %arg11[%add3A_447] : memref<6304xi32, #tpu.memory_space<vmem>>[vector<16xi32>], vector<16xi32>,
          %xor3A_449 = arith.xori %gather3A_448, %gather3A_434 : vector<16xi32>
          tpu.vector_store_idx %arg11[%add3A_447], %xor3A_449 masked %lt3A_55 : memref<6304xi32, #tpu.memory_space<vmem>>[vector<16xi32>], vector<16xi32>, vector<16xi1>
          %add3A_450 = arith.constant 5 : i32
          %add3A_451 = vector.broadcast %add3A_450 : i32 to vector<16xi32>
          %add3A_452 = arith.addi %broadcast_in_dim3A_56, %add3A_451 : vector<16xi32>
          %broadcast_in_dim3A_453 = vector.shape_cast %add3A_452 : vector<16xi32> to vector<16x1xi32>
          %gather3A_454 = vector.shape_cast %broadcast_in_dim3A_453 : vector<16x1xi32> to vector<16xi32>
          %gather3A_455 = tpu.dynamic_gather %mul3A_308[%gather3A_454] in [0] : vector<16xi32>, vector<16xi32> -> vector<16xi32>
          %add3A_456 = arith.addi %gather3A_455, %sub3A_37 : vector<16xi32>
          %add3A_457 = arith.constant 5 : i32
          %add3A_458 = arith.addi %mul3A_299, %add3A_457 : i32
          %add3A_459 = vector.broadcast %add3A_458 : i32 to vector<16xi32>
          %add3A_460 = arith.addi %broadcast_in_dim3A_56, %add3A_459 : vector<16xi32>
          %gather3A_461 = tpu.vector_load_idx %arg10[%add3A_460, %add3A_456] : memref<1032x24xi32, #tpu.memory_space<vmem>>[vector<16xi32>, vector<16xi32>], vector<16xi32>,
          %slice3A_462 = vector.extract_strided_slice %get3A_300 {offsets = [5], sizes = [1], strides = [1]} : vector<16xi32> to vector<1xi32>
          %squeeze3A_463 = vector.extract %slice3A_462[0] : i32 from vector<1xi32>
          %ge3A_464 = arith.cmpi sge, %squeeze3A_463, %mul3A_2 : i32
          %lt3A_465 = arith.cmpi slt, %squeeze3A_463, %add3A_4 : i32
          %and3A_466 = arith.andi %ge3A_464, %lt3A_465 : i1
          %sub3A_467 = arith.subi %squeeze3A_463, %mul3A_2 : i32
          %jit3A_468 = arith.constant 1568 : i32
          %select_n3A_469 = arith.select %and3A_466, %sub3A_467, %jit3A_468 : i32
          %mul3A_470 = arith.constant 4 : i32
          %mul3A_471 = arith.muli %select_n3A_469, %mul3A_470 : i32
          %add3A_472 = vector.broadcast %mul3A_471 : i32 to vector<16xi32>
          %add3A_473 = arith.addi %broadcast_in_dim3A_56, %add3A_472 : vector<16xi32>
          %add3A_474 = arith.addi %add3A_473, %and3A_52 : vector<16xi32>
          %gather3A_475 = tpu.vector_load_idx %arg11[%add3A_474] : memref<6304xi32, #tpu.memory_space<vmem>>[vector<16xi32>], vector<16xi32>,
          %xor3A_476 = arith.xori %gather3A_475, %gather3A_461 : vector<16xi32>
          tpu.vector_store_idx %arg11[%add3A_474], %xor3A_476 masked %lt3A_55 : memref<6304xi32, #tpu.memory_space<vmem>>[vector<16xi32>], vector<16xi32>, vector<16xi1>
          %add3A_477 = arith.constant 6 : i32
          %add3A_478 = vector.broadcast %add3A_477 : i32 to vector<16xi32>
          %add3A_479 = arith.addi %broadcast_in_dim3A_56, %add3A_478 : vector<16xi32>
          %broadcast_in_dim3A_480 = vector.shape_cast %add3A_479 : vector<16xi32> to vector<16x1xi32>
          %gather3A_481 = vector.shape_cast %broadcast_in_dim3A_480 : vector<16x1xi32> to vector<16xi32>
          %gather3A_482 = tpu.dynamic_gather %mul3A_308[%gather3A_481] in [0] : vector<16xi32>, vector<16xi32> -> vector<16xi32>
          %add3A_483 = arith.addi %gather3A_482, %sub3A_37 : vector<16xi32>
          %add3A_484 = arith.constant 6 : i32
          %add3A_485 = arith.addi %mul3A_299, %add3A_484 : i32
          %add3A_486 = vector.broadcast %add3A_485 : i32 to vector<16xi32>
          %add3A_487 = arith.addi %broadcast_in_dim3A_56, %add3A_486 : vector<16xi32>
          %gather3A_488 = tpu.vector_load_idx %arg10[%add3A_487, %add3A_483] : memref<1032x24xi32, #tpu.memory_space<vmem>>[vector<16xi32>, vector<16xi32>], vector<16xi32>,
          %slice3A_489 = vector.extract_strided_slice %get3A_300 {offsets = [6], sizes = [1], strides = [1]} : vector<16xi32> to vector<1xi32>
          %squeeze3A_490 = vector.extract %slice3A_489[0] : i32 from vector<1xi32>
          %ge3A_491 = arith.cmpi sge, %squeeze3A_490, %mul3A_2 : i32
          %lt3A_492 = arith.cmpi slt, %squeeze3A_490, %add3A_4 : i32
          %and3A_493 = arith.andi %ge3A_491, %lt3A_492 : i1
          %sub3A_494 = arith.subi %squeeze3A_490, %mul3A_2 : i32
          %jit3A_495 = arith.constant 1568 : i32
          %select_n3A_496 = arith.select %and3A_493, %sub3A_494, %jit3A_495 : i32
          %mul3A_497 = arith.constant 4 : i32
          %mul3A_498 = arith.muli %select_n3A_496, %mul3A_497 : i32
          %add3A_499 = vector.broadcast %mul3A_498 : i32 to vector<16xi32>
          %add3A_500 = arith.addi %broadcast_in_dim3A_56, %add3A_499 : vector<16xi32>
          %add3A_501 = arith.addi %add3A_500, %and3A_52 : vector<16xi32>
          %gather3A_502 = tpu.vector_load_idx %arg11[%add3A_501] : memref<6304xi32, #tpu.memory_space<vmem>>[vector<16xi32>], vector<16xi32>,
          %xor3A_503 = arith.xori %gather3A_502, %gather3A_488 : vector<16xi32>
          tpu.vector_store_idx %arg11[%add3A_501], %xor3A_503 masked %lt3A_55 : memref<6304xi32, #tpu.memory_space<vmem>>[vector<16xi32>], vector<16xi32>, vector<16xi1>
          %add3A_504 = arith.constant 7 : i32
          %add3A_505 = vector.broadcast %add3A_504 : i32 to vector<16xi32>
          %add3A_506 = arith.addi %broadcast_in_dim3A_56, %add3A_505 : vector<16xi32>
          %broadcast_in_dim3A_507 = vector.shape_cast %add3A_506 : vector<16xi32> to vector<16x1xi32>
          %gather3A_508 = vector.shape_cast %broadcast_in_dim3A_507 : vector<16x1xi32> to vector<16xi32>
          %gather3A_509 = tpu.dynamic_gather %mul3A_308[%gather3A_508] in [0] : vector<16xi32>, vector<16xi32> -> vector<16xi32>
          %add3A_510 = arith.addi %gather3A_509, %sub3A_37 : vector<16xi32>
          %add3A_511 = arith.constant 7 : i32
          %add3A_512 = arith.addi %mul3A_299, %add3A_511 : i32
          %add3A_513 = vector.broadcast %add3A_512 : i32 to vector<16xi32>
          %add3A_514 = arith.addi %broadcast_in_dim3A_56, %add3A_513 : vector<16xi32>
          %gather3A_515 = tpu.vector_load_idx %arg10[%add3A_514, %add3A_510] : memref<1032x24xi32, #tpu.memory_space<vmem>>[vector<16xi32>, vector<16xi32>], vector<16xi32>,
          %slice3A_516 = vector.extract_strided_slice %get3A_300 {offsets = [7], sizes = [1], strides = [1]} : vector<16xi32> to vector<1xi32>
          %squeeze3A_517 = vector.extract %slice3A_516[0] : i32 from vector<1xi32>
          %ge3A_518 = arith.cmpi sge, %squeeze3A_517, %mul3A_2 : i32
          %lt3A_519 = arith.cmpi slt, %squeeze3A_517, %add3A_4 : i32
          %and3A_520 = arith.andi %ge3A_518, %lt3A_519 : i1
          %sub3A_521 = arith.subi %squeeze3A_517, %mul3A_2 : i32
          %jit3A_522 = arith.constant 1568 : i32
          %select_n3A_523 = arith.select %and3A_520, %sub3A_521, %jit3A_522 : i32
          %mul3A_524 = arith.constant 4 : i32
          %mul3A_525 = arith.muli %select_n3A_523, %mul3A_524 : i32
          %add3A_526 = vector.broadcast %mul3A_525 : i32 to vector<16xi32>
          %add3A_527 = arith.addi %broadcast_in_dim3A_56, %add3A_526 : vector<16xi32>
          %add3A_528 = arith.addi %add3A_527, %and3A_52 : vector<16xi32>
          %gather3A_529 = tpu.vector_load_idx %arg11[%add3A_528] : memref<6304xi32, #tpu.memory_space<vmem>>[vector<16xi32>], vector<16xi32>,
          %xor3A_530 = arith.xori %gather3A_529, %gather3A_515 : vector<16xi32>
          tpu.vector_store_idx %arg11[%add3A_528], %xor3A_530 masked %lt3A_55 : memref<6304xi32, #tpu.memory_space<vmem>>[vector<16xi32>], vector<16xi32>, vector<16xi1>
          %add3A_531 = arith.constant 8 : i32
          %add3A_532 = vector.broadcast %add3A_531 : i32 to vector<16xi32>
          %add3A_533 = arith.addi %broadcast_in_dim3A_56, %add3A_532 : vector<16xi32>
          %broadcast_in_dim3A_534 = vector.shape_cast %add3A_533 : vector<16xi32> to vector<16x1xi32>
          %gather3A_535 = vector.shape_cast %broadcast_in_dim3A_534 : vector<16x1xi32> to vector<16xi32>
          %gather3A_536 = tpu.dynamic_gather %mul3A_308[%gather3A_535] in [0] : vector<16xi32>, vector<16xi32> -> vector<16xi32>
          %add3A_537 = arith.addi %gather3A_536, %sub3A_37 : vector<16xi32>
          %add3A_538 = arith.constant 8 : i32
          %add3A_539 = arith.addi %mul3A_299, %add3A_538 : i32
          %add3A_540 = vector.broadcast %add3A_539 : i32 to vector<16xi32>
          %add3A_541 = arith.addi %broadcast_in_dim3A_56, %add3A_540 : vector<16xi32>
          %gather3A_542 = tpu.vector_load_idx %arg10[%add3A_541, %add3A_537] : memref<1032x24xi32, #tpu.memory_space<vmem>>[vector<16xi32>, vector<16xi32>], vector<16xi32>,
          %slice3A_543 = vector.extract_strided_slice %get3A_300 {offsets = [8], sizes = [1], strides = [1]} : vector<16xi32> to vector<1xi32>
          %squeeze3A_544 = vector.extract %slice3A_543[0] : i32 from vector<1xi32>
          %ge3A_545 = arith.cmpi sge, %squeeze3A_544, %mul3A_2 : i32
          %lt3A_546 = arith.cmpi slt, %squeeze3A_544, %add3A_4 : i32
          %and3A_547 = arith.andi %ge3A_545, %lt3A_546 : i1
          %sub3A_548 = arith.subi %squeeze3A_544, %mul3A_2 : i32
          %jit3A_549 = arith.constant 1568 : i32
          %select_n3A_550 = arith.select %and3A_547, %sub3A_548, %jit3A_549 : i32
          %mul3A_551 = arith.constant 4 : i32
          %mul3A_552 = arith.muli %select_n3A_550, %mul3A_551 : i32
          %add3A_553 = vector.broadcast %mul3A_552 : i32 to vector<16xi32>
          %add3A_554 = arith.addi %broadcast_in_dim3A_56, %add3A_553 : vector<16xi32>
          %add3A_555 = arith.addi %add3A_554, %and3A_52 : vector<16xi32>
          %gather3A_556 = tpu.vector_load_idx %arg11[%add3A_555] : memref<6304xi32, #tpu.memory_space<vmem>>[vector<16xi32>], vector<16xi32>,
          %xor3A_557 = arith.xori %gather3A_556, %gather3A_542 : vector<16xi32>
          tpu.vector_store_idx %arg11[%add3A_555], %xor3A_557 masked %lt3A_55 : memref<6304xi32, #tpu.memory_space<vmem>>[vector<16xi32>], vector<16xi32>, vector<16xi1>
          %add3A_558 = arith.constant 9 : i32
          %add3A_559 = vector.broadcast %add3A_558 : i32 to vector<16xi32>
          %add3A_560 = arith.addi %broadcast_in_dim3A_56, %add3A_559 : vector<16xi32>
          %broadcast_in_dim3A_561 = vector.shape_cast %add3A_560 : vector<16xi32> to vector<16x1xi32>
          %gather3A_562 = vector.shape_cast %broadcast_in_dim3A_561 : vector<16x1xi32> to vector<16xi32>
          %gather3A_563 = tpu.dynamic_gather %mul3A_308[%gather3A_562] in [0] : vector<16xi32>, vector<16xi32> -> vector<16xi32>
          %add3A_564 = arith.addi %gather3A_563, %sub3A_37 : vector<16xi32>
          %add3A_565 = arith.constant 9 : i32
          %add3A_566 = arith.addi %mul3A_299, %add3A_565 : i32
          %add3A_567 = vector.broadcast %add3A_566 : i32 to vector<16xi32>
          %add3A_568 = arith.addi %broadcast_in_dim3A_56, %add3A_567 : vector<16xi32>
          %gather3A_569 = tpu.vector_load_idx %arg10[%add3A_568, %add3A_564] : memref<1032x24xi32, #tpu.memory_space<vmem>>[vector<16xi32>, vector<16xi32>], vector<16xi32>,
          %slice3A_570 = vector.extract_strided_slice %get3A_300 {offsets = [9], sizes = [1], strides = [1]} : vector<16xi32> to vector<1xi32>
          %squeeze3A_571 = vector.extract %slice3A_570[0] : i32 from vector<1xi32>
          %ge3A_572 = arith.cmpi sge, %squeeze3A_571, %mul3A_2 : i32
          %lt3A_573 = arith.cmpi slt, %squeeze3A_571, %add3A_4 : i32
          %and3A_574 = arith.andi %ge3A_572, %lt3A_573 : i1
          %sub3A_575 = arith.subi %squeeze3A_571, %mul3A_2 : i32
          %jit3A_576 = arith.constant 1568 : i32
          %select_n3A_577 = arith.select %and3A_574, %sub3A_575, %jit3A_576 : i32
          %mul3A_578 = arith.constant 4 : i32
          %mul3A_579 = arith.muli %select_n3A_577, %mul3A_578 : i32
          %add3A_580 = vector.broadcast %mul3A_579 : i32 to vector<16xi32>
          %add3A_581 = arith.addi %broadcast_in_dim3A_56, %add3A_580 : vector<16xi32>
          %add3A_582 = arith.addi %add3A_581, %and3A_52 : vector<16xi32>
          %gather3A_583 = tpu.vector_load_idx %arg11[%add3A_582] : memref<6304xi32, #tpu.memory_space<vmem>>[vector<16xi32>], vector<16xi32>,
          %xor3A_584 = arith.xori %gather3A_583, %gather3A_569 : vector<16xi32>
          tpu.vector_store_idx %arg11[%add3A_582], %xor3A_584 masked %lt3A_55 : memref<6304xi32, #tpu.memory_space<vmem>>[vector<16xi32>], vector<16xi32>, vector<16xi1>
          %add3A_585 = arith.constant 10 : i32
          %add3A_586 = vector.broadcast %add3A_585 : i32 to vector<16xi32>
          %add3A_587 = arith.addi %broadcast_in_dim3A_56, %add3A_586 : vector<16xi32>
          %broadcast_in_dim3A_588 = vector.shape_cast %add3A_587 : vector<16xi32> to vector<16x1xi32>
          %gather3A_589 = vector.shape_cast %broadcast_in_dim3A_588 : vector<16x1xi32> to vector<16xi32>
          %gather3A_590 = tpu.dynamic_gather %mul3A_308[%gather3A_589] in [0] : vector<16xi32>, vector<16xi32> -> vector<16xi32>
          %add3A_591 = arith.addi %gather3A_590, %sub3A_37 : vector<16xi32>
          %add3A_592 = arith.constant 10 : i32
          %add3A_593 = arith.addi %mul3A_299, %add3A_592 : i32
          %add3A_594 = vector.broadcast %add3A_593 : i32 to vector<16xi32>
          %add3A_595 = arith.addi %broadcast_in_dim3A_56, %add3A_594 : vector<16xi32>
          %gather3A_596 = tpu.vector_load_idx %arg10[%add3A_595, %add3A_591] : memref<1032x24xi32, #tpu.memory_space<vmem>>[vector<16xi32>, vector<16xi32>], vector<16xi32>,
          %slice3A_597 = vector.extract_strided_slice %get3A_300 {offsets = [10], sizes = [1], strides = [1]} : vector<16xi32> to vector<1xi32>
          %squeeze3A_598 = vector.extract %slice3A_597[0] : i32 from vector<1xi32>
          %ge3A_599 = arith.cmpi sge, %squeeze3A_598, %mul3A_2 : i32
          %lt3A_600 = arith.cmpi slt, %squeeze3A_598, %add3A_4 : i32
          %and3A_601 = arith.andi %ge3A_599, %lt3A_600 : i1
          %sub3A_602 = arith.subi %squeeze3A_598, %mul3A_2 : i32
          %jit3A_603 = arith.constant 1568 : i32
          %select_n3A_604 = arith.select %and3A_601, %sub3A_602, %jit3A_603 : i32
          %mul3A_605 = arith.constant 4 : i32
          %mul3A_606 = arith.muli %select_n3A_604, %mul3A_605 : i32
          %add3A_607 = vector.broadcast %mul3A_606 : i32 to vector<16xi32>
          %add3A_608 = arith.addi %broadcast_in_dim3A_56, %add3A_607 : vector<16xi32>
          %add3A_609 = arith.addi %add3A_608, %and3A_52 : vector<16xi32>
          %gather3A_610 = tpu.vector_load_idx %arg11[%add3A_609] : memref<6304xi32, #tpu.memory_space<vmem>>[vector<16xi32>], vector<16xi32>,
          %xor3A_611 = arith.xori %gather3A_610, %gather3A_596 : vector<16xi32>
          tpu.vector_store_idx %arg11[%add3A_609], %xor3A_611 masked %lt3A_55 : memref<6304xi32, #tpu.memory_space<vmem>>[vector<16xi32>], vector<16xi32>, vector<16xi1>
          %add3A_612 = arith.constant 11 : i32
          %add3A_613 = vector.broadcast %add3A_612 : i32 to vector<16xi32>
          %add3A_614 = arith.addi %broadcast_in_dim3A_56, %add3A_613 : vector<16xi32>
          %broadcast_in_dim3A_615 = vector.shape_cast %add3A_614 : vector<16xi32> to vector<16x1xi32>
          %gather3A_616 = vector.shape_cast %broadcast_in_dim3A_615 : vector<16x1xi32> to vector<16xi32>
          %gather3A_617 = tpu.dynamic_gather %mul3A_308[%gather3A_616] in [0] : vector<16xi32>, vector<16xi32> -> vector<16xi32>
          %add3A_618 = arith.addi %gather3A_617, %sub3A_37 : vector<16xi32>
          %add3A_619 = arith.constant 11 : i32
          %add3A_620 = arith.addi %mul3A_299, %add3A_619 : i32
          %add3A_621 = vector.broadcast %add3A_620 : i32 to vector<16xi32>
          %add3A_622 = arith.addi %broadcast_in_dim3A_56, %add3A_621 : vector<16xi32>
          %gather3A_623 = tpu.vector_load_idx %arg10[%add3A_622, %add3A_618] : memref<1032x24xi32, #tpu.memory_space<vmem>>[vector<16xi32>, vector<16xi32>], vector<16xi32>,
          %slice3A_624 = vector.extract_strided_slice %get3A_300 {offsets = [11], sizes = [1], strides = [1]} : vector<16xi32> to vector<1xi32>
          %squeeze3A_625 = vector.extract %slice3A_624[0] : i32 from vector<1xi32>
          %ge3A_626 = arith.cmpi sge, %squeeze3A_625, %mul3A_2 : i32
          %lt3A_627 = arith.cmpi slt, %squeeze3A_625, %add3A_4 : i32
          %and3A_628 = arith.andi %ge3A_626, %lt3A_627 : i1
          %sub3A_629 = arith.subi %squeeze3A_625, %mul3A_2 : i32
          %jit3A_630 = arith.constant 1568 : i32
          %select_n3A_631 = arith.select %and3A_628, %sub3A_629, %jit3A_630 : i32
          %mul3A_632 = arith.constant 4 : i32
          %mul3A_633 = arith.muli %select_n3A_631, %mul3A_632 : i32
          %add3A_634 = vector.broadcast %mul3A_633 : i32 to vector<16xi32>
          %add3A_635 = arith.addi %broadcast_in_dim3A_56, %add3A_634 : vector<16xi32>
          %add3A_636 = arith.addi %add3A_635, %and3A_52 : vector<16xi32>
          %gather3A_637 = tpu.vector_load_idx %arg11[%add3A_636] : memref<6304xi32, #tpu.memory_space<vmem>>[vector<16xi32>], vector<16xi32>,
          %xor3A_638 = arith.xori %gather3A_637, %gather3A_623 : vector<16xi32>
          tpu.vector_store_idx %arg11[%add3A_636], %xor3A_638 masked %lt3A_55 : memref<6304xi32, #tpu.memory_space<vmem>>[vector<16xi32>], vector<16xi32>, vector<16xi1>
          %add3A_639 = arith.constant 12 : i32
          %add3A_640 = vector.broadcast %add3A_639 : i32 to vector<16xi32>
          %add3A_641 = arith.addi %broadcast_in_dim3A_56, %add3A_640 : vector<16xi32>
          %broadcast_in_dim3A_642 = vector.shape_cast %add3A_641 : vector<16xi32> to vector<16x1xi32>
          %gather3A_643 = vector.shape_cast %broadcast_in_dim3A_642 : vector<16x1xi32> to vector<16xi32>
          %gather3A_644 = tpu.dynamic_gather %mul3A_308[%gather3A_643] in [0] : vector<16xi32>, vector<16xi32> -> vector<16xi32>
          %add3A_645 = arith.addi %gather3A_644, %sub3A_37 : vector<16xi32>
          %add3A_646 = arith.constant 12 : i32
          %add3A_647 = arith.addi %mul3A_299, %add3A_646 : i32
          %add3A_648 = vector.broadcast %add3A_647 : i32 to vector<16xi32>
          %add3A_649 = arith.addi %broadcast_in_dim3A_56, %add3A_648 : vector<16xi32>
          %gather3A_650 = tpu.vector_load_idx %arg10[%add3A_649, %add3A_645] : memref<1032x24xi32, #tpu.memory_space<vmem>>[vector<16xi32>, vector<16xi32>], vector<16xi32>,
          %slice3A_651 = vector.extract_strided_slice %get3A_300 {offsets = [12], sizes = [1], strides = [1]} : vector<16xi32> to vector<1xi32>
          %squeeze3A_652 = vector.extract %slice3A_651[0] : i32 from vector<1xi32>
          %ge3A_653 = arith.cmpi sge, %squeeze3A_652, %mul3A_2 : i32
          %lt3A_654 = arith.cmpi slt, %squeeze3A_652, %add3A_4 : i32
          %and3A_655 = arith.andi %ge3A_653, %lt3A_654 : i1
          %sub3A_656 = arith.subi %squeeze3A_652, %mul3A_2 : i32
          %jit3A_657 = arith.constant 1568 : i32
          %select_n3A_658 = arith.select %and3A_655, %sub3A_656, %jit3A_657 : i32
          %mul3A_659 = arith.constant 4 : i32
          %mul3A_660 = arith.muli %select_n3A_658, %mul3A_659 : i32
          %add3A_661 = vector.broadcast %mul3A_660 : i32 to vector<16xi32>
          %add3A_662 = arith.addi %broadcast_in_dim3A_56, %add3A_661 : vector<16xi32>
          %add3A_663 = arith.addi %add3A_662, %and3A_52 : vector<16xi32>
          %gather3A_664 = tpu.vector_load_idx %arg11[%add3A_663] : memref<6304xi32, #tpu.memory_space<vmem>>[vector<16xi32>], vector<16xi32>,
          %xor3A_665 = arith.xori %gather3A_664, %gather3A_650 : vector<16xi32>
          tpu.vector_store_idx %arg11[%add3A_663], %xor3A_665 masked %lt3A_55 : memref<6304xi32, #tpu.memory_space<vmem>>[vector<16xi32>], vector<16xi32>, vector<16xi1>
          %add3A_666 = arith.constant 13 : i32
          %add3A_667 = vector.broadcast %add3A_666 : i32 to vector<16xi32>
          %add3A_668 = arith.addi %broadcast_in_dim3A_56, %add3A_667 : vector<16xi32>
          %broadcast_in_dim3A_669 = vector.shape_cast %add3A_668 : vector<16xi32> to vector<16x1xi32>
          %gather3A_670 = vector.shape_cast %broadcast_in_dim3A_669 : vector<16x1xi32> to vector<16xi32>
          %gather3A_671 = tpu.dynamic_gather %mul3A_308[%gather3A_670] in [0] : vector<16xi32>, vector<16xi32> -> vector<16xi32>
          %add3A_672 = arith.addi %gather3A_671, %sub3A_37 : vector<16xi32>
          %add3A_673 = arith.constant 13 : i32
          %add3A_674 = arith.addi %mul3A_299, %add3A_673 : i32
          %add3A_675 = vector.broadcast %add3A_674 : i32 to vector<16xi32>
          %add3A_676 = arith.addi %broadcast_in_dim3A_56, %add3A_675 : vector<16xi32>
          %gather3A_677 = tpu.vector_load_idx %arg10[%add3A_676, %add3A_672] : memref<1032x24xi32, #tpu.memory_space<vmem>>[vector<16xi32>, vector<16xi32>], vector<16xi32>,
          %slice3A_678 = vector.extract_strided_slice %get3A_300 {offsets = [13], sizes = [1], strides = [1]} : vector<16xi32> to vector<1xi32>
          %squeeze3A_679 = vector.extract %slice3A_678[0] : i32 from vector<1xi32>
          %ge3A_680 = arith.cmpi sge, %squeeze3A_679, %mul3A_2 : i32
          %lt3A_681 = arith.cmpi slt, %squeeze3A_679, %add3A_4 : i32
          %and3A_682 = arith.andi %ge3A_680, %lt3A_681 : i1
          %sub3A_683 = arith.subi %squeeze3A_679, %mul3A_2 : i32
          %jit3A_684 = arith.constant 1568 : i32
          %select_n3A_685 = arith.select %and3A_682, %sub3A_683, %jit3A_684 : i32
          %mul3A_686 = arith.constant 4 : i32
          %mul3A_687 = arith.muli %select_n3A_685, %mul3A_686 : i32
          %add3A_688 = vector.broadcast %mul3A_687 : i32 to vector<16xi32>
          %add3A_689 = arith.addi %broadcast_in_dim3A_56, %add3A_688 : vector<16xi32>
          %add3A_690 = arith.addi %add3A_689, %and3A_52 : vector<16xi32>
          %gather3A_691 = tpu.vector_load_idx %arg11[%add3A_690] : memref<6304xi32, #tpu.memory_space<vmem>>[vector<16xi32>], vector<16xi32>,
          %xor3A_692 = arith.xori %gather3A_691, %gather3A_677 : vector<16xi32>
          tpu.vector_store_idx %arg11[%add3A_690], %xor3A_692 masked %lt3A_55 : memref<6304xi32, #tpu.memory_space<vmem>>[vector<16xi32>], vector<16xi32>, vector<16xi1>
          %add3A_693 = arith.constant 14 : i32
          %add3A_694 = vector.broadcast %add3A_693 : i32 to vector<16xi32>
          %add3A_695 = arith.addi %broadcast_in_dim3A_56, %add3A_694 : vector<16xi32>
          %broadcast_in_dim3A_696 = vector.shape_cast %add3A_695 : vector<16xi32> to vector<16x1xi32>
          %gather3A_697 = vector.shape_cast %broadcast_in_dim3A_696 : vector<16x1xi32> to vector<16xi32>
          %gather3A_698 = tpu.dynamic_gather %mul3A_308[%gather3A_697] in [0] : vector<16xi32>, vector<16xi32> -> vector<16xi32>
          %add3A_699 = arith.addi %gather3A_698, %sub3A_37 : vector<16xi32>
          %add3A_700 = arith.constant 14 : i32
          %add3A_701 = arith.addi %mul3A_299, %add3A_700 : i32
          %add3A_702 = vector.broadcast %add3A_701 : i32 to vector<16xi32>
          %add3A_703 = arith.addi %broadcast_in_dim3A_56, %add3A_702 : vector<16xi32>
          %gather3A_704 = tpu.vector_load_idx %arg10[%add3A_703, %add3A_699] : memref<1032x24xi32, #tpu.memory_space<vmem>>[vector<16xi32>, vector<16xi32>], vector<16xi32>,
          %slice3A_705 = vector.extract_strided_slice %get3A_300 {offsets = [14], sizes = [1], strides = [1]} : vector<16xi32> to vector<1xi32>
          %squeeze3A_706 = vector.extract %slice3A_705[0] : i32 from vector<1xi32>
          %ge3A_707 = arith.cmpi sge, %squeeze3A_706, %mul3A_2 : i32
          %lt3A_708 = arith.cmpi slt, %squeeze3A_706, %add3A_4 : i32
          %and3A_709 = arith.andi %ge3A_707, %lt3A_708 : i1
          %sub3A_710 = arith.subi %squeeze3A_706, %mul3A_2 : i32
          %jit3A_711 = arith.constant 1568 : i32
          %select_n3A_712 = arith.select %and3A_709, %sub3A_710, %jit3A_711 : i32
          %mul3A_713 = arith.constant 4 : i32
          %mul3A_714 = arith.muli %select_n3A_712, %mul3A_713 : i32
          %add3A_715 = vector.broadcast %mul3A_714 : i32 to vector<16xi32>
          %add3A_716 = arith.addi %broadcast_in_dim3A_56, %add3A_715 : vector<16xi32>
          %add3A_717 = arith.addi %add3A_716, %and3A_52 : vector<16xi32>
          %gather3A_718 = tpu.vector_load_idx %arg11[%add3A_717] : memref<6304xi32, #tpu.memory_space<vmem>>[vector<16xi32>], vector<16xi32>,
          %xor3A_719 = arith.xori %gather3A_718, %gather3A_704 : vector<16xi32>
          tpu.vector_store_idx %arg11[%add3A_717], %xor3A_719 masked %lt3A_55 : memref<6304xi32, #tpu.memory_space<vmem>>[vector<16xi32>], vector<16xi32>, vector<16xi1>
          %add3A_720 = arith.constant 15 : i32
          %add3A_721 = vector.broadcast %add3A_720 : i32 to vector<16xi32>
          %add3A_722 = arith.addi %broadcast_in_dim3A_56, %add3A_721 : vector<16xi32>
          %broadcast_in_dim3A_723 = vector.shape_cast %add3A_722 : vector<16xi32> to vector<16x1xi32>
          %gather3A_724 = vector.shape_cast %broadcast_in_dim3A_723 : vector<16x1xi32> to vector<16xi32>
          %gather3A_725 = tpu.dynamic_gather %mul3A_308[%gather3A_724] in [0] : vector<16xi32>, vector<16xi32> -> vector<16xi32>
          %add3A_726 = arith.addi %gather3A_725, %sub3A_37 : vector<16xi32>
          %add3A_727 = arith.constant 15 : i32
          %add3A_728 = arith.addi %mul3A_299, %add3A_727 : i32
          %add3A_729 = vector.broadcast %add3A_728 : i32 to vector<16xi32>
          %add3A_730 = arith.addi %broadcast_in_dim3A_56, %add3A_729 : vector<16xi32>
          %gather3A_731 = tpu.vector_load_idx %arg10[%add3A_730, %add3A_726] : memref<1032x24xi32, #tpu.memory_space<vmem>>[vector<16xi32>, vector<16xi32>], vector<16xi32>,
          %slice3A_732 = vector.extract_strided_slice %get3A_300 {offsets = [15], sizes = [1], strides = [1]} : vector<16xi32> to vector<1xi32>
          %squeeze3A_733 = vector.extract %slice3A_732[0] : i32 from vector<1xi32>
          %ge3A_734 = arith.cmpi sge, %squeeze3A_733, %mul3A_2 : i32
          %lt3A_735 = arith.cmpi slt, %squeeze3A_733, %add3A_4 : i32
          %and3A_736 = arith.andi %ge3A_734, %lt3A_735 : i1
          %sub3A_737 = arith.subi %squeeze3A_733, %mul3A_2 : i32
          %jit3A_738 = arith.constant 1568 : i32
          %select_n3A_739 = arith.select %and3A_736, %sub3A_737, %jit3A_738 : i32
          %mul3A_740 = arith.constant 4 : i32
          %mul3A_741 = arith.muli %select_n3A_739, %mul3A_740 : i32
          %add3A_742 = vector.broadcast %mul3A_741 : i32 to vector<16xi32>
          %add3A_743 = arith.addi %broadcast_in_dim3A_56, %add3A_742 : vector<16xi32>
          %add3A_744 = arith.addi %add3A_743, %and3A_52 : vector<16xi32>
          %gather3A_745 = tpu.vector_load_idx %arg11[%add3A_744] : memref<6304xi32, #tpu.memory_space<vmem>>[vector<16xi32>], vector<16xi32>,
          %xor3A_746 = arith.xori %gather3A_745, %gather3A_731 : vector<16xi32>
          tpu.vector_store_idx %arg11[%add3A_744], %xor3A_746 masked %lt3A_55 : memref<6304xi32, #tpu.memory_space<vmem>>[vector<16xi32>], vector<16xi32>, vector<16xi1>
          %cond3A_747 = arith.constant 0 : i32
          scf.yield %cond3A_747 : i32
        }
        %while3A_317 = arith.constant 0 : i32
        scf.yield %while3A_317 : i32
      }
      %while3A_295 = arith.constant 0 : i32
      scf.yield %while3A_295 : i32
    }
    %mul3A_136 = arith.constant 4 : i32
    %mul3A_137 = arith.muli %mul3A_2, %mul3A_136 : i32
    "tpu.region"() ({
      %run_scoped3A = tpu.sem_alloc : memref<!tpu.dma_semaphore, #tpu.memory_space<semaphore_mem>>
      %dma_start3A = arith.constant 0 : i32
      %dma_start3A_138 = tpu.memref_slice %arg11[%dma_start3A] : memref<6304xi32, #tpu.memory_space<vmem>> -> memref<6272xi32, #tpu.memory_space<vmem>>
      %dma_start3A_139 = tpu.memref_slice %arg5[%mul3A_137] : memref<200704xi32, #tpu.memory_space<hbm>> -> memref<6272xi32, #tpu.memory_space<hbm>>
      %dma_start3A_140 = tpu.memref_slice %arg5[%mul3A_137] : memref<200704xi32, #tpu.memory_space<hbm>> -> memref<6272xi32, #tpu.memory_space<hbm>>
      %dma_start3A_141 = arith.constant 0 : i32
      %dma_start3A_142 = tpu.memref_slice %arg11[%dma_start3A_141] : memref<6304xi32, #tpu.memory_space<vmem>> -> memref<6272xi32, #tpu.memory_space<vmem>>
      tpu.enqueue_dma source(%dma_start3A_142 : memref<6272xi32, #tpu.memory_space<vmem>>) target(%dma_start3A_140 : memref<6272xi32, #tpu.memory_space<hbm>>) target_semaphore(%run_scoped3A : memref<!tpu.dma_semaphore, #tpu.memory_space<semaphore_mem>>)
      %dma_wait3A = arith.constant 0 : i32
      %dma_wait3A_143 = tpu.memref_slice %arg11[%dma_wait3A] : memref<6304xi32, #tpu.memory_space<vmem>> -> memref<6272xi32, #tpu.memory_space<vmem>>
      %dma_wait3A_144 = tpu.memref_slice %arg5[%mul3A_137] : memref<200704xi32, #tpu.memory_space<hbm>> -> memref<6272xi32, #tpu.memory_space<hbm>>
      %dma_wait3A_145 = tpu.memref_slice %arg5[%mul3A_137] : memref<200704xi32, #tpu.memory_space<hbm>> -> memref<6272xi32, #tpu.memory_space<hbm>>
      %dma_wait3A_146 = arith.constant 0 : i32
      %dma_wait3A_147 = tpu.memref_slice %arg11[%dma_wait3A_146] : memref<6304xi32, #tpu.memory_space<vmem>> -> memref<6272xi32, #tpu.memory_space<vmem>>
      tpu.wait_dma2 semaphore(%run_scoped3A : memref<!tpu.dma_semaphore, #tpu.memory_space<semaphore_mem>>) src(%dma_wait3A_147 : memref<6272xi32, #tpu.memory_space<vmem>>) dst(%dma_wait3A_145 : memref<6272xi32, #tpu.memory_space<hbm>>)
      tpu.yield
    }) : () -> ()
    return
  }
}

</mosaic_0001>

<sc_bundles>
// kernel: kernel.3.cloned.1.call-start
scs
__scs_entry_jumppad:
0x0: {  	(pc) =	sbr.rel $0x88, $3  }
0x1: {  	(tag) =	ssettag $0x0;
	lr =	simm.s32 $0x1  }
0x2: {  	[smem:$0x3F9E] =	sst lr;
	_ =	strace $0xD0000000  }
0x3: {  	_ = 	snop  }
0x4: {  	_ = 	snop  }
0x5: {  	_ = 	snop  }
0x6: {  	_ = 	snop  }
0x7: {  	_ = 	snop  }
__scs_overlays_trampoline_lowered:
0x8: {  	[smem:$0x3FAD] =	sst s0  }
0x9: {  	[smem:$0x3FAE] =	sst s1  }
0xa: {  	[smem:$0x3FAF] =	sst s2  }
0xb: {  	[smem:$0x3FB0] =	sst s3  }
0xc: {  	[smem:$0x3FB1] =	sst s4  }
0xd: {  	[smem:$0x3FB2] =	sst s5  }
0xe: {  	[smem:$0x3FB3] =	sst s6  }
0xf: {  	[smem:$0x3FB4] =	sst s7  }
0x10: {  	[smem:$0x3FB5] =	sst s8  }
0x11: {  	[smem:$0x3FB6] =	sst s9;
	s0 =	simm.s32 @!p0 $0x0  }
0x12: {  	s1 =	sld [smem:$0x3F9C];
	s0 =	simm.s32 @p0 $0x1  }
0x13: {  	[smem:$0x3FB7] =	sst s0;
	s0 =	simm.s32 @!p1 $0x0  }
0x14: {  	s2 =	sld [smem:$0x3F9B];
	s0 =	simm.s32 @p1 $0x1  }
0x15: {  	[smem:$0x3FB8] =	sst s0;
	s0 =	simm.s32 @!p2 $0x0  }
0x16: {  	s3 =	sld [smem:$0x3FDB];
	s0 =	simm.s32 @p2 $0x1  }
0x17: {  	s4 =	simm.s32 $0x1BF5;
	[smem:$0x3FBA] =	sst s0  }
0x18: {  	s0 =	sld [smem:$0x3F9D];
	_ =	swait.ge [sflag:s4], $0x0  }
0x19: {  	s7 =	sld [smem:$0x3F9E]  }
0x1a: {  	s8 =	sadd.s32 $0xFFFFE003, lr  }
0x1b: {  	s9 =	sadd.s32 $0xFFFFFEF7, lr;
	s5 =	simm.s32 $0xFFFFFFFF;
	p2 =	slt.u32 s8, $0xFFFFF086  }
0x1c: {  	p1 =	slt.u32 s9, $0xF7A;
	s5 =	simm.s32 @!p2 $0x0  }
0x1d: {  	s5 =	simm.s32 @p1 $0x1;
	p0 =	seq.s32 s7, s2  }
0x1e: {  	s7 =	smul.u32 @!p0 $0xF7A, s2;
	p2 =	seq.s32 @!p0 s5, $0x0  }
0x1f: {  	s9 =	smul.u32 $0xF7A, s1;
	s8 =	simm.s32 @!p0 $0x1BF5;
	p2 =	por !p2, p0  }
0x20: {  	[sflag:s8] =	ssyncset.s32 @!p0 $0xFFFFF086;
	s6 =	sadd.s32 @!p0 s3, s7;
	s7 =	simm.s32 @!p0 $0x108  }
0x21: {  	s3 =	sadd.s32 s3, s9;
	s6 =	sadd.s32 @!p0 $0x88, s6;
	s7 =	simm.s32 @p2 $0x1082  }
0x22: {  	[simem:s7], [sflag:s8] =	dma.local @!p0 [hbm:s6], $0xF7A  }
0x23: {  	s9 =	sor.u32 $0xD0000000, s2;
	s6 =	simm.s32 $0x108;
	_ =	swait.ge @!p0 [sflag:s8], $0x0  }
0x24: {  	s3 =	sadd.s32 $0x88, s3;
	s6 =	simm.s32 @!p1 $0x1082;
	[sflag:s4] =	ssyncset.s32 $0xFFFFF086  }
0x25: {  	[simem:s6], [sflag:s4] =	dma.local [hbm:s3], $0xF7A  }
0x26: {  	[smem:$0x3F9E] =	sst s1;
	(tag) =	ssettag s2;
	_ =	strace s9  }
0x27: {  	s1 =	sld [smem:$0x3FAE]  }
0x28: {  	s2 =	sld [smem:$0x3FAF]  }
0x29: {  	s4 =	sld [smem:$0x3FB1]  }
0x2a: {  	p0 =	seq.s32 s5, $0x0;
	s5 =	sld [smem:$0x3FB2]  }
0x2b: {  	s6 =	sld [smem:$0x3FB3]  }
0x2c: {  	s7 =	sld [smem:$0x3FB4]  }
0x2d: {  	s3 =	simm.s32 $0x108;
	s8 =	sld [smem:$0x3FB5]  }
0x2e: {  	s3 =	simm.s32 @!p0 $0x1082;
	s9 =	sld [smem:$0x3FB6]  }
0x2f: {  	lr =	sadd.s32 s0, s3;
	s0 =	sld [smem:$0x3FAD]  }
0x30: {  	s3 =	sld [smem:$0x3FB0]  }
0x31: {  	[smem:$0x3FB9] =	sst s10  }
0x32: {  	s10 =	sld [smem:$0x3FB7];
	_ =	sdelay $0x3  }
0x33: {  	p0 =	seq.s32 s10, $0x1;
	s10 =	sld [smem:$0x3FB9];
	_ =	sdelay $0x3  }
0x34: {  	[smem:$0x3FB9] =	sst s10  }
0x35: {  	s10 =	sld [smem:$0x3FB8];
	_ =	sdelay $0x3  }
0x36: {  	p1 =	seq.s32 s10, $0x1;
	s10 =	sld [smem:$0x3FB9];
	_ =	sdelay $0x3  }
0x37: {  	[smem:$0x3FB9] =	sst s10  }
0x38: {  	s10 =	sld [smem:$0x3FBA]  }
0x39: {  	_ = 	snop;
	(pc) =	sbr.ind lr, $3  }
0x3a: {  	_ = 	snop  }
0x3b: {  	_ = 	snop  }
0x3c: {  	p2 =	seq.s32 s10, $0x1;
	s10 =	sld [smem:$0x3FB9]  }
0x3d: {  	_ =	shalt  }
0x3e: {  	_ =	shalt  }
0x3f: {  	_ =	shalt  }
0x40: {  	_ =	shalt  }
0x41: {  	_ =	shalt  }
0x42: {  	_ =	shalt  }
0x43: {  	_ =	shalt  }
0x44: {  	_ =	shalt  }
0x45: {  	_ =	shalt  }
0x46: {  	_ =	shalt  }
0x47: {  	_ =	shalt  }
0x48: {  	_ =	shalt  }
0x49: {  	_ =	shalt  }
0x4a: {  	_ =	shalt  }
0x4b: {  	_ =	shalt  }
0x4c: {  	_ =	shalt  }
0x4d: {  	_ =	shalt  }
0x4e: {  	_ =	shalt  }
0x4f: {  	_ =	shalt  }
0x50: {  	_ =	shalt  }
0x51: {  	_ =	shalt  }
0x52: {  	_ =	shalt  }
0x53: {  	_ =	shalt  }
0x54: {  	_ =	shalt  }
0x55: {  	_ =	shalt  }
0x56: {  	_ =	shalt  }
0x57: {  	_ =	shalt  }
0x58: {  	_ =	shalt  }
0x59: {  	_ =	shalt  }
0x5a: {  	_ =	shalt  }
0x5b: {  	_ =	shalt  }
0x5c: {  	_ =	shalt  }
0x5d: {  	_ =	shalt  }
0x5e: {  	_ =	shalt  }
0x5f: {  	_ =	shalt  }
0x60: {  	_ =	shalt  }
0x61: {  	_ =	shalt  }
0x62: {  	_ =	shalt  }
0x63: {  	_ =	shalt  }
0x64: {  	_ =	shalt  }
0x65: {  	_ =	shalt  }
0x66: {  	_ =	shalt  }
0x67: {  	_ =	shalt  }
0x68: {  	_ =	shalt  }
0x69: {  	_ =	shalt  }
0x6a: {  	_ =	shalt  }
0x6b: {  	_ =	shalt  }
0x6c: {  	_ =	shalt  }
0x6d: {  	_ =	shalt  }
0x6e: {  	_ =	shalt  }
0x6f: {  	_ =	shalt  }
0x70: {  	_ =	shalt  }
0x71: {  	_ =	shalt  }
0x72: {  	_ =	shalt  }
0x73: {  	_ =	shalt  }
0x74: {  	_ =	shalt  }
0x75: {  	_ =	shalt  }
0x76: {  	_ =	shalt  }
0x77: {  	_ =	shalt  }
0x78: {  	_ =	shalt  }
0x79: {  	_ =	shalt  }
0x7a: {  	_ =	shalt  }
0x7b: {  	_ =	shalt  }
0x7c: {  	_ =	shalt  }
0x7d: {  	_ =	shalt  }
0x7e: {  	_ =	shalt  }
0x7f: {  	_ =	shalt  }
0x80: {  	_ =	shalt  }
0x81: {  	_ =	shalt  }
0x82: {  	_ =	shalt  }
0x83: {  	_ =	shalt  }
0x84: {  	_ =	shalt  }
0x85: {  	_ =	shalt  }
0x86: {  	_ =	shalt  }
0x87: {  	_ =	shalt  }
.Lfunc_end0:
.L_simem_size_0:
called_computation_lowered:
.L_overlay_start_0:
0x88: {  	s2 =	sld [smem:$0x3FD9]  }
0x89: {  	s3 =	sld [smem:$0x3FFE];
	_ =	sdelay $0x1  }
0x8a: {  	s1 =	srdreg.scid  }
0x8b: {  	s0 =	sand.u32 $0x1, s1  }
0x8c: {  	s17 =	sshll.u32 s0, $0xA;
	s2 =	sadd.s32 s3, s2  }
0x8d: {  	s2 =	sadd.s32 s2, s17  }
0x8e: {  	[smem:$0x3FC5] =	sst s2  }
0x8f: {  	_ = 	snop  }
0x90: {  	s2 =	sld [smem:$0x3FD0];
	(tm) =	ssettm $0x1  }
0x91: {  	s18 =	sld [smem:$0x3FFB];
	_ =	sdelay $0x3  }
0x92: {  	_ =	strace s18  }
0x93: {  	s3 =	sld [smem:$0x3FFC];
	_ =	sdelay $0x3  }
0x94: {  	_ =	strace s3  }
0x95: {  	s3 =	sld [smem:$0x3FFD];
	_ =	sdelay $0x3  }
0x96: {  	_ =	strace s3  }
0x97: {  	_ =	strace $0x8FFFFFFF  }
0x98: {  	s19 =	sld [smem:$0x3FDB];
	_ =	sdelay $0x1  }
0x99: {  	s4 =	simm.s32 $_scs_section_size  }
0x9a: {  	s5 =	simm.s32 $_size__tile_overlayer_lowered;
	s6 =	simm.s32 $_tile_overlayer_lowered  }
0x9b: {  	s22 =	simm.s32 $0x1BFF;
	s21 =	sshll.u32 s6, $0x1;
	s3 =	sadd.s32 s4, s19  }
0x9c: {  	s7 =	simm.s32 $0x0;
	s20 =	sshll.u32 s5, $0x1;
	s5 =	sadd.s32 s21, s3  }
0x9d: {  	[timem:s7], [sflag:s22] =	dma.local [hbm:s5], s20  }
0x9e: {  	_ =	swait.ge [sflag:s22], s20  }
0x9f: {  	s4 =	ssub.s32 $0x0, s20;
	[sflag:s22] =	ssyncset.done $0x0  }
0xa0: {  	[sflag:s22] =	ssyncadd.s32 s4;
	_ =	sdelay $0x1  }
0xa1: {  	s23 =	simm.s32 $0x1B8B  }
0xa2: {  	_ =	swait.ge [sflag:s23], $0x1  }
0xa3: {  	[sflag:s23] =	ssyncset.done $0x0  }
0xa4: {  	s25 =	simm.s32 $0x1B8E;
	s24 =	sld [smem:$0x3FFE];
	[sflag:s23] =	ssyncadd.s32 $0xFFFFFFFF  }
0xa5: {  	s26 =	simm.s32 $execute0_lowered;
	[smem:$0x3FD2] =	sst s25  }
0xa6: {  	s5 =	sshll.u32 s26, $0x1;
	_ =	strace $0x80000046;
	[dreg:$0x1] =	wrdreg $0xFFFFFFFF  }
0xa7: {  	s28 =	simm.s32 $_size_execute0_lowered;
	s3 =	sadd.s32 s3, s5;
	[dreg:$0x0] =	wrdreg $0x0  }
0xa8: {  	s5 =	sshll.u32 s28, $0x1;
	[dreg:$0x2] =	wrdreg s3  }
0xa9: {  	[dreg:$0x3] =	wrdreg s5  }
0xaa: {  	[dreg:$0x4] =	wrdreg $0xC0  }
0xab: {  	_ =	task [dreg:s7], $0x5FFFF  }
0xac: {  	[dreg:$0x1] =	wrdreg $0xFFFFFFFF  }
0xad: {  	[dreg:$0x0] =	wrdreg $0x60  }
0xae: {  	[dreg:$0x2] =	wrdreg s24  }
0xaf: {  	[dreg:$0x3] =	wrdreg s2  }
0xb0: {  	[dreg:$0x4] =	wrdreg $0x0  }
0xb1: {  	[dreg:$0x5] =	wrdreg $0x9  }
0xb2: {  	_ =	task.clear_ibuf [dreg:s7], $0x6FFFF;
	_ =	strace $0x90000046  }
0xb3: {  	s29 =	simm.s32 $0x9;
	_ =	strace $0x80000048  }
0xb4: {  	_ =	swait.ge [sflag:s29], $0x1  }
0xb5: {  	[sflag:s29] =	ssyncadd.s32 $0xFFFFFFFF  }
0xb6: {  	_ =	strace $0x90000048  }
0xb7: {  	_ =	sfence  }
0xb8: {  	s30 =	sld [smem:$0x0];
	_ =	sdelay $0x2  }
0xb9: {  	s31 =	sshll.u32 s1, $0xD;
	s1 =	sshrl.u32 s1, $0x2  }
0xba: {  	s3 =	sand.u32 $0x4000, s31;
	s1 =	sadd.s32 s1, s30  }
0xbb: {  	s0 =	sor.u32 s3, s0;
	s1 =	sshll.u32 s1, $0x11  }
0xbc: {  	s0 =	sor.u32 s1, s0  }
0xbd: {  	s0 =	sadd.s32 $0x8F2B, s0  }
0xbe: {  	[sflag:s0] =	ssyncadd.remote.s32 $0x1  }
0xbf: {  	_ =	sfence.sel $0xFFFF  }
0xc0: {  	[dreg:$0x0] =	wrdreg $0xFFFFFFFF;
	(pc) =	sbr.abs _section_cstart, $3  }
0xc1: {  	[dreg:$0x1] =	wrdreg $0xFFFFFFFF  }
0xc2: {  	_ =	task.clear_ibuf [dreg:s7], $0x2FFFF;
	_ =	strace $0x9FFFFFFF  }
0xc3: {  	(tm) =	ssettm $0x7FFFFFFF  }
tec
execute0_lowered:
.L_overlay_start_1:
0x0: {  	(tag) =	ssettag $0x1  }
0x1: {  	v0 =	vimm.s32 $0xFEA540;
	vm0 =	vcmask $0x2F00;
	v2 =	vimm.s32 $0x24924924  }
0x2: {  	vm13 =	vcmask $0x3B30;
	v3 =	vimm.s32 $0x18000000;
	v4 =	vimm.s32 $0x30301818  }
0x3: {  	vm1 =	vcmask $0xF00;
	vm14 =	vcmask $0x1F10;
	v5 =	vimm.s32 $0x48484830  }
0x4: {  	vm15 =	vcmask $0x2F20;
	v6 =	vimm.s32 $0x66555444;
	v7 =	vimm.s32 $0xAA999888  }
0x5: {  	v8 =	vimm.s32 $0xEEDDDCCC;
	v9 =	vimm.s32 $0x210FEDCB;
	v10 =	vimm.s32 $0xA9876543  }
0x6: {  	v11 =	vimm.s32 $0x543210FE;
	v12 =	vimm.s32 $0xDCBA9876;
	v13 =	vlaneseq.u32  }
0x7: {  	s2 =	rddreg [dreg:$0x0];
	v14 =	vimm.s32 $0x4;
	v15 =	vimm.s32 $0x5;
	v16 =	vimm.s32 $0x6  }
0x8: {  	s0 =	rddreg [dreg:$0x1];
	v17 =	vimm.s32 $0x8;
	v18 =	vimm.s32 $0x9;
	v19 =	vimm.s32 $0xA  }
0x9: {  	s1 =	rddreg [dreg:$0x2];
	v20 =	vimm.s32 $0xB;
	v21 =	vimm.s32 $0xC;
	v22 =	vimm.s32 $0xD  }
0xa: {  	s13 =	stileid.u32;
	s3 =	srdreg.scid;
	v23 =	vimm.s32 $0xE;
	v24 =	vimm.s32 $0xF;
	v3 =	vunpack.c.0.s8.s32 v3  }
0xb: {  	s15 =	simm.s32 $0x1F398;
	s16 =	simm.s32 $0x2;
	s17 =	simm.s32 $0x1;
	v0 =	vunpack.c.l.s2.s4 v0;
	v2 =	vunpack.c.l.s2.s4 v2;
	v4 =	vunpack.c.0.s8.s32 v4  }
0xc: {  	s20 =	simm.s32 $0x80;
	s22 =	simm.s32 $0x17A38;
	s30 =	simm.s32 $0x17438;
	v7 =	vunpack.c.l.s4.s8 v7;
	v8 =	vunpack.c.l.s4.s8 v8;
	v3 =	vnsel vm1, $0x78, v3  }
0xd: {  	s31 =	simm.s32 $0x1AA38;
	s14 =	simm.s32 $0x0;
	s8 =	smul.u32 $0x16E30, s13;
	v3 =	vsel vm14, v4, v3;
	v4 =	vunpack.c.0.s8.s32 v5;
	v5 =	vimm.s32 $0x98887776  }
0xe: {  	s9 =	sand.u32 $0x1, s3;
	s4 =	sshll.u32 s13, $0x1;
	s3 =	simm.s32 $0x0;
	v9 =	vunpack.c.l.s4.s8 v9;
	v10 =	vunpack.c.l.s4.s8 v10;
	v5 =	vunpack.c.l.s4.s8 v5  }
0xf: {  	s6 =	sadd.s32 $0x2800, s2;
	p0 =	seq.s32 s13, $0xF;
	v11 =	vunpack.c.l.s4.s8 v11;
	s10 =	sor.u32 s9, s4;
	v3 =	vsel vm15, v4, v3;
	v4 =	vunpack.c.l.s4.s8 v6  }
0x10: {  	v12 =	vunpack.c.l.s4.s8 v12;
	[smem:$0x7FF] =	sst s3;
	s9 =	ssub.s32 $0x2, s9;
	v0 =	vunpack.c.l.s4.s8 v0;
	s5 =	sshrl.u32 s8, $0x3;
	v5 =	vunpack.c.0.s8.s32 v5  }
0x11: {  	v2 =	vunpack.c.l.s4.s8 v2;
	s4 =	smul.u32 $0x620, s10;
	_ =	strace $0x80000047;
	s12 =	sshrl.u32 s9, $0x1;
	v6 =	vimm.s32 $0xDCCCBBBA;
	v4 =	vunpack.c.0.s8.s32 v4  }
0x12: {  	s28 =	smul.u32 $0x310, s10;
	s8 =	sadd.s32 s8, s1;
	v8 =	vunpack.c.0.s8.s32 v8;
	s10 =	simm.s32 $0x175B8;
	v6 =	vunpack.c.l.s4.s8 v6;
	v5 =	vand.u32 $0xF, v5  }
0x13: {  	v9 =	vunpack.c.0.s8.s32 v9;
	s11 =	sadd.s32 s5, s2;
	s5 =	sadd.s32 $0x33600, s2;
	s2 =	sadd.s32 $0x7CE89A, s2;
	v0 =	vunpack.c.0.s8.s32 v0;
	v4 =	vcombine.low v4, v5  }
0x14: {  	s9 =	ssub.s32 s9, s12;
	s12 =	simm.s32 $0x1DAF8;
	s7 =	sadd.s32 $0x620, s4;
	v5 =	vunpack.c.0.s8.s32 v6;
	v6 =	vunpack.c.0.s8.s32 v7;
	v7 =	vimm.s32 $0x1000FFFE  }
0x15: {  	v10 =	vunpack.c.0.s8.s32 v10;
	v2 =	vunpack.c.0.s8.s32 v2;
	s11 =	sadd.s32 $0x7A3A00, s11;
	[dreg:$0x5] =	wrdreg s2;
	s0 =	sadd.s32 s0, s28;
	v7 =	vunpack.c.l.s4.s8 v7  }
0x16: {  	v11 =	vunpack.c.0.s8.s32 v11;
	v12 =	vunpack.c.0.s8.s32 v12;
	s29 =	smax.u32 s9, $0x1;
	s9 =	simm.s32 $0x1C238;
	[dreg:$0x4] =	wrdreg s11;
	v1 =	vand.u32 $0x3, v0  }
.Ltmp0:
0x17: {  	s11 =	sadd.s32 $0x1574D0, s1;
	[dreg:$0x6] =	wrdreg s0;
	v0 =	vimm.s32 $0x0;
	v2 =	vand.u32 $0x3, v2;
	v7 =	vunpack.c.0.s8.s32 v7;
	(pc) =	sbr.rel .LBB2_1-.Ltmp0, $4  }
0x18: {  	[dreg:$0x7] =	wrdreg s29;
	s0 =	sshll.u32 @!p0 s13, $0x6;
	v3 =	vsel vm13, $0x60, v3;
	s2 =	sshrl.u32 @p0 s11, $0x3;
	v1 =	vnsel vm0, $0x5, v1;
	v5 =	vcombine.low v6, v5  }
0x19: {  	s0 =	sor.u32 @!p0 $0x1C02, s0;
	s11 =	simm.s32 $0x1CE38;
	[dreg:$0x8] =	wrdreg s2;
	v1 =	vsel vm13, $0x4, v1;
	v6 =	vcombine.low v8, v7;
	v7 =	vcombine.low v10, v9  }
0x1a: {  	[dreg:$0x9] =	wrdreg s0;
	s0 =	sshrl.u32 @!p0 s8, $0x3;
	s2 =	simm.s32 $0x174B8;
	v8 =	vcombine.low v12, v11;
	v9 =	vand.u32 $0x3, v13;
	v10 =	vimm.s32 $0x7  }
0x1b: {  	s8 =	simm.s32 $0x17538;
	[dreg:$0xa] =	wrdreg s0;
	s0 =	simm.s32 $0x1B638;
	v11 =	vimm.s32 $0x1;
	v12 =	vimm.s32 $0x2;
	v13 =	vimm.s32 $0x3  }
.LBB2_16:
0x1c: {  	s13 =	rddreg [dreg:$0x6]  }
0x1d: {  	[hbm4b:s13+s3] =	stream.linear.scatter [tilespmem:s12], [sflag:$0x2], $0x1880, $0x38;
	[tilespmem:$0x1F3A8] =	vst v63  }
0x1e: {  	_ =	swait.ge [sflag:s16], $0x1880  }
0x1f: {  	s14 =	rddreg [dreg:$0xb]  }
0x20: {  	s29 =	rddreg [dreg:$0x7];
	s14 =	sadd.s32 $0x1, s14  }
0x21: {  	p1 =	sne.s32 s14, s29  }
.Ltmp1:
0x22: {  	_ = 	snop;
	(pc) =	sbr.rel @!p1 .LBB2_17-.Ltmp1, $3  }
0x23: {  	_ =	sdelay $0x1  }
0x24: {  	[sflag:s16] =	ssyncset.done $0x0  }
0x25: {  	[sflag:s16] =	ssyncadd.s32 $0xFFFFE780  }
.LBB2_1:
0x26: {  	[dreg:$0xb] =	wrdreg s14  }
0x27: {  	s14 =	rddreg [dreg:$0x5]  }
0x28: {  	s13 =	simm.s32 @p0 $0x1FC2;
	s18 =	rddreg [dreg:$0x8]  }
0x29: {  	[spmem:s18], [sflag:s13] =	dma.local @p0 [hbm:s14], $0x2DD2  }
0x2a: {  	s13 =	simm.s32 @p0 $0x2  }
0x2b: {  	_ =	swait.ge @p0 [sflag:s13], $0x2DD2  }
0x2c: {  	s14 =	rddreg [dreg:$0x9]  }
0x2d: {  	[sflag:s13] =	ssyncset.done @p0 $0x0;
	s18 =	rddreg [dreg:$0xa]  }
0x2e: {  	[sflag:s13] =	ssyncadd.s32 @p0 $0xFFFFD22E;
	s13 =	rddreg [dreg:$0x4]  }
0x2f: {  	[spmem:s18], [sflag:s14] =	dma.local @!p0 [hbm:s13], $0x2DC6  }
0x30: {  	s13 =	simm.s32 @!p0 $0x2  }
0x31: {  	_ =	swait.ge @!p0 [sflag:s13], $0x2DC6  }
0x32: {  	[sflag:s13] =	ssyncset.done @!p0 $0x0  }
0x33: {  	s14 =	simm.s32 $0x40;
	[sflag:s13] =	ssyncadd.s32 @!p0 $0xFFFFD23A  }
0x34: {  	s18 =	simm.s32 $0x0;
	s13 =	simm.s32 $0x186C00;
	[bflag:$0x0] =	sbarrier.arrive $0xFFFF  }
.LBB2_2:
0x35: {  	p1 =	sne.s32 s14, $0x6240;
	[tilespmem:s18+$0x1DAF8] =	vst v0;
	s18 =	smov.u32 s14;
	s14 =	sadd.s32 $0x40, s14  }
.Ltmp2:
0x36: {  	(pc) =	sbr.rel @p1 .LBB2_2-.Ltmp2, $2  }
0x37: {  	_ =	sdelay $0x2  }
0x38: {  	s18 =	sshra.s32 s18, $0x2  }
0x39: {  	s14 =	simm.s32 $0xC3600  }
0x3a: {  	s19 =	sand.u32 $0xFFFFFFF0, s14  }
0x3b: {  	s14 =	sshrl.u32 s19, $0x3  }
0x3c: {  	[tilespmem:s18+$0x1DAF8] =	vst v0;
	s18 =	simm.s32 $0x0;
	s21 =	sadd.s32 s6, s14  }
0x3d: {  	[tilespmem:s15], [sflag:$0x2] =	stream.linear.gather [hbm4b:s21+s18], $0x10, $0x38;
	[tilespmem:$0x1F3A8] =	vst v63  }
0x3e: {  	_ =	swait.ge [sflag:s16], $0x10  }
0x3f: {  	[sflag:s16] =	ssyncset.done $0x0  }
0x40: {  	[sflag:s16] =	ssyncadd.s32 $0xFFFFFFF0  }
0x41: {  	v25 =	vld [tilespmem:$0x1F398];
	_ =	sdelay $0x4  }
0x42: {  	(v2sf) =	vpush v25, $0x0;
	_ =	sdelay $0xd  }
0x43: {  	s23 =	simm.s32 $0x11  }
0x44: {  	p2 =	por $0x0, $0x0;
	s25 =	simm.s32 $0x186C00;
	s29 =	spop (v2sf)  }
0x45: {  	s24 =	simm.s32 $0x0;
	s14 =	smov.u32 s19;
	p1 =	sge.s32 s29, s4  }
0x46: {  	s26 =	simm.s32 $0x186C00;
	s14 =	smov.u32 @p1 s18;
	s25 =	smov.u32 @p1 s19  }
.LBB2_4:
0x47: {  	s28 =	smov.u32 s24;
	s24 =	smov.u32 s14  }
0x48: {  	p1 =	sne.s32 s23, $0x1;
	s25 =	smov.u32 @p2 s26;
	s24 =	smov.u32 @p2 s28  }
0x49: {  	s23 =	sadd.s32 $0xFFFFFFFF, s23;
	s14 =	sadd.s32 s24, s25;
	s26 =	ssub.s32 s25, s24  }
0x4a: {  	s14 =	sshra.s32 s14, $0x1  }
0x4b: {  	s28 =	sand.u32 $0xFFFFFFF0, s14  }
0x4c: {  	s14 =	sshrl.u32 s28, $0x3  }
0x4d: {  	s14 =	sadd.s32 s6, s14  }
0x4e: {  	[tilespmem:s15], [sflag:$0x2] =	stream.linear.gather [hbm4b:s14+s18], $0x10, $0x38;
	[tilespmem:$0x1F3A8] =	vst v63  }
0x4f: {  	_ =	swait.ge [sflag:s16], $0x10  }
0x50: {  	[sflag:s16] =	ssyncset.done $0x0  }
0x51: {  	[sflag:s16] =	ssyncadd.s32 $0xFFFFFFF0  }
0x52: {  	v25 =	vld [tilespmem:$0x1F398];
	_ =	sdelay $0x4  }
0x53: {  	(v2sf) =	vpush v25, $0x0;
	_ =	sdelay $0xd  }
.Ltmp3:
0x54: {  	(pc) =	sbr.rel @p1 .LBB2_4-.Ltmp3, $4  }
0x55: {  	s14 =	spop (v2sf)  }
0x56: {  	s29 =	smov.u32 s25;
	p3 =	sge.s32 s14, s4  }
0x57: {  	p2 =	slt.s32 s26, $0x11;
	s14 =	smov.u32 s28;
	s29 =	smov.u32 @p3 s28  }
0x58: {  	s26 =	smov.u32 s25;
	s14 =	smov.u32 @p3 s24;
	s25 =	smov.u32 s29  }
0x59: {  	[tilespmem:s15], [sflag:$0x2] =	stream.linear.gather [hbm4b:s21+s3], $0x10, $0x38;
	[tilespmem:$0x1F3A8] =	vst v63  }
0x5a: {  	_ =	swait.ge [sflag:s16], $0x10  }
0x5b: {  	[sflag:s16] =	ssyncset.done $0x0  }
0x5c: {  	[sflag:s16] =	ssyncadd.s32 $0xFFFFFFF0  }
0x5d: {  	v25 =	vld [tilespmem:$0x1F398];
	_ =	sdelay $0x4  }
0x5e: {  	(v2sf) =	vpush v25, $0x0;
	_ =	sdelay $0xe  }
0x5f: {  	s14 =	smov.u32 @p2 s24;
	s21 =	simm.s32 $0x11;
	s23 =	spop (v2sf)  }
0x60: {  	s24 =	simm.s32 $0x186C00;
	p1 =	sge.s32 s23, s7;
	s23 =	smov.u32 s19  }
0x61: {  	p2 =	por $0x0, $0x0;
	s23 =	smov.u32 @p1 s18;
	s24 =	smov.u32 @p1 s19  }
.LBB2_6:
0x62: {  	s19 =	smov.u32 s13;
	s13 =	smov.u32 s24  }
0x63: {  	p1 =	sne.s32 s21, $0x1;
	s23 =	smov.u32 @p2 s18;
	s13 =	smov.u32 @p2 s19  }
0x64: {  	s21 =	sadd.s32 $0xFFFFFFFF, s21;
	s18 =	sadd.s32 s23, s13;
	s19 =	ssub.s32 s13, s23  }
0x65: {  	s18 =	sshra.s32 s18, $0x1  }
0x66: {  	s18 =	sand.u32 $0xFFFFFFF0, s18  }
0x67: {  	s24 =	sshrl.u32 s18, $0x3  }
0x68: {  	s24 =	sadd.s32 s6, s24  }
0x69: {  	[tilespmem:s15], [sflag:$0x2] =	stream.linear.gather [hbm4b:s24+s3], $0x10, $0x38;
	[tilespmem:$0x1F3A8] =	vst v63  }
0x6a: {  	_ =	swait.ge [sflag:s16], $0x10  }
0x6b: {  	[sflag:s16] =	ssyncset.done $0x0  }
0x6c: {  	[sflag:s16] =	ssyncadd.s32 $0xFFFFFFF0  }
0x6d: {  	v25 =	vld [tilespmem:$0x1F398];
	_ =	sdelay $0x4  }
0x6e: {  	(v2sf) =	vpush v25, $0x0;
	_ =	sdelay $0xd  }
.Ltmp4:
0x6f: {  	(pc) =	sbr.rel @p1 .LBB2_6-.Ltmp4, $4  }
0x70: {  	s24 =	spop (v2sf)  }
0x71: {  	p2 =	slt.s32 s19, $0x11;
	s19 =	smov.u32 s18;
	p3 =	sge.s32 s24, s7  }
0x72: {  	s24 =	smov.u32 s13;
	s19 =	smov.u32 @p3 s23  }
0x73: {  	s24 =	smov.u32 @p3 s18;
	s18 =	smov.u32 s23;
	s23 =	smov.u32 s19  }
0x74: {  	s24 =	smov.u32 @p2 s13  }
0x75: {  	s13 =	ssub.s32 s24, s14  }
0x76: {  	s13 =	sadd.s32 $0x3FF, s13  }
0x77: {  	s18 =	sshra.s32 s13, $0x1F  }
0x78: {  	s18 =	sshrl.u32 s18, $0x16  }
0x79: {  	p1 =	slt.s32 s13, $0x1;
	s18 =	sadd.s32 s18, s13;
	s13 =	simm.s32 $0x1  }
0x7a: {  	s18 =	sshra.s32 s18, $0xA;
	s13 =	simm.s32 @!p1 $0x0  }
0x7b: {  	s13 =	ssub.s32 s18, s13  }
0x7c: {  	p1 =	slt.s32 s13, $0x1  }
.Ltmp5:
0x7d: {  	_ = 	snop;
	(pc) =	sbr.rel @!p1 .LBB2_8-.Ltmp5, $4  }
.Ltmp6:
0x7e: {  	_ = 	snop;
	(pc) =	sbr.rel @p1 .LBB2_16-.Ltmp6, $4  }
0x7f: {  	_ = 	snop  }
0x80: {  	_ = 	snop  }
0x81: {  	s19 =	simm.s32 $0x0;
	s29 =	simm.s32 $0x16E38;
	s18 =	simm.s32 $0x0  }
0x82: {  	_ = 	snop  }
.LBB2_15:
0x83: {  	s19 =	sadd.s32 $0x1, s19  }
0x84: {  	p1 =	sne.s32 s19, s13  }
.Ltmp7:
0x85: {  	_ = 	snop;
	(pc) =	sbr.rel @!p1 .LBB2_16-.Ltmp7, $1  }
0x86: {  	_ =	sdelay $0x3  }
.LBB2_8:
0x87: {  	s21 =	sshll.u32 s19, $0xA  }
0x88: {  	s21 =	sadd.s32 s14, s21  }
0x89: {  	s21 =	sshrl.u32 s21, $0x3  }
0x8a: {  	s23 =	sadd.s32 s5, s21  }
0x8b: {  	[tilespmem:s29], [sflag:$0x2] =	stream.linear.gather [hbm4b:s23+s18], $0x400, $0x38;
	[tilespmem:$0x1F3A8] =	vst v63  }
0x8c: {  	_ =	swait.ge [sflag:s16], $0x400  }
0x8d: {  	[sflag:s16] =	ssyncset.done $0x0  }
0x8e: {  	s28 =	simm.s32 $0x17638;
	s21 =	sadd.s32 s6, s21;
	[sflag:s16] =	ssyncadd.s32 $0xFFFFFC00  }
0x8f: {  	[tilespmem:s28], [sflag:$0x2] =	stream.linear.gather [hbm4b:s21+s18], $0x400, $0x38;
	[tilespmem:$0x1F3A8] =	vst v63  }
0x90: {  	_ =	swait.ge [sflag:s16], $0x400  }
0x91: {  	[sflag:s16] =	ssyncset.done $0x0  }
0x92: {  	s21 =	simm.s32 $0x0;
	[sflag:s16] =	ssyncadd.s32 $0xFFFFFC00  }
0x93: {  	s23 =	simm.s32 $0x40;
	v25 =	vld [tilespmem:s21+$0x16E38]  }
.LBB2_9:
0x94: {  	p1 =	sne.s32 s23, $0xFC0  }
.Ltmp8:
0x95: {  	_ = 	snop;
	(pc) =	sbr.rel @p1 .LBB2_9-.Ltmp8, $3  }
0x96: {  	_ =	sdelay $0x1  }
0x97: {  	s24 =	sshra.s32 s23, $0x2;
	s23 =	sadd.s32 $0x40, s23;
	v26 =	vshra.s32 v25, $0x3  }
0x98: {  	v25 =	vld [tilespmem:s24+$0x16E38];
	[tilespmem:s21+$0x17238] =	vst v26;
	s21 =	smov.u32 s24  }
0x99: {  	_ =	sdelay $0x3  }
0x9a: {  	v25 =	vshra.s32 v25, $0x3  }
0x9b: {  	s26 =	simm.s32 $0x17238;
	[tilespmem:s21+$0x17238] =	vst v25  }
0x9c: {  	[tilespmem:s22], [sflag:$0x1] =	stream.indirect.gather [spmem:s1], $0x18, s26, s20, $0xb8;
	[tilespmem:$0x1F3A8] =	vst v63  }
0x9d: {  	s28 =	simm.s32 $0x172B8;
	s23 =	simm.s32 $0x18638  }
0x9e: {  	[tilespmem:s23], [sflag:$0x1] =	stream.indirect.gather [spmem:s1], $0x18, s28, s20, $0xb8;
	[tilespmem:$0x1F3A8] =	vst v63  }
0x9f: {  	s24 =	simm.s32 $0x17338;
	s25 =	simm.s32 $0x19238  }
0xa0: {  	[tilespmem:s25], [sflag:$0x1] =	stream.indirect.gather [spmem:s1], $0x18, s24, s20, $0xb8;
	[tilespmem:$0x1F3A8] =	vst v63  }
0xa1: {  	s26 =	simm.s32 $0x173B8;
	s28 =	simm.s32 $0x19E38  }
0xa2: {  	[tilespmem:s28], [sflag:$0x1] =	stream.indirect.gather [spmem:s1], $0x18, s26, s20, $0xb8;
	[tilespmem:$0x1F3A8] =	vst v63  }
0xa3: {  	_ = 	snop  }
0xa4: {  	[tilespmem:s31], [sflag:$0x1] =	stream.indirect.gather [spmem:s1], $0x18, s30, s20, $0xb8;
	[tilespmem:$0x1F3A8] =	vst v63  }
0xa5: {  	_ = 	snop  }
0xa6: {  	[tilespmem:s0], [sflag:$0x1] =	stream.indirect.gather [spmem:s1], $0x18, s2, s20, $0xb8;
	[tilespmem:$0x1F3A8] =	vst v63  }
0xa7: {  	_ = 	snop  }
0xa8: {  	[tilespmem:s9], [sflag:$0x1] =	stream.indirect.gather [spmem:s1], $0x18, s8, s20, $0xb8;
	[tilespmem:$0x1F3A8] =	vst v63  }
0xa9: {  	_ = 	snop  }
0xaa: {  	[tilespmem:s11], [sflag:$0x1] =	stream.indirect.gather [spmem:s1], $0x18, s10, s20, $0xb8;
	[tilespmem:$0x1F3A8] =	vst v63  }
0xab: {  	_ =	swait.ge [sflag:s17], $0xC00  }
0xac: {  	[sflag:s17] =	ssyncset.done $0x0  }
0xad: {  	[sflag:s17] =	ssyncadd.s32 $0xFFFFF400  }
0xae: {  	_ =	swait.ge [sflag:s17], $0xC00  }
0xaf: {  	[sflag:s17] =	ssyncset.done $0x0  }
0xb0: {  	[sflag:s17] =	ssyncadd.s32 $0xFFFFF400  }
0xb1: {  	_ =	swait.ge [sflag:s17], $0xC00  }
0xb2: {  	[sflag:s17] =	ssyncset.done $0x0  }
0xb3: {  	[sflag:s17] =	ssyncadd.s32 $0xFFFFF400  }
0xb4: {  	_ =	swait.ge [sflag:s17], $0xC00  }
0xb5: {  	[sflag:s17] =	ssyncset.done $0x0  }
0xb6: {  	[sflag:s17] =	ssyncadd.s32 $0xFFFFF400  }
0xb7: {  	_ =	swait.ge [sflag:s17], $0xC00  }
0xb8: {  	[sflag:s17] =	ssyncset.done $0x0  }
0xb9: {  	[sflag:s17] =	ssyncadd.s32 $0xFFFFF400  }
0xba: {  	_ =	swait.ge [sflag:s17], $0xC00  }
0xbb: {  	[sflag:s17] =	ssyncset.done $0x0  }
0xbc: {  	[sflag:s17] =	ssyncadd.s32 $0xFFFFF400  }
0xbd: {  	_ =	swait.ge [sflag:s17], $0xC00  }
.Ltmp9:
0xbe: {  	[sflag:s17] =	ssyncset.done $0x0;
	(pc) =	sbr.rel .LBB2_11-.Ltmp9, $4  }
0xbf: {  	[sflag:s17] =	ssyncadd.s32 $0xFFFFF400  }
0xc0: {  	_ =	swait.ge [sflag:s17], $0xC00  }
0xc1: {  	s21 =	simm.s32 $0xF;
	[sflag:s17] =	ssyncset.done $0x0  }
0xc2: {  	s23 =	simm.s32 $0x17638;
	s24 =	simm.s32 $0x16E38;
	[sflag:s17] =	ssyncadd.s32 $0xFFFFF400  }
.LBB2_13:
0xc3: {  	(v2sf) =	vpush v26, $0x1;
	_ =	sdelay $0x6  }
0xc4: {  	v28 =	vperm.xlane v25, v0;
	s28 =	ssub.s32 s26, s4  }
0xc5: {  	p1 =	slt.s32 s26, s7;
	(v2sf) =	vpush v26, $0x2;
	s28 =	sshll.u32 s28, $0x2  }
0xc6: {  	p2 =	sge.s32 s26, s4;
	v28 =	vadd.s32 v2, v28;
	s28 =	simm.s32 @!p1 $0x1880  }
0xc7: {  	v29 =	vand.u32 $0xFFFFFFF8, v28;
	s28 =	simm.s32 @!p2 $0x1880  }
0xc8: {  	v28 =	vand.u32 $0x7, v28;
	v27 =	vadd.s32 v27, v29;
	v57 =	vor.u32 s28, v9  }
0xc9: {  	s28 =	sadd.s32 $0xFFFFFFF2, s21;
	v27 =	vor.u32 v28, v27  }
0xca: {  	v58 =	vmov s28  }
0xcb: {  	v30 =	vperm.xlane v25, v11;
	v29 =	vmul.u32 $0x18, v58  }
0xcc: {  	s26 =	spop (v2sf)  }
0xcd: {  	v30 =	vadd.s32 v2, v30;
	v29 =	vbroadcast v29, $0x0;
	v31 =	vld.idx.msk [tilespmem:v57+s12+$0x0], $0xffff;
	(v2sf) =	vpush v26, $0x3;
	s28 =	ssub.s32 s26, s4  }
0xce: {  	v32 =	vand.u32 $0xFFFFFFF8, v30;
	v27 =	vld.idx.msk [tilespmem:v27+s22+$0x0], $0xffff;
	p1 =	slt.s32 s26, s7;
	s28 =	sshll.u32 s28, $0x2  }
0xcf: {  	v30 =	vand.u32 $0x7, v30;
	v29 =	vadd.s32 v29, v32;
	p2 =	sge.s32 s26, s4;
	s28 =	simm.s32 @!p1 $0x1880  }
0xd0: {  	v29 =	vor.u32 v30, v29;
	s28 =	simm.s32 @!p2 $0x1880  }
0xd1: {  	v59 =	vor.u32 s28, v9;
	s28 =	sadd.s32 $0xFFFFFFF3, s21  }
0xd2: {  	v60 =	vmov s28  }
0xd3: {  	v61 =	vperm.xlane v25, v12;
	v27 =	vxor.u32 v27, v31;
	v32 =	vmul.u32 $0x18, v60  }
0xd4: {  	[tilespmem:v57+s12+$0x0] =	vst.idx.msk $0xf, v27;
	s26 =	spop (v2sf)  }
0xd5: {  	v62 =	vadd.s32 v2, v61;
	(v2sf) =	vpush v26, $0x4;
	v27 =	vld.idx.msk [tilespmem:v29+s22+$0x0], $0xffff;
	s28 =	ssub.s32 s26, s4;
	v63 =	vbroadcast v32, $0x0  }
0xd6: {  	v37 =	vand.u32 $0xFFFFFFF8, v62;
	p1 =	slt.s32 s26, s7;
	s28 =	sshll.u32 s28, $0x2;
	v36 =	vld.idx.msk [tilespmem:v59+s12+$0x0], $0xffff  }
0xd7: {  	v28 =	vand.u32 $0x7, v62;
	p2 =	sge.s32 s26, s4;
	s28 =	simm.s32 @!p1 $0x1880;
	v29 =	vadd.s32 v63, v37  }
0xd8: {  	s28 =	simm.s32 @!p2 $0x1880;
	v28 =	vor.u32 v28, v29  }
0xd9: {  	v38 =	vor.u32 s28, v9;
	s28 =	sadd.s32 $0xFFFFFFF4, s21  }
0xda: {  	v39 =	vmov s28  }
0xdb: {  	v40 =	vperm.xlane v25, v13;
	v32 =	vmul.u32 $0x18, v39;
	v27 =	vxor.u32 v27, v36  }
0xdc: {  	s26 =	spop (v2sf);
	[tilespmem:v59+s12+$0x0] =	vst.idx.msk $0xf, v27  }
0xdd: {  	v41 =	vadd.s32 v2, v40;
	v42 =	vbroadcast v32, $0x0;
	(v2sf) =	vpush v26, $0x5;
	s28 =	ssub.s32 s26, s4;
	v27 =	vld.idx.msk [tilespmem:v28+s22+$0x0], $0xffff  }
0xde: {  	v44 =	vand.u32 $0xFFFFFFF8, v41;
	p1 =	slt.s32 s26, s7;
	v43 =	vld.idx.msk [tilespmem:v38+s12+$0x0], $0xffff;
	s28 =	sshll.u32 s28, $0x2  }
0xdf: {  	v30 =	vadd.s32 v42, v44;
	p2 =	sge.s32 s26, s4;
	v28 =	vand.u32 $0x7, v41;
	s28 =	simm.s32 @!p1 $0x1880  }
0xe0: {  	v28 =	vor.u32 v28, v30;
	s28 =	simm.s32 @!p2 $0x1880  }
0xe1: {  	v45 =	vor.u32 s28, v9;
	s28 =	sadd.s32 $0xFFFFFFF5, s21  }
0xe2: {  	v46 =	vmov s28  }
0xe3: {  	v47 =	vperm.xlane v25, v14;
	v27 =	vxor.u32 v27, v43;
	v32 =	vmul.u32 $0x18, v46  }
0xe4: {  	s26 =	spop (v2sf);
	[tilespmem:v38+s12+$0x0] =	vst.idx.msk $0xf, v27  }
0xe5: {  	v48 =	vadd.s32 v2, v47;
	(v2sf) =	vpush v26, $0x6;
	s28 =	ssub.s32 s26, s4;
	v27 =	vld.idx.msk [tilespmem:v28+s22+$0x0], $0xffff;
	v49 =	vbroadcast v32, $0x0  }
0xe6: {  	v51 =	vand.u32 $0xFFFFFFF8, v48;
	p1 =	slt.s32 s26, s7;
	s28 =	sshll.u32 s28, $0x2;
	v50 =	vld.idx.msk [tilespmem:v45+s12+$0x0], $0xffff  }
0xe7: {  	p2 =	sge.s32 s26, s4;
	s28 =	simm.s32 @!p1 $0x1880;
	v28 =	vand.u32 $0x7, v48;
	v29 =	vadd.s32 v49, v51  }
0xe8: {  	s28 =	simm.s32 @!p2 $0x1880;
	v28 =	vor.u32 v28, v29  }
0xe9: {  	v52 =	vor.u32 s28, v9;
	s28 =	sadd.s32 $0xFFFFFFF6, s21  }
0xea: {  	v53 =	vmov s28  }
0xeb: {  	v54 =	vperm.xlane v25, v15;
	v32 =	vmul.u32 $0x18, v53;
	v27 =	vxor.u32 v27, v50  }
0xec: {  	s26 =	spop (v2sf);
	[tilespmem:v45+s12+$0x0] =	vst.idx.msk $0xf, v27  }
0xed: {  	v55 =	vadd.s32 v2, v54;
	v56 =	vbroadcast v32, $0x0;
	(v2sf) =	vpush v26, $0x7;
	s28 =	ssub.s32 s26, s4;
	v27 =	vld.idx.msk [tilespmem:v28+s22+$0x0], $0xffff  }
0xee: {  	v58 =	vand.u32 $0xFFFFFFF8, v55;
	p1 =	slt.s32 s26, s7;
	v57 =	vld.idx.msk [tilespmem:v52+s12+$0x0], $0xffff;
	s28 =	sshll.u32 s28, $0x2  }
0xef: {  	v30 =	vadd.s32 v56, v58;
	p2 =	sge.s32 s26, s4;
	v28 =	vand.u32 $0x7, v55;
	s28 =	simm.s32 @!p1 $0x1880  }
0xf0: {  	v28 =	vor.u32 v28, v30;
	s28 =	simm.s32 @!p2 $0x1880  }
0xf1: {  	v59 =	vor.u32 s28, v9;
	s28 =	sadd.s32 $0xFFFFFFF7, s21  }
0xf2: {  	v60 =	vmov s28  }
0xf3: {  	v61 =	vperm.xlane v25, v16;
	v27 =	vxor.u32 v27, v57;
	v32 =	vmul.u32 $0x18, v60  }
0xf4: {  	s26 =	spop (v2sf);
	[tilespmem:v52+s12+$0x0] =	vst.idx.msk $0xf, v27  }
0xf5: {  	v62 =	vadd.s32 v2, v61;
	(v2sf) =	vpush v26, $0x8;
	s28 =	ssub.s32 s26, s4;
	v27 =	vld.idx.msk [tilespmem:v28+s22+$0x0], $0xffff;
	v63 =	vbroadcast v32, $0x0  }
0xf6: {  	v37 =	vand.u32 $0xFFFFFFF8, v62;
	p1 =	slt.s32 s26, s7;
	s28 =	sshll.u32 s28, $0x2;
	v36 =	vld.idx.msk [tilespmem:v59+s12+$0x0], $0xffff  }
0xf7: {  	p2 =	sge.s32 s26, s4;
	s28 =	simm.s32 @!p1 $0x1880;
	v28 =	vand.u32 $0x7, v62;
	v29 =	vadd.s32 v63, v37  }
0xf8: {  	s28 =	simm.s32 @!p2 $0x1880;
	v28 =	vor.u32 v28, v29  }
0xf9: {  	v38 =	vor.u32 s28, v9;
	s28 =	sadd.s32 $0xFFFFFFF8, s21  }
0xfa: {  	v39 =	vmov s28  }
0xfb: {  	v40 =	vperm.xlane v25, v10;
	v32 =	vmul.u32 $0x18, v39;
	v27 =	vxor.u32 v27, v36  }
0xfc: {  	s26 =	spop (v2sf);
	[tilespmem:v59+s12+$0x0] =	vst.idx.msk $0xf, v27  }
0xfd: {  	v41 =	vadd.s32 v2, v40;
	v42 =	vbroadcast v32, $0x0;
	(v2sf) =	vpush v26, $0x9;
	s28 =	ssub.s32 s26, s4;
	v27 =	vld.idx.msk [tilespmem:v28+s22+$0x0], $0xffff  }
0xfe: {  	v44 =	vand.u32 $0xFFFFFFF8, v41;
	p1 =	slt.s32 s26, s7;
	v43 =	vld.idx.msk [tilespmem:v38+s12+$0x0], $0xffff;
	s28 =	sshll.u32 s28, $0x2  }
0xff: {  	v30 =	vadd.s32 v42, v44;
	p2 =	sge.s32 s26, s4;
	v28 =	vand.u32 $0x7, v41;
	s28 =	simm.s32 @!p1 $0x1880  }
0x100: {  	v28 =	vor.u32 v28, v30;
	s28 =	simm.s32 @!p2 $0x1880  }
0x101: {  	v45 =	vor.u32 s28, v9;
	s28 =	sadd.s32 $0xFFFFFFF9, s21  }
0x102: {  	v46 =	vmov s28  }
0x103: {  	v47 =	vperm.xlane v25, v17;
	v27 =	vxor.u32 v27, v43;
	v32 =	vmul.u32 $0x18, v46  }
0x104: {  	s26 =	spop (v2sf);
	[tilespmem:v38+s12+$0x0] =	vst.idx.msk $0xf, v27  }
0x105: {  	v48 =	vadd.s32 v2, v47;
	(v2sf) =	vpush v26, $0xA;
	s28 =	ssub.s32 s26, s4;
	v27 =	vld.idx.msk [tilespmem:v28+s22+$0x0], $0xffff;
	v49 =	vbroadcast v32, $0x0  }
0x106: {  	v51 =	vand.u32 $0xFFFFFFF8, v48;
	p1 =	slt.s32 s26, s7;
	s28 =	sshll.u32 s28, $0x2;
	v50 =	vld.idx.msk [tilespmem:v45+s12+$0x0], $0xffff  }
0x107: {  	p2 =	sge.s32 s26, s4;
	s28 =	simm.s32 @!p1 $0x1880;
	v28 =	vand.u32 $0x7, v48;
	v29 =	vadd.s32 v49, v51  }
0x108: {  	s28 =	simm.s32 @!p2 $0x1880;
	v28 =	vor.u32 v28, v29  }
0x109: {  	v52 =	vor.u32 s28, v9;
	s28 =	sadd.s32 $0xFFFFFFFA, s21  }
0x10a: {  	v53 =	vmov s28  }
0x10b: {  	v54 =	vperm.xlane v25, v18;
	v32 =	vmul.u32 $0x18, v53;
	v27 =	vxor.u32 v27, v50  }
0x10c: {  	s26 =	spop (v2sf);
	[tilespmem:v45+s12+$0x0] =	vst.idx.msk $0xf, v27  }
0x10d: {  	v55 =	vadd.s32 v2, v54;
	v56 =	vbroadcast v32, $0x0;
	(v2sf) =	vpush v26, $0xB;
	s28 =	ssub.s32 s26, s4;
	v27 =	vld.idx.msk [tilespmem:v28+s22+$0x0], $0xffff  }
0x10e: {  	v58 =	vand.u32 $0xFFFFFFF8, v55;
	p1 =	slt.s32 s26, s7;
	v57 =	vld.idx.msk [tilespmem:v52+s12+$0x0], $0xffff;
	s28 =	sshll.u32 s28, $0x2  }
0x10f: {  	v30 =	vadd.s32 v56, v58;
	p2 =	sge.s32 s26, s4;
	v28 =	vand.u32 $0x7, v55;
	s28 =	simm.s32 @!p1 $0x1880  }
0x110: {  	v28 =	vor.u32 v28, v30;
	s28 =	simm.s32 @!p2 $0x1880  }
0x111: {  	v59 =	vor.u32 s28, v9;
	s28 =	sadd.s32 $0xFFFFFFFB, s21  }
0x112: {  	v60 =	vmov s28  }
0x113: {  	v61 =	vperm.xlane v25, v19;
	v27 =	vxor.u32 v27, v57;
	v32 =	vmul.u32 $0x18, v60  }
0x114: {  	s26 =	spop (v2sf);
	[tilespmem:v52+s12+$0x0] =	vst.idx.msk $0xf, v27  }
0x115: {  	v62 =	vadd.s32 v2, v61;
	(v2sf) =	vpush v26, $0xC;
	s28 =	ssub.s32 s26, s4;
	v27 =	vld.idx.msk [tilespmem:v28+s22+$0x0], $0xffff;
	v63 =	vbroadcast v32, $0x0  }
0x116: {  	v37 =	vand.u32 $0xFFFFFFF8, v62;
	p1 =	slt.s32 s26, s7;
	s28 =	sshll.u32 s28, $0x2;
	v36 =	vld.idx.msk [tilespmem:v59+s12+$0x0], $0xffff  }
0x117: {  	p2 =	sge.s32 s26, s4;
	s28 =	simm.s32 @!p1 $0x1880;
	v28 =	vand.u32 $0x7, v62;
	v29 =	vadd.s32 v63, v37  }
0x118: {  	s28 =	simm.s32 @!p2 $0x1880;
	v28 =	vor.u32 v28, v29  }
0x119: {  	v38 =	vor.u32 s28, v9;
	s28 =	sadd.s32 $0xFFFFFFFC, s21  }
0x11a: {  	v39 =	vmov s28  }
0x11b: {  	v40 =	vperm.xlane v25, v20;
	v32 =	vmul.u32 $0x18, v39;
	v27 =	vxor.u32 v27, v36  }
0x11c: {  	s26 =	spop (v2sf);
	[tilespmem:v59+s12+$0x0] =	vst.idx.msk $0xf, v27  }
0x11d: {  	v41 =	vadd.s32 v2, v40;
	v42 =	vbroadcast v32, $0x0;
	(v2sf) =	vpush v26, $0xD;
	s28 =	ssub.s32 s26, s4;
	v27 =	vld.idx.msk [tilespmem:v28+s22+$0x0], $0xffff  }
0x11e: {  	v44 =	vand.u32 $0xFFFFFFF8, v41;
	p1 =	slt.s32 s26, s7;
	v43 =	vld.idx.msk [tilespmem:v38+s12+$0x0], $0xffff;
	s28 =	sshll.u32 s28, $0x2  }
0x11f: {  	v30 =	vadd.s32 v42, v44;
	p2 =	sge.s32 s26, s4;
	v28 =	vand.u32 $0x7, v41;
	s28 =	simm.s32 @!p1 $0x1880  }
0x120: {  	v28 =	vor.u32 v28, v30;
	s28 =	simm.s32 @!p2 $0x1880  }
0x121: {  	v45 =	vor.u32 s28, v9;
	s28 =	sadd.s32 $0xFFFFFFFD, s21  }
0x122: {  	v46 =	vmov s28  }
0x123: {  	v47 =	vperm.xlane v25, v21;
	v27 =	vxor.u32 v27, v43;
	v32 =	vmul.u32 $0x18, v46  }
0x124: {  	s26 =	spop (v2sf);
	[tilespmem:v38+s12+$0x0] =	vst.idx.msk $0xf, v27  }
0x125: {  	v48 =	vadd.s32 v2, v47;
	(v2sf) =	vpush v26, $0xE;
	s28 =	ssub.s32 s26, s4;
	v27 =	vld.idx.msk [tilespmem:v28+s22+$0x0], $0xffff;
	v49 =	vbroadcast v32, $0x0  }
0x126: {  	v31 =	vand.u32 $0xFFFFFFF8, v48;
	p1 =	slt.s32 s26, s7;
	s28 =	sshll.u32 s28, $0x2;
	v26 =	vld.idx.msk [tilespmem:v45+s12+$0x0], $0xffff  }
0x127: {  	p2 =	sge.s32 s26, s4;
	s28 =	simm.s32 @!p1 $0x1880;
	v28 =	vand.u32 $0x7, v48;
	v29 =	vadd.s32 v49, v31  }
0x128: {  	s28 =	simm.s32 @!p2 $0x1880;
	v28 =	vor.u32 v28, v29  }
0x129: {  	v50 =	vor.u32 s28, v9;
	s28 =	sadd.s32 $0xFFFFFFFE, s21  }
0x12a: {  	v51 =	vmov s28  }
0x12b: {  	v31 =	vmul.u32 $0x18, v51;
	v26 =	vxor.u32 v27, v26;
	v27 =	vperm.xlane v25, v22  }
0x12c: {  	s26 =	spop (v2sf);
	[tilespmem:v45+s12+$0x0] =	vst.idx.msk $0xf, v26  }
0x12d: {  	v52 =	vbroadcast v31, $0x0;
	s28 =	ssub.s32 s26, s4;
	v26 =	vld.idx.msk [tilespmem:v28+s22+$0x0], $0xffff;
	v27 =	vadd.s32 v2, v27  }
0x12e: {  	p1 =	slt.s32 s26, s7;
	v30 =	vld.idx.msk [tilespmem:v50+s12+$0x0], $0xffff;
	s28 =	sshll.u32 s28, $0x2;
	v53 =	vand.u32 $0xFFFFFFF8, v27  }
0x12f: {  	p2 =	sge.s32 s26, s4;
	v27 =	vand.u32 $0x7, v27;
	s28 =	simm.s32 @!p1 $0x1880;
	v28 =	vadd.s32 v52, v53  }
0x130: {  	s28 =	simm.s32 @!p2 $0x1880;
	v27 =	vor.u32 v27, v28  }
0x131: {  	v54 =	vor.u32 s28, v9;
	s28 =	sadd.s32 $0xFFFFFFFF, s21  }
0x132: {  	v55 =	vmov s28  }
0x133: {  	v56 =	vperm.xlane v25, v23;
	v26 =	vxor.u32 v26, v30;
	v31 =	vmul.u32 $0x18, v55  }
0x134: {  	s26 =	spop (v2sf);
	[tilespmem:v50+s12+$0x0] =	vst.idx.msk $0xf, v26  }
0x135: {  	s28 =	ssub.s32 s26, s4;
	v57 =	vbroadcast v31, $0x0;
	v26 =	vld.idx.msk [tilespmem:v27+s22+$0x0], $0xffff;
	v27 =	vadd.s32 v2, v56  }
0x136: {  	p1 =	slt.s32 s26, s7;
	s28 =	sshll.u32 s28, $0x2;
	v58 =	vld.idx.msk [tilespmem:v54+s12+$0x0], $0xffff;
	v59 =	vand.u32 $0xFFFFFFF8, v27  }
0x137: {  	p2 =	sge.s32 s26, s4;
	s28 =	simm.s32 @!p1 $0x1880;
	v27 =	vand.u32 $0x7, v27;
	v29 =	vadd.s32 v57, v59  }
0x138: {  	s28 =	simm.s32 @!p2 $0x1880;
	v27 =	vor.u32 v27, v29  }
0x139: {  	v60 =	vor.u32 s28, v9  }
0x13a: {  	v61 =	vmov s21  }
0x13b: {  	v62 =	vmul.u32 $0x18, v61;
	v25 =	vperm.xlane v25, v24;
	v26 =	vxor.u32 v26, v58  }
0x13c: {  	[tilespmem:v54+s12+$0x0] =	vst.idx.msk $0xf, v26  }
0x13d: {  	v25 =	vadd.s32 v2, v25;
	s28 =	ssub.s32 s25, s4;
	v26 =	vld.idx.msk [tilespmem:v27+s22+$0x0], $0xffff;
	v27 =	vbroadcast v62, $0x0  }
0x13e: {  	v63 =	vand.u32 $0xFFFFFFF8, v25;
	p1 =	slt.s32 s25, s7;
	s26 =	sshll.u32 s28, $0x2;
	v28 =	vld.idx.msk [tilespmem:v60+s12+$0x0], $0xffff  }
0x13f: {  	v25 =	vand.u32 $0x7, v25;
	p2 =	sge.s32 s25, s4;
	s26 =	simm.s32 @!p1 $0x1880;
	v27 =	vadd.s32 v27, v63  }
0x140: {  	s26 =	simm.s32 @!p2 $0x1880;
	v25 =	vor.u32 v25, v27  }
0x141: {  	v27 =	vor.u32 s26, v9;
	_ =	sdelay $0x1  }
0x142: {  	v26 =	vxor.u32 v26, v28  }
0x143: {  	[tilespmem:v60+s12+$0x0] =	vst.idx.msk $0xf, v26  }
0x144: {  	v25 =	vld.idx.msk [tilespmem:v25+s22+$0x0], $0xffff  }
0x145: {  	v26 =	vld.idx.msk [tilespmem:v27+s12+$0x0], $0xffff;
	_ =	sdelay $0x4  }
0x146: {  	v25 =	vxor.u32 v25, v26  }
0x147: {  	[tilespmem:v27+s12+$0x0] =	vst.idx.msk $0xf, v25  }
.LBB2_14:
0x148: {  	s21 =	sadd.s32 $0x10, s21  }
0x149: {  	p1 =	sne.s32 s21, $0x40F  }
.Ltmp10:
0x14a: {  	_ = 	snop;
	(pc) =	sbr.rel @!p1 .LBB2_15-.Ltmp10, $2  }
0x14b: {  	_ =	sdelay $0x2  }
0x14c: {  	s23 =	sadd.s32 $0x10, s23;
	s24 =	sadd.s32 $0x10, s24  }
.LBB2_11:
0x14d: {  	v26 =	vld [tilespmem:s23+$0x0];
	_ =	sdelay $0x4  }
0x14e: {  	(v2sf) =	vpush v26, $0x0  }
0x14f: {  	(v2sf) =	vpush v26, $0xF;
	_ =	sdelay $0xd  }
0x150: {  	s25 =	sadd.s32 $0xFFFFFFF1, s21;
	s26 =	spop (v2sf)  }
0x151: {  	v25 =	vld [tilespmem:s24+$0x0];
	v27 =	vmov s25;
	s25 =	spop (v2sf)  }
0x152: {  	p1 =	sne.s32 s26, s25  }
.Ltmp11:
0x153: {  	_ = 	snop;
	(pc) =	sbr.rel @p1 .LBB2_13-.Ltmp11, $4  }
0x154: {  	_ = 	snop  }
0x155: {  	v27 =	vmul.u32 $0x18, v27  }
0x156: {  	v25 =	vand.u32 $0x7, v25  }
0x157: {  	v27 =	vbroadcast v27, $0x0;
	v25 =	vmul.u32 $0x3, v25  }
0x158: {  	_ = 	snop  }
0x159: {  	s25 =	sadd.s32 $0xFFFFFFF5, s21;
	s28 =	sadd.s32 $0xFFFFFFF9, s21;
	v26 =	vperm.xlane v25, v1  }
0x15a: {  	v28 =	vmov s25;
	v29 =	vperm.xlane v25, v4;
	v31 =	vmov s28  }
0x15b: {  	v33 =	vperm.xlane v25, v5;
	s28 =	sadd.s32 $0xFFFFFFFD, s21;
	v25 =	vperm.xlane v25, v6;
	v28 =	vmul.u32 $0x18, v28  }
0x15c: {  	v31 =	vmul.u32 $0x18, v31;
	v58 =	vmov s28;
	v26 =	vadd.s32 v2, v26  }
0x15d: {  	v29 =	vadd.s32 v2, v29;
	v57 =	vadd.s32 v2, v33;
	v25 =	vadd.s32 v2, v25  }
0x15e: {  	v30 =	vand.u32 $0xFFFFFFF8, v26;
	v26 =	vand.u32 $0x7, v26;
	v28 =	vbroadcast v28, $0x0  }
0x15f: {  	v32 =	vand.u32 $0xFFFFFFF8, v29;
	v29 =	vand.u32 $0x7, v29;
	v31 =	vbroadcast v31, $0x0  }
0x160: {  	v33 =	vand.u32 $0xFFFFFFF8, v57;
	v28 =	vadd.s32 v32, v28;
	v32 =	vmul.u32 $0x18, v58  }
0x161: {  	v60 =	vand.u32 $0x7, v57;
	v62 =	vand.u32 $0xFFFFFFF8, v25;
	v27 =	vadd.s32 v27, v30  }
0x162: {  	v25 =	vand.u32 $0x7, v25;
	v26 =	vadd.s32 v26, v27;
	v61 =	vbroadcast v32, $0x0  }
0x163: {  	v59 =	vadd.s32 v33, v31;
	v27 =	vor.u32 v29, v28;
	v26 =	vadd.s32 v3, v26  }
0x164: {  	v28 =	vor.u32 v60, v59;
	v27 =	vadd.s32 v3, v27;
	v29 =	vadd.s32 v62, v61  }
0x165: {  	v28 =	vadd.s32 v3, v28;
	v25 =	vor.u32 v25, v29  }
0x166: {  	v25 =	vadd.s32 v3, v25;
	_ =	sdelay $0x1  }
0x167: {  	s28 =	ssub.s32 s26, s4;
	v26 =	vld.idx.msk [tilespmem:v26+s22+$0x0], $0xffff  }
0x168: {  	p1 =	slt.s32 s26, s7;
	s25 =	sshll.u32 s28, $0x2;
	v27 =	vld.idx.msk [tilespmem:v27+s22+$0x0], $0xffff  }
0x169: {  	p2 =	sge.s32 s26, s4;
	s25 =	simm.s32 @!p1 $0x1880;
	v28 =	vld.idx.msk [tilespmem:v28+s22+$0x0], $0xffff  }
0x16a: {  	s25 =	simm.s32 @!p2 $0x1880;
	v25 =	vld.idx.msk [tilespmem:v25+s22+$0x0], $0xffff  }
0x16b: {  	v63 =	vor.u32 s25, v9;
	_ =	sdelay $0x1  }
0x16c: {  	v26 =	vxor.u32 v26, v27  }
0x16d: {  	v26 =	vxor.u32 v28, v26  }
0x16e: {  	v25 =	vxor.u32 v25, v26  }
0x16f: {  	v27 =	vld.idx.msk [tilespmem:v63+s12+$0x0], $0xffff;
	v26 =	vperm.xlane v25, v7;
	_ =	sdelay $0x1  }
0x170: {  	v25 =	vxor.u32 v26, v25  }
.Ltmp12:
0x171: {  	v26 =	vperm.xlane v25, v8;
	(pc) =	sbr.rel .LBB2_14-.Ltmp12, $4  }
0x172: {  	_ = 	snop  }
0x173: {  	v26 =	vxor.u32 v27, v26  }
0x174: {  	v25 =	vxor.u32 v25, v26  }
0x175: {  	[tilespmem:v63+s12+$0x0] =	vst.idx.msk $0xf, v25  }
.LBB2_17:
0x176: {  	_ =	sfence.sel $0x180000  }
0x177: {  	[bflag:$0x0] =	sbarrier.arrive $0xFFFF  }
0x178: {  	_ =	strace $0x90000047  }
0x179: {  	s0 =	stileid.u32;
	[bflag:$0x2] =	sbarrier.arrive $0xFFFF  }
0x17a: {  	p0 =	sne.s32 s0, $0x0;
	s0 =	rddreg [dreg:$0x3]  }
0x17b: {  	s0 =	sadd.s32 @!p0 $0x100000, s0  }
0x17c: {  	[sflag:s0] =	ssyncadd.tile.s32 @!p0 $0x1;
	_ =	shalt  }
.Lfunc_end2:
_tile_overlayer_lowered:
.L_overlay_start_2:
0x17d: {  	(tag) =	ssettag $0x2  }
0x17e: {  	s0 =	rddreg [dreg:$0x0];
	s2 =	stileid.u32  }
0x17f: {  	s1 =	rddreg [dreg:$0x1];
	p0 =	sne.s32 s2, $0x0  }
0x180: {  	s3 =	rddreg [dreg:$0x2];
	[bflag:$0x3] =	sbarrier.arrive $0xFFFF;
	s2 =	simm.s32 @!p0 $0x1C02  }
0x181: {  	[timem:s3], [sflag:s2] =	dma.local @!p0 [hbm:s0], s1  }
0x182: {  	s0 =	simm.s32 @!p0 $0x2  }
0x183: {  	_ =	swait.ge @!p0 [sflag:s0], s1  }
0x184: {  	s1 =	ssub.s32 @!p0 $0x0, s1;
	[sflag:s0] =	ssyncset.done @!p0 $0x0  }
0x185: {  	[sflag:s0] =	ssyncadd.s32 @!p0 s1  }
0x186: {  	[bflag:$0x3] =	sbarrier.arrive $0xFFFF  }
0x187: {  	_ =	shalt  }

</sc_bundles>
